<compile_context>
chip_gen: v7x
topology: tpu7x:2x2x1
jax: 0.10.2.dev20260603
libtpu: 0.0.44.dev20260713+nightly
codegen_flags: <defaults>
</compile_context>

<pallas_src>
import functools

import jax
import jax.numpy as jnp
import numpy as np
from jax import lax
from jax.experimental import pallas as pl
from jax.experimental.pallas import tpu as pltpu
from jax.experimental.pallas import tpu_sc as plsc

N = 10000
E = 320000
D1 = 128
D2 = 40

NC = 2
NS = 16
NW = NC * NS
E_PER_W = E // NW
ROWS_PER_TILE = 624
REM_ROWS = N - NS * ROWS_PER_TILE

_CHUNK = {128: 40, 40: 40}
_NBUF = {128: 5, 40: 10}


@functools.lru_cache(maxsize=None)
def _make_sc_segsum(D):
    CHUNK = _CHUNK[D]
    NBUF = _NBUF[D]
    NCHUNK = E_PER_W // CHUNK
    mesh = plsc.VectorSubcoreMesh(core_axis_name="c", subcore_axis_name="s",
                                  num_cores=NC, num_subcores=NS)

    @functools.partial(
        pl.kernel,
        out_type=(
            jax.ShapeDtypeStruct((N, D), jnp.float32),
            jax.ShapeDtypeStruct((N, D), jnp.float32),
        ),
        mesh=mesh,
        compiler_params=pltpu.CompilerParams(use_tc_tiling_on_sc=False),
        scratch_types=[
            pltpu.VMEM((NCHUNK, CHUNK), jnp.int32),
            pltpu.VMEM((NCHUNK, CHUNK), jnp.int32),
            [pltpu.VMEM((CHUNK, D), jnp.float32) for _ in range(NBUF)],
            pltpu.VMEM_SHARED((N, D), jnp.float32),
            [pltpu.SemaphoreType.DMA for _ in range(NBUF)],
            [pltpu.SemaphoreType.DMA for _ in range(NBUF)],
            pltpu.SemaphoreType.DMA,
            pltpu.SemaphoreType.DMA,
        ],
    )
    def segsum(y_hbm, ei_hbm, zeros_hbm, out0, out1,
               src_v, dst_v, rows, acc, gsem, ssem, sem, zsem):
        c = lax.axis_index("c")
        s = lax.axis_index("s")
        wid = s * NC + c
        cbase = wid * NCHUNK

        pltpu.async_copy(ei_hbm.at[0, pl.ds(cbase, NCHUNK)], src_v, sem)
        pltpu.async_copy(ei_hbm.at[1, pl.ds(cbase, NCHUNK)], dst_v, sem)

        rbase = s * ROWS_PER_TILE
        pltpu.async_copy(zeros_hbm.at[pl.ds(rbase, ROWS_PER_TILE)],
                         acc.at[pl.ds(rbase, ROWS_PER_TILE)], zsem)

        @pl.when(s == 0)
        def _():
            pltpu.async_copy(zeros_hbm.at[pl.ds(NS * ROWS_PER_TILE, REM_ROWS)],
                             acc.at[pl.ds(NS * ROWS_PER_TILE, REM_ROWS)], zsem)

        pltpu.make_async_copy(ei_hbm.at[0, pl.ds(cbase, NCHUNK)], src_v,
                              sem).wait()
        pltpu.make_async_copy(ei_hbm.at[1, pl.ds(cbase, NCHUNK)], dst_v,
                              sem).wait()

        for b in range(NBUF - 1):
            pltpu.async_copy(y_hbm.at[src_v.at[b]], rows[b], gsem[b])

        pltpu.make_async_copy(zeros_hbm.at[pl.ds(rbase, ROWS_PER_TILE)],
                              acc.at[pl.ds(rbase, ROWS_PER_TILE)], zsem).wait()

        @pl.when(s == 0)
        def _():
            pltpu.make_async_copy(
                zeros_hbm.at[pl.ds(NS * ROWS_PER_TILE, REM_ROWS)],
                acc.at[pl.ds(NS * ROWS_PER_TILE, REM_ROWS)], zsem).wait()

        plsc.subcore_barrier()

        pltpu.make_async_copy(y_hbm.at[src_v.at[0]], rows[0], gsem[0]).wait()
        pltpu.async_copy(rows[0], acc.at[dst_v.at[0]], ssem[0], add=True)
        pltpu.async_copy(y_hbm.at[src_v.at[NBUF - 1]], rows[NBUF - 1],
                         gsem[NBUF - 1])

        @pl.loop(1, NCHUNK - NBUF + 1, step=NBUF)
        def _(j):
            for t in range(NBUF):
                i = j + t
                b = (1 + t) % NBUF
                nb = (b + NBUF - 1) % NBUF
                pltpu.make_async_copy(y_hbm.at[src_v.at[i]], rows[b],
                                      gsem[b]).wait()
                pltpu.async_copy(rows[b], acc.at[dst_v.at[i]], ssem[b],
                                 add=True)
                pltpu.make_async_copy(rows[nb], acc.at[dst_v.at[i - 1]],
                                      ssem[nb]).wait()
                pltpu.async_copy(y_hbm.at[src_v.at[i + NBUF - 1]], rows[nb],
                                 gsem[nb])

        for i in range(NCHUNK - NBUF + 1, NCHUNK):
            b = i % NBUF
            pltpu.make_async_copy(y_hbm.at[src_v.at[i]], rows[b],
                                  gsem[b]).wait()
            pltpu.async_copy(rows[b], acc.at[dst_v.at[i]], ssem[b], add=True)

        for b in range(NBUF):
            i = NCHUNK - NBUF + b
            pltpu.make_async_copy(rows[b], acc.at[dst_v.at[i]],
                                  ssem[b]).wait()
        plsc.subcore_barrier()

        @pl.when(c == 0)
        def _():
            pltpu.sync_copy(acc.at[pl.ds(rbase, ROWS_PER_TILE)],
                            out0.at[pl.ds(rbase, ROWS_PER_TILE)])

            @pl.when(s == 0)
            def _():
                pltpu.sync_copy(acc.at[pl.ds(NS * ROWS_PER_TILE, REM_ROWS)],
                                out0.at[pl.ds(NS * ROWS_PER_TILE, REM_ROWS)])

        @pl.when(c == 1)
        def _():
            pltpu.sync_copy(acc.at[pl.ds(rbase, ROWS_PER_TILE)],
                            out1.at[pl.ds(rbase, ROWS_PER_TILE)])

            @pl.when(s == 0)
            def _():
                pltpu.sync_copy(acc.at[pl.ds(NS * ROWS_PER_TILE, REM_ROWS)],
                                out1.at[pl.ds(NS * ROWS_PER_TILE, REM_ROWS)])

    return segsum


_CB_ROWS = 312


@functools.lru_cache(maxsize=None)
def _make_sc_combine():
    mesh = plsc.VectorSubcoreMesh(core_axis_name="c", subcore_axis_name="s",
                                  num_cores=NC, num_subcores=NS)

    @functools.partial(
        pl.kernel,
        out_type=jax.ShapeDtypeStruct((N, D2), jnp.float32),
        mesh=mesh,
        compiler_params=pltpu.CompilerParams(use_tc_tiling_on_sc=False),
        scratch_types=[
            pltpu.VMEM((_CB_ROWS, D2), jnp.float32),
            pltpu.VMEM((_CB_ROWS, D2), jnp.float32),
            pltpu.VMEM((_CB_ROWS, D2), jnp.float32),
            pltpu.VMEM((D2,), jnp.float32),
            [pltpu.SemaphoreType.DMA for _ in range(3)],
        ],
    )
    def combine(y_hbm, q0_hbm, q1_hbm, b_hbm, out_hbm, yv, q0v, q1v, bv,
                sems):
        c = lax.axis_index("c")
        s = lax.axis_index("s")
        wid = s * NC + c

        pltpu.sync_copy(b_hbm, bv)
        segs = [(0, bv[pl.ds(0, 16)]), (16, bv[pl.ds(16, 16)]),
                (24, bv[pl.ds(24, 16)])]

        def do_block(r0, nrows):
            pltpu.async_copy(y_hbm.at[pl.ds(r0, nrows)], yv.at[pl.ds(0, nrows)], sems[0])
            pltpu.async_copy(q0_hbm.at[pl.ds(r0, nrows)], q0v.at[pl.ds(0, nrows)], sems[1])
            pltpu.async_copy(q1_hbm.at[pl.ds(r0, nrows)], q1v.at[pl.ds(0, nrows)], sems[2])
            pltpu.make_async_copy(y_hbm.at[pl.ds(r0, nrows)], yv.at[pl.ds(0, nrows)], sems[0]).wait()
            pltpu.make_async_copy(q0_hbm.at[pl.ds(r0, nrows)], q0v.at[pl.ds(0, nrows)], sems[1]).wait()
            pltpu.make_async_copy(q1_hbm.at[pl.ds(r0, nrows)], q1v.at[pl.ds(0, nrows)], sems[2]).wait()

            def row(i, carry):
                vals = [(off,
                         yv[i, pl.ds(off, 16)] + q0v[i, pl.ds(off, 16)]
                         + q1v[i, pl.ds(off, 16)] + bseg)
                        for off, bseg in segs]
                for off, v in vals:
                    yv[i, pl.ds(off, 16)] = v
                return carry

            lax.fori_loop(0, nrows, row, 0)
            pltpu.sync_copy(yv.at[pl.ds(0, nrows)],
                            out_hbm.at[pl.ds(r0, nrows)])

        do_block(wid * _CB_ROWS, _CB_ROWS)

        @pl.when(wid == 0)
        def _():
            do_block(NW * _CB_ROWS, N - NW * _CB_ROWS)

    return combine


_BLK = 2000


def _fuse_body(x_ref, p0_ref, p1_ref, w1_ref, b1_ref, w2_ref, o_ref):
    s = x_ref[...] + p0_ref[...] + p1_ref[...]
    z = jnp.dot(s, w1_ref[...], preferred_element_type=jnp.float32)
    z = jnp.maximum(z + b1_ref[...], 0.0)
    o_ref[...] = jnp.dot(z, w2_ref[...], preferred_element_type=jnp.float32)


def _tc_fuse_matmul(x, p0, p1, w1, b1, w2):
    m, k = x.shape
    n = w2.shape[1]
    return pl.pallas_call(
        _fuse_body,
        grid=(m // _BLK,),
        in_specs=[
            pl.BlockSpec((_BLK, k), lambda i: (i, 0)),
            pl.BlockSpec((_BLK, k), lambda i: (i, 0)),
            pl.BlockSpec((_BLK, k), lambda i: (i, 0)),
            pl.BlockSpec((k, k), lambda i: (0, 0)),
            pl.BlockSpec((1, k), lambda i: (0, 0)),
            pl.BlockSpec((k, n), lambda i: (0, 0)),
        ],
        out_specs=pl.BlockSpec((_BLK, n), lambda i: (i, 0)),
        out_shape=jax.ShapeDtypeStruct((m, n), jnp.float32),
    )(x, p0, p1, w1, b1, w2)


def kernel(features, edge_index, W1, b1, W2, b2):
    ei3 = edge_index.reshape(2, E // _CHUNK[D1], _CHUNK[D1])
    z1 = jnp.asarray(np.zeros((N, D1), np.float32))
    z2 = jnp.asarray(np.zeros((N, D2), np.float32))
    b1r = b1.reshape(1, D1)

    p0, p1 = _make_sc_segsum(D1)(features, ei3, z1)
    y2 = _tc_fuse_matmul(features, p0, p1, W1, b1r, W2)
    q0, q1 = _make_sc_segsum(D2)(y2, ei3, z2)
    return _make_sc_combine()(y2, q0, q1, b2)

# --- scband reference (transcript-rebuilt; emitter-appended) ---
"""Pipeline reference for scband-ginnet-89034672046615 (READ-ONLY COPY).

The authoritative reference and input builder live on the scoring server;
editing this copy changes nothing except your own understanding.
"""

import jax, jax.numpy as jnp
import numpy as np

N_NODES = 10000
N_EDGES = 320000
IN_FEATS = 128
N_HIDDEN = 128
N_CLASSES = 40
EPS = 0.0

def setup_inputs(seed: int = 0) -> dict:
    key = jax.random.key(seed)
    k1, k2, k3, k4, k5, k6 = jax.random.split(key, 6)
    features = jax.random.normal(k1, (N_NODES, IN_FEATS), dtype=jnp.float32)
    edge_index = jax.random.randint(k2, (2, N_EDGES), 0, N_NODES, dtype=jnp.int64 if jax.config.read('jax_enable_x64') else jnp.int32).astype(jnp.int32)
    # GIN layer 1: Linear(in_feats, n_hidden)
    W1 = jax.random.normal(k3, (IN_FEATS, N_HIDDEN), dtype=jnp.float32) * (1.0 / np.sqrt(IN_FEATS))
    b1 = jnp.zeros((N_HIDDEN,), dtype=jnp.float32)
    # GIN layer 2: Linear(n_hidden, n_classes)
    W2 = jax.random.normal(k4, (N_HIDDEN, N_CLASSES), dtype=jnp.float32) * (1.0 / np.sqrt(N_HIDDEN))
    b2 = jnp.zeros((N_CLASSES,), dtype=jnp.float32)
    return {"features": features, "edge_index": edge_index, "W1": W1, "b1": b1, "W2": W2, "b2": b2}

def _gin_conv(x, edge_index, W, b):
    src = edge_index[0]
    dst = edge_index[1]
    # sum aggregation of neighbor features (scatter-add)
    agg = jax.ops.segment_sum(x[src], dst, num_segments=N_NODES)
    h = (1.0 + EPS) * x + agg
    return h @ W + b

def reference(features, edge_index, W1, b1, W2, b2):
    h = _gin_conv(features, edge_index, W1, b1)
    h = jax.nn.relu(h)
    # dropout p=0.5 is identity in eval mode (training=False)
    h = _gin_conv(h, edge_index, W2, b2)
    return h

if __name__ == "__main__":
    import jax
    _d = setup_inputs()
    print(jax.jit(kernel)(*tuple(_d.values())))

</pallas_src>

<mosaic_0001>
#map = affine_map<(d0, d1) -> (0, 0)>
#map1 = affine_map<(d0, d1) -> (0, 0, 0)>
module attributes {stable_mosaic.version = 14 : i64} {
  func.func @segsum(%arg0: i32, %arg1: i32, %arg2: memref<10000x128xf32, #tpu.memory_space<hbm>>, %arg3: memref<2x8000x40xi32, #tpu.memory_space<hbm>>, %arg4: memref<10000x128xf32, #tpu.memory_space<hbm>>, %arg5: memref<10000x128xf32, #tpu.memory_space<hbm>>, %arg6: memref<10000x128xf32, #tpu.memory_space<hbm>>, %arg7: memref<250x40xi32, #tpu.memory_space<vmem>>, %arg8: memref<250x40xi32, #tpu.memory_space<vmem>>, %arg9: memref<40x128xf32, #tpu.memory_space<vmem>>, %arg10: memref<40x128xf32, #tpu.memory_space<vmem>>, %arg11: memref<40x128xf32, #tpu.memory_space<vmem>>, %arg12: memref<40x128xf32, #tpu.memory_space<vmem>>, %arg13: memref<40x128xf32, #tpu.memory_space<vmem>>, %arg14: memref<10000x128xf32, #tpu.memory_space<vmem_shared>>, %arg15: memref<!tpu.dma_semaphore, #tpu.memory_space<semaphore_mem>>, %arg16: memref<!tpu.dma_semaphore, #tpu.memory_space<semaphore_mem>>, %arg17: memref<!tpu.dma_semaphore, #tpu.memory_space<semaphore_mem>>, %arg18: memref<!tpu.dma_semaphore, #tpu.memory_space<semaphore_mem>>, %arg19: memref<!tpu.dma_semaphore, #tpu.memory_space<semaphore_mem>>, %arg20: memref<!tpu.dma_semaphore, #tpu.memory_space<semaphore_mem>>, %arg21: memref<!tpu.dma_semaphore, #tpu.memory_space<semaphore_mem>>, %arg22: memref<!tpu.dma_semaphore, #tpu.memory_space<semaphore_mem>>, %arg23: memref<!tpu.dma_semaphore, #tpu.memory_space<semaphore_mem>>, %arg24: memref<!tpu.dma_semaphore, #tpu.memory_space<semaphore_mem>>, %arg25: memref<!tpu.dma_semaphore, #tpu.memory_space<semaphore_mem>>, %arg26: memref<!tpu.dma_semaphore, #tpu.memory_space<semaphore_mem>>) attributes {dimension_semantics = [#tpu.dimension_semantics<core_parallel>, #tpu.dimension_semantics<subcore_parallel>], iteration_bounds = array<i64: 2, 16>, scalar_prefetch = 0 : i64, scratch_operands = 20 : i64, tpu.core_type = #tpu.core_type<sc_vector_subcore>, window_params = [{transform_indices = #map}, {transform_indices = #map1}, {transform_indices = #map}, {transform_indices = #map}, {transform_indices = #map}]} {
    %mul3A = arith.constant 2 : i32
    %mul3A_0 = arith.muli %arg1, %mul3A : i32
    %add3A = arith.addi %mul3A_0, %arg0 : i32
    %mul3A_1 = arith.constant 250 : i32
    %mul3A_2 = arith.muli %add3A, %mul3A_1 : i32
    %dma_start3A = arith.constant 0 : i32
    %dma_start3A_3 = arith.constant 0 : i32
    %dma_start3A_4 = tpu.memref_slice %arg3[%dma_start3A, %mul3A_2, %dma_start3A_3] : memref<2x8000x40xi32, #tpu.memory_space<hbm>> -> memref<1x250x40xi32, #tpu.memory_space<hbm>>
    %dma_start3A_5 = tpu.memref_squeeze %dma_start3A_4 : memref<1x250x40xi32, #tpu.memory_space<hbm>> -> memref<250x40xi32, #tpu.memory_space<hbm>>
    %dma_start3A_6 = arith.constant 0 : i32
    %dma_start3A_7 = tpu.memref_slice %arg3[%dma_start3A, %mul3A_2, %dma_start3A_6] : memref<2x8000x40xi32, #tpu.memory_space<hbm>> -> memref<1x250x40xi32, #tpu.memory_space<hbm>>
    %dma_start3A_8 = tpu.memref_squeeze %dma_start3A_7 : memref<1x250x40xi32, #tpu.memory_space<hbm>> -> memref<250x40xi32, #tpu.memory_space<hbm>>
    tpu.enqueue_dma source(%dma_start3A_8 : memref<250x40xi32, #tpu.memory_space<hbm>>) target(%arg7 : memref<250x40xi32, #tpu.memory_space<vmem>>) target_semaphore(%arg25 : memref<!tpu.dma_semaphore, #tpu.memory_space<semaphore_mem>>)
    %dma_start3A_9 = arith.constant 1 : i32
    %dma_start3A_10 = arith.constant 0 : i32
    %dma_start3A_11 = tpu.memref_slice %arg3[%dma_start3A_9, %mul3A_2, %dma_start3A_10] : memref<2x8000x40xi32, #tpu.memory_space<hbm>> -> memref<1x250x40xi32, #tpu.memory_space<hbm>>
    %dma_start3A_12 = tpu.memref_squeeze %dma_start3A_11 : memref<1x250x40xi32, #tpu.memory_space<hbm>> -> memref<250x40xi32, #tpu.memory_space<hbm>>
    %dma_start3A_13 = arith.constant 0 : i32
    %dma_start3A_14 = tpu.memref_slice %arg3[%dma_start3A_9, %mul3A_2, %dma_start3A_13] : memref<2x8000x40xi32, #tpu.memory_space<hbm>> -> memref<1x250x40xi32, #tpu.memory_space<hbm>>
    %dma_start3A_15 = tpu.memref_squeeze %dma_start3A_14 : memref<1x250x40xi32, #tpu.memory_space<hbm>> -> memref<250x40xi32, #tpu.memory_space<hbm>>
    tpu.enqueue_dma source(%dma_start3A_15 : memref<250x40xi32, #tpu.memory_space<hbm>>) target(%arg8 : memref<250x40xi32, #tpu.memory_space<vmem>>) target_semaphore(%arg25 : memref<!tpu.dma_semaphore, #tpu.memory_space<semaphore_mem>>)
    %mul3A_16 = arith.constant 624 : i32
    %mul3A_17 = arith.muli %arg1, %mul3A_16 : i32
    %dma_start3A_18 = arith.constant 0 : i32
    %dma_start3A_19 = tpu.memref_slice %arg14[%mul3A_17, %dma_start3A_18] : memref<10000x128xf32, #tpu.memory_space<vmem_shared>> -> memref<624x128xf32, #tpu.memory_space<vmem_shared>>
    %dma_start3A_20 = arith.constant 0 : i32
    %dma_start3A_21 = tpu.memref_slice %arg4[%mul3A_17, %dma_start3A_20] : memref<10000x128xf32, #tpu.memory_space<hbm>> -> memref<624x128xf32, #tpu.memory_space<hbm>>
    tpu.enqueue_dma source(%dma_start3A_21 : memref<624x128xf32, #tpu.memory_space<hbm>>) target(%dma_start3A_19 : memref<624x128xf32, #tpu.memory_space<vmem_shared>>) target_semaphore(%arg26 : memref<!tpu.dma_semaphore, #tpu.memory_space<semaphore_mem>>)
    %eq3A = arith.constant 0 : i32
    %eq3A_22 = arith.cmpi eq, %arg1, %eq3A : i32
    %convert_element_type3A = arith.extui %eq3A_22 : i1 to i32
    %cond3A = arith.constant 0 : i32
    %cond3A_23 = arith.cmpi ne, %convert_element_type3A, %cond3A : i32
    scf.if %cond3A_23 {
      %dma_start3A_201 = arith.constant 9984 : i32
      %dma_start3A_202 = arith.constant 0 : i32
      %dma_start3A_203 = tpu.memref_slice %arg14[%dma_start3A_201, %dma_start3A_202] : memref<10000x128xf32, #tpu.memory_space<vmem_shared>> -> memref<16x128xf32, #tpu.memory_space<vmem_shared>>
      %dma_start3A_204 = arith.constant 9984 : i32
      %dma_start3A_205 = arith.constant 0 : i32
      %dma_start3A_206 = tpu.memref_slice %arg4[%dma_start3A_204, %dma_start3A_205] : memref<10000x128xf32, #tpu.memory_space<hbm>> -> memref<16x128xf32, #tpu.memory_space<hbm>>
      tpu.enqueue_dma source(%dma_start3A_206 : memref<16x128xf32, #tpu.memory_space<hbm>>) target(%dma_start3A_203 : memref<16x128xf32, #tpu.memory_space<vmem_shared>>) target_semaphore(%arg26 : memref<!tpu.dma_semaphore, #tpu.memory_space<semaphore_mem>>)
    } else {
    }
    %dma_wait3A = arith.constant 0 : i32
    %dma_wait3A_24 = arith.constant 0 : i32
    %dma_wait3A_25 = tpu.memref_slice %arg3[%dma_wait3A, %mul3A_2, %dma_wait3A_24] : memref<2x8000x40xi32, #tpu.memory_space<hbm>> -> memref<1x250x40xi32, #tpu.memory_space<hbm>>
    %dma_wait3A_26 = tpu.memref_squeeze %dma_wait3A_25 : memref<1x250x40xi32, #tpu.memory_space<hbm>> -> memref<250x40xi32, #tpu.memory_space<hbm>>
    %dma_wait3A_27 = arith.constant 0 : i32
    %dma_wait3A_28 = tpu.memref_slice %arg3[%dma_wait3A, %mul3A_2, %dma_wait3A_27] : memref<2x8000x40xi32, #tpu.memory_space<hbm>> -> memref<1x250x40xi32, #tpu.memory_space<hbm>>
    %dma_wait3A_29 = tpu.memref_squeeze %dma_wait3A_28 : memref<1x250x40xi32, #tpu.memory_space<hbm>> -> memref<250x40xi32, #tpu.memory_space<hbm>>
    tpu.wait_dma2 semaphore(%arg25 : memref<!tpu.dma_semaphore, #tpu.memory_space<semaphore_mem>>) src(%dma_wait3A_29 : memref<250x40xi32, #tpu.memory_space<hbm>>) dst(%arg7 : memref<250x40xi32, #tpu.memory_space<vmem>>)
    %dma_wait3A_30 = arith.constant 1 : i32
    %dma_wait3A_31 = arith.constant 0 : i32
    %dma_wait3A_32 = tpu.memref_slice %arg3[%dma_wait3A_30, %mul3A_2, %dma_wait3A_31] : memref<2x8000x40xi32, #tpu.memory_space<hbm>> -> memref<1x250x40xi32, #tpu.memory_space<hbm>>
    %dma_wait3A_33 = tpu.memref_squeeze %dma_wait3A_32 : memref<1x250x40xi32, #tpu.memory_space<hbm>> -> memref<250x40xi32, #tpu.memory_space<hbm>>
    %dma_wait3A_34 = arith.constant 0 : i32
    %dma_wait3A_35 = tpu.memref_slice %arg3[%dma_wait3A_30, %mul3A_2, %dma_wait3A_34] : memref<2x8000x40xi32, #tpu.memory_space<hbm>> -> memref<1x250x40xi32, #tpu.memory_space<hbm>>
    %dma_wait3A_36 = tpu.memref_squeeze %dma_wait3A_35 : memref<1x250x40xi32, #tpu.memory_space<hbm>> -> memref<250x40xi32, #tpu.memory_space<hbm>>
    tpu.wait_dma2 semaphore(%arg25 : memref<!tpu.dma_semaphore, #tpu.memory_space<semaphore_mem>>) src(%dma_wait3A_36 : memref<250x40xi32, #tpu.memory_space<hbm>>) dst(%arg8 : memref<250x40xi32, #tpu.memory_space<vmem>>)
    %dma_start3A_37 = arith.constant 0 : i32
    %dma_start3A_38 = arith.constant 0 : i32
    %dma_start3A_39 = tpu.memref_slice %arg7[%dma_start3A_37, %dma_start3A_38] : memref<250x40xi32, #tpu.memory_space<vmem>> -> memref<1x40xi32, #tpu.memory_space<vmem>>
    %dma_start3A_40 = tpu.memref_squeeze %dma_start3A_39 : memref<1x40xi32, #tpu.memory_space<vmem>> -> memref<40xi32, #tpu.memory_space<vmem>>
    %dma_start3A_41 = arith.constant 0 : i32
    %dma_start3A_42 = arith.constant 0 : i32
    %dma_start3A_43 = tpu.memref_slice %arg2[%dma_start3A_41, %dma_start3A_42] : memref<10000x128xf32, #tpu.memory_space<hbm>> -> memref<10000x128xf32, #tpu.memory_space<hbm>>
    tpu.enqueue_indirect_dma source(%dma_start3A_43 : memref<10000x128xf32, #tpu.memory_space<hbm>>) target(%arg9 : memref<40x128xf32, #tpu.memory_space<vmem>>) offsets(%dma_start3A_40 : memref<40xi32, #tpu.memory_space<vmem>>) semaphore(%arg15 : memref<!tpu.dma_semaphore, #tpu.memory_space<semaphore_mem>>)
    %dma_start3A_44 = arith.constant 1 : i32
    %dma_start3A_45 = arith.constant 0 : i32
    %dma_start3A_46 = tpu.memref_slice %arg7[%dma_start3A_44, %dma_start3A_45] : memref<250x40xi32, #tpu.memory_space<vmem>> -> memref<1x40xi32, #tpu.memory_space<vmem>>
    %dma_start3A_47 = tpu.memref_squeeze %dma_start3A_46 : memref<1x40xi32, #tpu.memory_space<vmem>> -> memref<40xi32, #tpu.memory_space<vmem>>
    %dma_start3A_48 = arith.constant 0 : i32
    %dma_start3A_49 = arith.constant 0 : i32
    %dma_start3A_50 = tpu.memref_slice %arg2[%dma_start3A_48, %dma_start3A_49] : memref<10000x128xf32, #tpu.memory_space<hbm>> -> memref<10000x128xf32, #tpu.memory_space<hbm>>
    tpu.enqueue_indirect_dma source(%dma_start3A_50 : memref<10000x128xf32, #tpu.memory_space<hbm>>) target(%arg10 : memref<40x128xf32, #tpu.memory_space<vmem>>) offsets(%dma_start3A_47 : memref<40xi32, #tpu.memory_space<vmem>>) semaphore(%arg16 : memref<!tpu.dma_semaphore, #tpu.memory_space<semaphore_mem>>)
    %dma_start3A_51 = arith.constant 2 : i32
    %dma_start3A_52 = arith.constant 0 : i32
    %dma_start3A_53 = tpu.memref_slice %arg7[%dma_start3A_51, %dma_start3A_52] : memref<250x40xi32, #tpu.memory_space<vmem>> -> memref<1x40xi32, #tpu.memory_space<vmem>>
    %dma_start3A_54 = tpu.memref_squeeze %dma_start3A_53 : memref<1x40xi32, #tpu.memory_space<vmem>> -> memref<40xi32, #tpu.memory_space<vmem>>
    %dma_start3A_55 = arith.constant 0 : i32
    %dma_start3A_56 = arith.constant 0 : i32
    %dma_start3A_57 = tpu.memref_slice %arg2[%dma_start3A_55, %dma_start3A_56] : memref<10000x128xf32, #tpu.memory_space<hbm>> -> memref<10000x128xf32, #tpu.memory_space<hbm>>
    tpu.enqueue_indirect_dma source(%dma_start3A_57 : memref<10000x128xf32, #tpu.memory_space<hbm>>) target(%arg11 : memref<40x128xf32, #tpu.memory_space<vmem>>) offsets(%dma_start3A_54 : memref<40xi32, #tpu.memory_space<vmem>>) semaphore(%arg17 : memref<!tpu.dma_semaphore, #tpu.memory_space<semaphore_mem>>)
    %dma_start3A_58 = arith.constant 3 : i32
    %dma_start3A_59 = arith.constant 0 : i32
    %dma_start3A_60 = tpu.memref_slice %arg7[%dma_start3A_58, %dma_start3A_59] : memref<250x40xi32, #tpu.memory_space<vmem>> -> memref<1x40xi32, #tpu.memory_space<vmem>>
    %dma_start3A_61 = tpu.memref_squeeze %dma_start3A_60 : memref<1x40xi32, #tpu.memory_space<vmem>> -> memref<40xi32, #tpu.memory_space<vmem>>
    %dma_start3A_62 = arith.constant 0 : i32
    %dma_start3A_63 = arith.constant 0 : i32
    %dma_start3A_64 = tpu.memref_slice %arg2[%dma_start3A_62, %dma_start3A_63] : memref<10000x128xf32, #tpu.memory_space<hbm>> -> memref<10000x128xf32, #tpu.memory_space<hbm>>
    tpu.enqueue_indirect_dma source(%dma_start3A_64 : memref<10000x128xf32, #tpu.memory_space<hbm>>) target(%arg12 : memref<40x128xf32, #tpu.memory_space<vmem>>) offsets(%dma_start3A_61 : memref<40xi32, #tpu.memory_space<vmem>>) semaphore(%arg18 : memref<!tpu.dma_semaphore, #tpu.memory_space<semaphore_mem>>)
    %dma_wait3A_65 = arith.constant 0 : i32
    %dma_wait3A_66 = tpu.memref_slice %arg14[%mul3A_17, %dma_wait3A_65] : memref<10000x128xf32, #tpu.memory_space<vmem_shared>> -> memref<624x128xf32, #tpu.memory_space<vmem_shared>>
    %dma_wait3A_67 = arith.constant 0 : i32
    %dma_wait3A_68 = tpu.memref_slice %arg4[%mul3A_17, %dma_wait3A_67] : memref<10000x128xf32, #tpu.memory_space<hbm>> -> memref<624x128xf32, #tpu.memory_space<hbm>>
    tpu.wait_dma2 semaphore(%arg26 : memref<!tpu.dma_semaphore, #tpu.memory_space<semaphore_mem>>) src(%dma_wait3A_68 : memref<624x128xf32, #tpu.memory_space<hbm>>) dst(%dma_wait3A_66 : memref<624x128xf32, #tpu.memory_space<vmem_shared>>)
    %eq3A_69 = arith.constant 0 : i32
    %eq3A_70 = arith.cmpi eq, %arg1, %eq3A_69 : i32
    %convert_element_type3A_71 = arith.extui %eq3A_70 : i1 to i32
    %cond3A_72 = arith.constant 0 : i32
    %cond3A_73 = arith.cmpi ne, %convert_element_type3A_71, %cond3A_72 : i32
    scf.if %cond3A_73 {
      %dma_wait3A_201 = arith.constant 9984 : i32
      %dma_wait3A_202 = arith.constant 0 : i32
      %dma_wait3A_203 = tpu.memref_slice %arg14[%dma_wait3A_201, %dma_wait3A_202] : memref<10000x128xf32, #tpu.memory_space<vmem_shared>> -> memref<16x128xf32, #tpu.memory_space<vmem_shared>>
      %dma_wait3A_204 = arith.constant 9984 : i32
      %dma_wait3A_205 = arith.constant 0 : i32
      %dma_wait3A_206 = tpu.memref_slice %arg4[%dma_wait3A_204, %dma_wait3A_205] : memref<10000x128xf32, #tpu.memory_space<hbm>> -> memref<16x128xf32, #tpu.memory_space<hbm>>
      tpu.wait_dma2 semaphore(%arg26 : memref<!tpu.dma_semaphore, #tpu.memory_space<semaphore_mem>>) src(%dma_wait3A_206 : memref<16x128xf32, #tpu.memory_space<hbm>>) dst(%dma_wait3A_203 : memref<16x128xf32, #tpu.memory_space<vmem_shared>>)
    } else {
    }
    %barrier3A = arith.constant 0 : index
    tpu.barrier barrier_id(%barrier3A)
    %dma_wait3A_74 = arith.constant 0 : i32
    %dma_wait3A_75 = arith.constant 0 : i32
    %dma_wait3A_76 = tpu.memref_slice %arg7[%dma_wait3A_74, %dma_wait3A_75] : memref<250x40xi32, #tpu.memory_space<vmem>> -> memref<1x40xi32, #tpu.memory_space<vmem>>
    %dma_wait3A_77 = tpu.memref_squeeze %dma_wait3A_76 : memref<1x40xi32, #tpu.memory_space<vmem>> -> memref<40xi32, #tpu.memory_space<vmem>>
    %dma_wait3A_78 = arith.constant 0 : i32
    %dma_wait3A_79 = arith.constant 0 : i32
    %dma_wait3A_80 = tpu.memref_slice %arg2[%dma_wait3A_78, %dma_wait3A_79] : memref<10000x128xf32, #tpu.memory_space<hbm>> -> memref<10000x128xf32, #tpu.memory_space<hbm>>
    tpu.wait_indirect_dma semaphore(%arg15 : memref<!tpu.dma_semaphore, #tpu.memory_space<semaphore_mem>>) src(%dma_wait3A_80 : memref<10000x128xf32, #tpu.memory_space<hbm>>) dst(%arg9 : memref<40x128xf32, #tpu.memory_space<vmem>>)
    %dma_start3A_81 = arith.constant 0 : i32
    %dma_start3A_82 = arith.constant 0 : i32
    %dma_start3A_83 = tpu.memref_slice %arg8[%dma_start3A_81, %dma_start3A_82] : memref<250x40xi32, #tpu.memory_space<vmem>> -> memref<1x40xi32, #tpu.memory_space<vmem>>
    %dma_start3A_84 = tpu.memref_squeeze %dma_start3A_83 : memref<1x40xi32, #tpu.memory_space<vmem>> -> memref<40xi32, #tpu.memory_space<vmem>>
    %dma_start3A_85 = arith.constant 0 : i32
    %dma_start3A_86 = arith.constant 0 : i32
    %dma_start3A_87 = tpu.memref_slice %arg14[%dma_start3A_85, %dma_start3A_86] : memref<10000x128xf32, #tpu.memory_space<vmem_shared>> -> memref<10000x128xf32, #tpu.memory_space<vmem_shared>>
    tpu.enqueue_indirect_dma source(%arg9 : memref<40x128xf32, #tpu.memory_space<vmem>>) target(%dma_start3A_87 : memref<10000x128xf32, #tpu.memory_space<vmem_shared>>) offsets(%dma_start3A_84 : memref<40xi32, #tpu.memory_space<vmem>>) semaphore(%arg20 : memref<!tpu.dma_semaphore, #tpu.memory_space<semaphore_mem>>) {add = true}
    %dma_start3A_88 = arith.constant 4 : i32
    %dma_start3A_89 = arith.constant 0 : i32
    %dma_start3A_90 = tpu.memref_slice %arg7[%dma_start3A_88, %dma_start3A_89] : memref<250x40xi32, #tpu.memory_space<vmem>> -> memref<1x40xi32, #tpu.memory_space<vmem>>
    %dma_start3A_91 = tpu.memref_squeeze %dma_start3A_90 : memref<1x40xi32, #tpu.memory_space<vmem>> -> memref<40xi32, #tpu.memory_space<vmem>>
    %dma_start3A_92 = arith.constant 0 : i32
    %dma_start3A_93 = arith.constant 0 : i32
    %dma_start3A_94 = tpu.memref_slice %arg2[%dma_start3A_92, %dma_start3A_93] : memref<10000x128xf32, #tpu.memory_space<hbm>> -> memref<10000x128xf32, #tpu.memory_space<hbm>>
    tpu.enqueue_indirect_dma source(%dma_start3A_94 : memref<10000x128xf32, #tpu.memory_space<hbm>>) target(%arg13 : memref<40x128xf32, #tpu.memory_space<vmem>>) offsets(%dma_start3A_91 : memref<40xi32, #tpu.memory_space<vmem>>) semaphore(%arg19 : memref<!tpu.dma_semaphore, #tpu.memory_space<semaphore_mem>>)
    %scan3A = arith.constant 0 : i32
    %scan3A_95 = arith.constant 49 : i32
    %scan3A_96 = arith.addi %scan3A, %scan3A_95 : i32
    %scan3A_97 = arith.constant 1 : i32
    scf.for %scan3A_201 = %scan3A to %scan3A_96 step %scan3A_97  : i32 {
      %mul3A_202 = arith.constant 5 : i32
      %mul3A_203 = arith.muli %scan3A_201, %mul3A_202 : i32
      %add3A_204 = arith.constant 1 : i32
      %add3A_205 = arith.addi %add3A_204, %mul3A_203 : i32
      %add3A_206 = arith.constant 0 : i32
      %add3A_207 = arith.addi %add3A_205, %add3A_206 : i32
      %dma_wait3A_208 = arith.constant 0 : i32
      %dma_wait3A_209 = tpu.memref_slice %arg7[%add3A_207, %dma_wait3A_208] : memref<250x40xi32, #tpu.memory_space<vmem>> -> memref<1x40xi32, #tpu.memory_space<vmem>>
      %dma_wait3A_210 = tpu.memref_squeeze %dma_wait3A_209 : memref<1x40xi32, #tpu.memory_space<vmem>> -> memref<40xi32, #tpu.memory_space<vmem>>
      %dma_wait3A_211 = arith.constant 0 : i32
      %dma_wait3A_212 = arith.constant 0 : i32
      %dma_wait3A_213 = tpu.memref_slice %arg2[%dma_wait3A_211, %dma_wait3A_212] : memref<10000x128xf32, #tpu.memory_space<hbm>> -> memref<10000x128xf32, #tpu.memory_space<hbm>>
      tpu.wait_indirect_dma semaphore(%arg16 : memref<!tpu.dma_semaphore, #tpu.memory_space<semaphore_mem>>) src(%dma_wait3A_213 : memref<10000x128xf32, #tpu.memory_space<hbm>>) dst(%arg10 : memref<40x128xf32, #tpu.memory_space<vmem>>)
      %dma_start3A_214 = arith.constant 0 : i32
      %dma_start3A_215 = tpu.memref_slice %arg8[%add3A_207, %dma_start3A_214] : memref<250x40xi32, #tpu.memory_space<vmem>> -> memref<1x40xi32, #tpu.memory_space<vmem>>
      %dma_start3A_216 = tpu.memref_squeeze %dma_start3A_215 : memref<1x40xi32, #tpu.memory_space<vmem>> -> memref<40xi32, #tpu.memory_space<vmem>>
      %dma_start3A_217 = arith.constant 0 : i32
      %dma_start3A_218 = arith.constant 0 : i32
      %dma_start3A_219 = tpu.memref_slice %arg14[%dma_start3A_217, %dma_start3A_218] : memref<10000x128xf32, #tpu.memory_space<vmem_shared>> -> memref<10000x128xf32, #tpu.memory_space<vmem_shared>>
      tpu.enqueue_indirect_dma source(%arg10 : memref<40x128xf32, #tpu.memory_space<vmem>>) target(%dma_start3A_219 : memref<10000x128xf32, #tpu.memory_space<vmem_shared>>) offsets(%dma_start3A_216 : memref<40xi32, #tpu.memory_space<vmem>>) semaphore(%arg21 : memref<!tpu.dma_semaphore, #tpu.memory_space<semaphore_mem>>) {add = true}
      %sub3A = arith.constant 1 : i32
      %sub3A_220 = arith.subi %add3A_207, %sub3A : i32
      %dma_wait3A_221 = arith.constant 0 : i32
      %dma_wait3A_222 = tpu.memref_slice %arg8[%sub3A_220, %dma_wait3A_221] : memref<250x40xi32, #tpu.memory_space<vmem>> -> memref<1x40xi32, #tpu.memory_space<vmem>>
      %dma_wait3A_223 = tpu.memref_squeeze %dma_wait3A_222 : memref<1x40xi32, #tpu.memory_space<vmem>> -> memref<40xi32, #tpu.memory_space<vmem>>
      %dma_wait3A_224 = arith.constant 0 : i32
      %dma_wait3A_225 = arith.constant 0 : i32
      %dma_wait3A_226 = tpu.memref_slice %arg14[%dma_wait3A_224, %dma_wait3A_225] : memref<10000x128xf32, #tpu.memory_space<vmem_shared>> -> memref<10000x128xf32, #tpu.memory_space<vmem_shared>>
      tpu.wait_indirect_dma semaphore(%arg20 : memref<!tpu.dma_semaphore, #tpu.memory_space<semaphore_mem>>) src(%arg9 : memref<40x128xf32, #tpu.memory_space<vmem>>) dst(%dma_wait3A_226 : memref<10000x128xf32, #tpu.memory_space<vmem_shared>>)
      %add3A_227 = arith.constant 5 : i32
      %add3A_228 = arith.addi %add3A_207, %add3A_227 : i32
      %sub3A_229 = arith.constant 1 : i32
      %sub3A_230 = arith.subi %add3A_228, %sub3A_229 : i32
      %dma_start3A_231 = arith.constant 0 : i32
      %dma_start3A_232 = tpu.memref_slice %arg7[%sub3A_230, %dma_start3A_231] : memref<250x40xi32, #tpu.memory_space<vmem>> -> memref<1x40xi32, #tpu.memory_space<vmem>>
      %dma_start3A_233 = tpu.memref_squeeze %dma_start3A_232 : memref<1x40xi32, #tpu.memory_space<vmem>> -> memref<40xi32, #tpu.memory_space<vmem>>
      %dma_start3A_234 = arith.constant 0 : i32
      %dma_start3A_235 = arith.constant 0 : i32
      %dma_start3A_236 = tpu.memref_slice %arg2[%dma_start3A_234, %dma_start3A_235] : memref<10000x128xf32, #tpu.memory_space<hbm>> -> memref<10000x128xf32, #tpu.memory_space<hbm>>
      tpu.enqueue_indirect_dma source(%dma_start3A_236 : memref<10000x128xf32, #tpu.memory_space<hbm>>) target(%arg9 : memref<40x128xf32, #tpu.memory_space<vmem>>) offsets(%dma_start3A_233 : memref<40xi32, #tpu.memory_space<vmem>>) semaphore(%arg15 : memref<!tpu.dma_semaphore, #tpu.memory_space<semaphore_mem>>)
      %add3A_237 = arith.constant 1 : i32
      %add3A_238 = arith.addi %add3A_205, %add3A_237 : i32
      %dma_wait3A_239 = arith.constant 0 : i32
      %dma_wait3A_240 = tpu.memref_slice %arg7[%add3A_238, %dma_wait3A_239] : memref<250x40xi32, #tpu.memory_space<vmem>> -> memref<1x40xi32, #tpu.memory_space<vmem>>
      %dma_wait3A_241 = tpu.memref_squeeze %dma_wait3A_240 : memref<1x40xi32, #tpu.memory_space<vmem>> -> memref<40xi32, #tpu.memory_space<vmem>>
      %dma_wait3A_242 = arith.constant 0 : i32
      %dma_wait3A_243 = arith.constant 0 : i32
      %dma_wait3A_244 = tpu.memref_slice %arg2[%dma_wait3A_242, %dma_wait3A_243] : memref<10000x128xf32, #tpu.memory_space<hbm>> -> memref<10000x128xf32, #tpu.memory_space<hbm>>
      tpu.wait_indirect_dma semaphore(%arg17 : memref<!tpu.dma_semaphore, #tpu.memory_space<semaphore_mem>>) src(%dma_wait3A_244 : memref<10000x128xf32, #tpu.memory_space<hbm>>) dst(%arg11 : memref<40x128xf32, #tpu.memory_space<vmem>>)
      %dma_start3A_245 = arith.constant 0 : i32
      %dma_start3A_246 = tpu.memref_slice %arg8[%add3A_238, %dma_start3A_245] : memref<250x40xi32, #tpu.memory_space<vmem>> -> memref<1x40xi32, #tpu.memory_space<vmem>>
      %dma_start3A_247 = tpu.memref_squeeze %dma_start3A_246 : memref<1x40xi32, #tpu.memory_space<vmem>> -> memref<40xi32, #tpu.memory_space<vmem>>
      %dma_start3A_248 = arith.constant 0 : i32
      %dma_start3A_249 = arith.constant 0 : i32
      %dma_start3A_250 = tpu.memref_slice %arg14[%dma_start3A_248, %dma_start3A_249] : memref<10000x128xf32, #tpu.memory_space<vmem_shared>> -> memref<10000x128xf32, #tpu.memory_space<vmem_shared>>
      tpu.enqueue_indirect_dma source(%arg11 : memref<40x128xf32, #tpu.memory_space<vmem>>) target(%dma_start3A_250 : memref<10000x128xf32, #tpu.memory_space<vmem_shared>>) offsets(%dma_start3A_247 : memref<40xi32, #tpu.memory_space<vmem>>) semaphore(%arg22 : memref<!tpu.dma_semaphore, #tpu.memory_space<semaphore_mem>>) {add = true}
      %sub3A_251 = arith.constant 1 : i32
      %sub3A_252 = arith.subi %add3A_238, %sub3A_251 : i32
      %dma_wait3A_253 = arith.constant 0 : i32
      %dma_wait3A_254 = tpu.memref_slice %arg8[%sub3A_252, %dma_wait3A_253] : memref<250x40xi32, #tpu.memory_space<vmem>> -> memref<1x40xi32, #tpu.memory_space<vmem>>
      %dma_wait3A_255 = tpu.memref_squeeze %dma_wait3A_254 : memref<1x40xi32, #tpu.memory_space<vmem>> -> memref<40xi32, #tpu.memory_space<vmem>>
      %dma_wait3A_256 = arith.constant 0 : i32
      %dma_wait3A_257 = arith.constant 0 : i32
      %dma_wait3A_258 = tpu.memref_slice %arg14[%dma_wait3A_256, %dma_wait3A_257] : memref<10000x128xf32, #tpu.memory_space<vmem_shared>> -> memref<10000x128xf32, #tpu.memory_space<vmem_shared>>
      tpu.wait_indirect_dma semaphore(%arg21 : memref<!tpu.dma_semaphore, #tpu.memory_space<semaphore_mem>>) src(%arg10 : memref<40x128xf32, #tpu.memory_space<vmem>>) dst(%dma_wait3A_258 : memref<10000x128xf32, #tpu.memory_space<vmem_shared>>)
      %add3A_259 = arith.constant 5 : i32
      %add3A_260 = arith.addi %add3A_238, %add3A_259 : i32
      %sub3A_261 = arith.constant 1 : i32
      %sub3A_262 = arith.subi %add3A_260, %sub3A_261 : i32
      %dma_start3A_263 = arith.constant 0 : i32
      %dma_start3A_264 = tpu.memref_slice %arg7[%sub3A_262, %dma_start3A_263] : memref<250x40xi32, #tpu.memory_space<vmem>> -> memref<1x40xi32, #tpu.memory_space<vmem>>
      %dma_start3A_265 = tpu.memref_squeeze %dma_start3A_264 : memref<1x40xi32, #tpu.memory_space<vmem>> -> memref<40xi32, #tpu.memory_space<vmem>>
      %dma_start3A_266 = arith.constant 0 : i32
      %dma_start3A_267 = arith.constant 0 : i32
      %dma_start3A_268 = tpu.memref_slice %arg2[%dma_start3A_266, %dma_start3A_267] : memref<10000x128xf32, #tpu.memory_space<hbm>> -> memref<10000x128xf32, #tpu.memory_space<hbm>>
      tpu.enqueue_indirect_dma source(%dma_start3A_268 : memref<10000x128xf32, #tpu.memory_space<hbm>>) target(%arg10 : memref<40x128xf32, #tpu.memory_space<vmem>>) offsets(%dma_start3A_265 : memref<40xi32, #tpu.memory_space<vmem>>) semaphore(%arg16 : memref<!tpu.dma_semaphore, #tpu.memory_space<semaphore_mem>>)
      %add3A_269 = arith.constant 2 : i32
      %add3A_270 = arith.addi %add3A_205, %add3A_269 : i32
      %dma_wait3A_271 = arith.constant 0 : i32
      %dma_wait3A_272 = tpu.memref_slice %arg7[%add3A_270, %dma_wait3A_271] : memref<250x40xi32, #tpu.memory_space<vmem>> -> memref<1x40xi32, #tpu.memory_space<vmem>>
      %dma_wait3A_273 = tpu.memref_squeeze %dma_wait3A_272 : memref<1x40xi32, #tpu.memory_space<vmem>> -> memref<40xi32, #tpu.memory_space<vmem>>
      %dma_wait3A_274 = arith.constant 0 : i32
      %dma_wait3A_275 = arith.constant 0 : i32
      %dma_wait3A_276 = tpu.memref_slice %arg2[%dma_wait3A_274, %dma_wait3A_275] : memref<10000x128xf32, #tpu.memory_space<hbm>> -> memref<10000x128xf32, #tpu.memory_space<hbm>>
      tpu.wait_indirect_dma semaphore(%arg18 : memref<!tpu.dma_semaphore, #tpu.memory_space<semaphore_mem>>) src(%dma_wait3A_276 : memref<10000x128xf32, #tpu.memory_space<hbm>>) dst(%arg12 : memref<40x128xf32, #tpu.memory_space<vmem>>)
      %dma_start3A_277 = arith.constant 0 : i32
      %dma_start3A_278 = tpu.memref_slice %arg8[%add3A_270, %dma_start3A_277] : memref<250x40xi32, #tpu.memory_space<vmem>> -> memref<1x40xi32, #tpu.memory_space<vmem>>
      %dma_start3A_279 = tpu.memref_squeeze %dma_start3A_278 : memref<1x40xi32, #tpu.memory_space<vmem>> -> memref<40xi32, #tpu.memory_space<vmem>>
      %dma_start3A_280 = arith.constant 0 : i32
      %dma_start3A_281 = arith.constant 0 : i32
      %dma_start3A_282 = tpu.memref_slice %arg14[%dma_start3A_280, %dma_start3A_281] : memref<10000x128xf32, #tpu.memory_space<vmem_shared>> -> memref<10000x128xf32, #tpu.memory_space<vmem_shared>>
      tpu.enqueue_indirect_dma source(%arg12 : memref<40x128xf32, #tpu.memory_space<vmem>>) target(%dma_start3A_282 : memref<10000x128xf32, #tpu.memory_space<vmem_shared>>) offsets(%dma_start3A_279 : memref<40xi32, #tpu.memory_space<vmem>>) semaphore(%arg23 : memref<!tpu.dma_semaphore, #tpu.memory_space<semaphore_mem>>) {add = true}
      %sub3A_283 = arith.constant 1 : i32
      %sub3A_284 = arith.subi %add3A_270, %sub3A_283 : i32
      %dma_wait3A_285 = arith.constant 0 : i32
      %dma_wait3A_286 = tpu.memref_slice %arg8[%sub3A_284, %dma_wait3A_285] : memref<250x40xi32, #tpu.memory_space<vmem>> -> memref<1x40xi32, #tpu.memory_space<vmem>>
      %dma_wait3A_287 = tpu.memref_squeeze %dma_wait3A_286 : memref<1x40xi32, #tpu.memory_space<vmem>> -> memref<40xi32, #tpu.memory_space<vmem>>
      %dma_wait3A_288 = arith.constant 0 : i32
      %dma_wait3A_289 = arith.constant 0 : i32
      %dma_wait3A_290 = tpu.memref_slice %arg14[%dma_wait3A_288, %dma_wait3A_289] : memref<10000x128xf32, #tpu.memory_space<vmem_shared>> -> memref<10000x128xf32, #tpu.memory_space<vmem_shared>>
      tpu.wait_indirect_dma semaphore(%arg22 : memref<!tpu.dma_semaphore, #tpu.memory_space<semaphore_mem>>) src(%arg11 : memref<40x128xf32, #tpu.memory_space<vmem>>) dst(%dma_wait3A_290 : memref<10000x128xf32, #tpu.memory_space<vmem_shared>>)
      %add3A_291 = arith.constant 5 : i32
      %add3A_292 = arith.addi %add3A_270, %add3A_291 : i32
      %sub3A_293 = arith.constant 1 : i32
      %sub3A_294 = arith.subi %add3A_292, %sub3A_293 : i32
      %dma_start3A_295 = arith.constant 0 : i32
      %dma_start3A_296 = tpu.memref_slice %arg7[%sub3A_294, %dma_start3A_295] : memref<250x40xi32, #tpu.memory_space<vmem>> -> memref<1x40xi32, #tpu.memory_space<vmem>>
      %dma_start3A_297 = tpu.memref_squeeze %dma_start3A_296 : memref<1x40xi32, #tpu.memory_space<vmem>> -> memref<40xi32, #tpu.memory_space<vmem>>
      %dma_start3A_298 = arith.constant 0 : i32
      %dma_start3A_299 = arith.constant 0 : i32
      %dma_start3A_300 = tpu.memref_slice %arg2[%dma_start3A_298, %dma_start3A_299] : memref<10000x128xf32, #tpu.memory_space<hbm>> -> memref<10000x128xf32, #tpu.memory_space<hbm>>
      tpu.enqueue_indirect_dma source(%dma_start3A_300 : memref<10000x128xf32, #tpu.memory_space<hbm>>) target(%arg11 : memref<40x128xf32, #tpu.memory_space<vmem>>) offsets(%dma_start3A_297 : memref<40xi32, #tpu.memory_space<vmem>>) semaphore(%arg17 : memref<!tpu.dma_semaphore, #tpu.memory_space<semaphore_mem>>)
      %add3A_301 = arith.constant 3 : i32
      %add3A_302 = arith.addi %add3A_205, %add3A_301 : i32
      %dma_wait3A_303 = arith.constant 0 : i32
      %dma_wait3A_304 = tpu.memref_slice %arg7[%add3A_302, %dma_wait3A_303] : memref<250x40xi32, #tpu.memory_space<vmem>> -> memref<1x40xi32, #tpu.memory_space<vmem>>
      %dma_wait3A_305 = tpu.memref_squeeze %dma_wait3A_304 : memref<1x40xi32, #tpu.memory_space<vmem>> -> memref<40xi32, #tpu.memory_space<vmem>>
      %dma_wait3A_306 = arith.constant 0 : i32
      %dma_wait3A_307 = arith.constant 0 : i32
      %dma_wait3A_308 = tpu.memref_slice %arg2[%dma_wait3A_306, %dma_wait3A_307] : memref<10000x128xf32, #tpu.memory_space<hbm>> -> memref<10000x128xf32, #tpu.memory_space<hbm>>
      tpu.wait_indirect_dma semaphore(%arg19 : memref<!tpu.dma_semaphore, #tpu.memory_space<semaphore_mem>>) src(%dma_wait3A_308 : memref<10000x128xf32, #tpu.memory_space<hbm>>) dst(%arg13 : memref<40x128xf32, #tpu.memory_space<vmem>>)
      %dma_start3A_309 = arith.constant 0 : i32
      %dma_start3A_310 = tpu.memref_slice %arg8[%add3A_302, %dma_start3A_309] : memref<250x40xi32, #tpu.memory_space<vmem>> -> memref<1x40xi32, #tpu.memory_space<vmem>>
      %dma_start3A_311 = tpu.memref_squeeze %dma_start3A_310 : memref<1x40xi32, #tpu.memory_space<vmem>> -> memref<40xi32, #tpu.memory_space<vmem>>
      %dma_start3A_312 = arith.constant 0 : i32
      %dma_start3A_313 = arith.constant 0 : i32
      %dma_start3A_314 = tpu.memref_slice %arg14[%dma_start3A_312, %dma_start3A_313] : memref<10000x128xf32, #tpu.memory_space<vmem_shared>> -> memref<10000x128xf32, #tpu.memory_space<vmem_shared>>
      tpu.enqueue_indirect_dma source(%arg13 : memref<40x128xf32, #tpu.memory_space<vmem>>) target(%dma_start3A_314 : memref<10000x128xf32, #tpu.memory_space<vmem_shared>>) offsets(%dma_start3A_311 : memref<40xi32, #tpu.memory_space<vmem>>) semaphore(%arg24 : memref<!tpu.dma_semaphore, #tpu.memory_space<semaphore_mem>>) {add = true}
      %sub3A_315 = arith.constant 1 : i32
      %sub3A_316 = arith.subi %add3A_302, %sub3A_315 : i32
      %dma_wait3A_317 = arith.constant 0 : i32
      %dma_wait3A_318 = tpu.memref_slice %arg8[%sub3A_316, %dma_wait3A_317] : memref<250x40xi32, #tpu.memory_space<vmem>> -> memref<1x40xi32, #tpu.memory_space<vmem>>
      %dma_wait3A_319 = tpu.memref_squeeze %dma_wait3A_318 : memref<1x40xi32, #tpu.memory_space<vmem>> -> memref<40xi32, #tpu.memory_space<vmem>>
      %dma_wait3A_320 = arith.constant 0 : i32
      %dma_wait3A_321 = arith.constant 0 : i32
      %dma_wait3A_322 = tpu.memref_slice %arg14[%dma_wait3A_320, %dma_wait3A_321] : memref<10000x128xf32, #tpu.memory_space<vmem_shared>> -> memref<10000x128xf32, #tpu.memory_space<vmem_shared>>
      tpu.wait_indirect_dma semaphore(%arg23 : memref<!tpu.dma_semaphore, #tpu.memory_space<semaphore_mem>>) src(%arg12 : memref<40x128xf32, #tpu.memory_space<vmem>>) dst(%dma_wait3A_322 : memref<10000x128xf32, #tpu.memory_space<vmem_shared>>)
      %add3A_323 = arith.constant 5 : i32
      %add3A_324 = arith.addi %add3A_302, %add3A_323 : i32
      %sub3A_325 = arith.constant 1 : i32
      %sub3A_326 = arith.subi %add3A_324, %sub3A_325 : i32
      %dma_start3A_327 = arith.constant 0 : i32
      %dma_start3A_328 = tpu.memref_slice %arg7[%sub3A_326, %dma_start3A_327] : memref<250x40xi32, #tpu.memory_space<vmem>> -> memref<1x40xi32, #tpu.memory_space<vmem>>
      %dma_start3A_329 = tpu.memref_squeeze %dma_start3A_328 : memref<1x40xi32, #tpu.memory_space<vmem>> -> memref<40xi32, #tpu.memory_space<vmem>>
      %dma_start3A_330 = arith.constant 0 : i32
      %dma_start3A_331 = arith.constant 0 : i32
      %dma_start3A_332 = tpu.memref_slice %arg2[%dma_start3A_330, %dma_start3A_331] : memref<10000x128xf32, #tpu.memory_space<hbm>> -> memref<10000x128xf32, #tpu.memory_space<hbm>>
      tpu.enqueue_indirect_dma source(%dma_start3A_332 : memref<10000x128xf32, #tpu.memory_space<hbm>>) target(%arg12 : memref<40x128xf32, #tpu.memory_space<vmem>>) offsets(%dma_start3A_329 : memref<40xi32, #tpu.memory_space<vmem>>) semaphore(%arg18 : memref<!tpu.dma_semaphore, #tpu.memory_space<semaphore_mem>>)
      %add3A_333 = arith.constant 4 : i32
      %add3A_334 = arith.addi %add3A_205, %add3A_333 : i32
      %dma_wait3A_335 = arith.constant 0 : i32
      %dma_wait3A_336 = tpu.memref_slice %arg7[%add3A_334, %dma_wait3A_335] : memref<250x40xi32, #tpu.memory_space<vmem>> -> memref<1x40xi32, #tpu.memory_space<vmem>>
      %dma_wait3A_337 = tpu.memref_squeeze %dma_wait3A_336 : memref<1x40xi32, #tpu.memory_space<vmem>> -> memref<40xi32, #tpu.memory_space<vmem>>
      %dma_wait3A_338 = arith.constant 0 : i32
      %dma_wait3A_339 = arith.constant 0 : i32
      %dma_wait3A_340 = tpu.memref_slice %arg2[%dma_wait3A_338, %dma_wait3A_339] : memref<10000x128xf32, #tpu.memory_space<hbm>> -> memref<10000x128xf32, #tpu.memory_space<hbm>>
      tpu.wait_indirect_dma semaphore(%arg15 : memref<!tpu.dma_semaphore, #tpu.memory_space<semaphore_mem>>) src(%dma_wait3A_340 : memref<10000x128xf32, #tpu.memory_space<hbm>>) dst(%arg9 : memref<40x128xf32, #tpu.memory_space<vmem>>)
      %dma_start3A_341 = arith.constant 0 : i32
      %dma_start3A_342 = tpu.memref_slice %arg8[%add3A_334, %dma_start3A_341] : memref<250x40xi32, #tpu.memory_space<vmem>> -> memref<1x40xi32, #tpu.memory_space<vmem>>
      %dma_start3A_343 = tpu.memref_squeeze %dma_start3A_342 : memref<1x40xi32, #tpu.memory_space<vmem>> -> memref<40xi32, #tpu.memory_space<vmem>>
      %dma_start3A_344 = arith.constant 0 : i32
      %dma_start3A_345 = arith.constant 0 : i32
      %dma_start3A_346 = tpu.memref_slice %arg14[%dma_start3A_344, %dma_start3A_345] : memref<10000x128xf32, #tpu.memory_space<vmem_shared>> -> memref<10000x128xf32, #tpu.memory_space<vmem_shared>>
      tpu.enqueue_indirect_dma source(%arg9 : memref<40x128xf32, #tpu.memory_space<vmem>>) target(%dma_start3A_346 : memref<10000x128xf32, #tpu.memory_space<vmem_shared>>) offsets(%dma_start3A_343 : memref<40xi32, #tpu.memory_space<vmem>>) semaphore(%arg20 : memref<!tpu.dma_semaphore, #tpu.memory_space<semaphore_mem>>) {add = true}
      %sub3A_347 = arith.constant 1 : i32
      %sub3A_348 = arith.subi %add3A_334, %sub3A_347 : i32
      %dma_wait3A_349 = arith.constant 0 : i32
      %dma_wait3A_350 = tpu.memref_slice %arg8[%sub3A_348, %dma_wait3A_349] : memref<250x40xi32, #tpu.memory_space<vmem>> -> memref<1x40xi32, #tpu.memory_space<vmem>>
      %dma_wait3A_351 = tpu.memref_squeeze %dma_wait3A_350 : memref<1x40xi32, #tpu.memory_space<vmem>> -> memref<40xi32, #tpu.memory_space<vmem>>
      %dma_wait3A_352 = arith.constant 0 : i32
      %dma_wait3A_353 = arith.constant 0 : i32
      %dma_wait3A_354 = tpu.memref_slice %arg14[%dma_wait3A_352, %dma_wait3A_353] : memref<10000x128xf32, #tpu.memory_space<vmem_shared>> -> memref<10000x128xf32, #tpu.memory_space<vmem_shared>>
      tpu.wait_indirect_dma semaphore(%arg24 : memref<!tpu.dma_semaphore, #tpu.memory_space<semaphore_mem>>) src(%arg13 : memref<40x128xf32, #tpu.memory_space<vmem>>) dst(%dma_wait3A_354 : memref<10000x128xf32, #tpu.memory_space<vmem_shared>>)
      %add3A_355 = arith.constant 5 : i32
      %add3A_356 = arith.addi %add3A_334, %add3A_355 : i32
      %sub3A_357 = arith.constant 1 : i32
      %sub3A_358 = arith.subi %add3A_356, %sub3A_357 : i32
      %dma_start3A_359 = arith.constant 0 : i32
      %dma_start3A_360 = tpu.memref_slice %arg7[%sub3A_358, %dma_start3A_359] : memref<250x40xi32, #tpu.memory_space<vmem>> -> memref<1x40xi32, #tpu.memory_space<vmem>>
      %dma_start3A_361 = tpu.memref_squeeze %dma_start3A_360 : memref<1x40xi32, #tpu.memory_space<vmem>> -> memref<40xi32, #tpu.memory_space<vmem>>
      %dma_start3A_362 = arith.constant 0 : i32
      %dma_start3A_363 = arith.constant 0 : i32
      %dma_start3A_364 = tpu.memref_slice %arg2[%dma_start3A_362, %dma_start3A_363] : memref<10000x128xf32, #tpu.memory_space<hbm>> -> memref<10000x128xf32, #tpu.memory_space<hbm>>
      tpu.enqueue_indirect_dma source(%dma_start3A_364 : memref<10000x128xf32, #tpu.memory_space<hbm>>) target(%arg13 : memref<40x128xf32, #tpu.memory_space<vmem>>) offsets(%dma_start3A_361 : memref<40xi32, #tpu.memory_space<vmem>>) semaphore(%arg19 : memref<!tpu.dma_semaphore, #tpu.memory_space<semaphore_mem>>)
    }
    %scan3A_98 = arith.constant 49 : i32
    %dma_wait3A_99 = arith.constant 246 : i32
    %dma_wait3A_100 = arith.constant 0 : i32
    %dma_wait3A_101 = tpu.memref_slice %arg7[%dma_wait3A_99, %dma_wait3A_100] : memref<250x40xi32, #tpu.memory_space<vmem>> -> memref<1x40xi32, #tpu.memory_space<vmem>>
    %dma_wait3A_102 = tpu.memref_squeeze %dma_wait3A_101 : memref<1x40xi32, #tpu.memory_space<vmem>> -> memref<40xi32, #tpu.memory_space<vmem>>
    %dma_wait3A_103 = arith.constant 0 : i32
    %dma_wait3A_104 = arith.constant 0 : i32
    %dma_wait3A_105 = tpu.memref_slice %arg2[%dma_wait3A_103, %dma_wait3A_104] : memref<10000x128xf32, #tpu.memory_space<hbm>> -> memref<10000x128xf32, #tpu.memory_space<hbm>>
    tpu.wait_indirect_dma semaphore(%arg16 : memref<!tpu.dma_semaphore, #tpu.memory_space<semaphore_mem>>) src(%dma_wait3A_105 : memref<10000x128xf32, #tpu.memory_space<hbm>>) dst(%arg10 : memref<40x128xf32, #tpu.memory_space<vmem>>)
    %dma_start3A_106 = arith.constant 246 : i32
    %dma_start3A_107 = arith.constant 0 : i32
    %dma_start3A_108 = tpu.memref_slice %arg8[%dma_start3A_106, %dma_start3A_107] : memref<250x40xi32, #tpu.memory_space<vmem>> -> memref<1x40xi32, #tpu.memory_space<vmem>>
    %dma_start3A_109 = tpu.memref_squeeze %dma_start3A_108 : memref<1x40xi32, #tpu.memory_space<vmem>> -> memref<40xi32, #tpu.memory_space<vmem>>
    %dma_start3A_110 = arith.constant 0 : i32
    %dma_start3A_111 = arith.constant 0 : i32
    %dma_start3A_112 = tpu.memref_slice %arg14[%dma_start3A_110, %dma_start3A_111] : memref<10000x128xf32, #tpu.memory_space<vmem_shared>> -> memref<10000x128xf32, #tpu.memory_space<vmem_shared>>
    tpu.enqueue_indirect_dma source(%arg10 : memref<40x128xf32, #tpu.memory_space<vmem>>) target(%dma_start3A_112 : memref<10000x128xf32, #tpu.memory_space<vmem_shared>>) offsets(%dma_start3A_109 : memref<40xi32, #tpu.memory_space<vmem>>) semaphore(%arg21 : memref<!tpu.dma_semaphore, #tpu.memory_space<semaphore_mem>>) {add = true}
    %dma_wait3A_113 = arith.constant 247 : i32
    %dma_wait3A_114 = arith.constant 0 : i32
    %dma_wait3A_115 = tpu.memref_slice %arg7[%dma_wait3A_113, %dma_wait3A_114] : memref<250x40xi32, #tpu.memory_space<vmem>> -> memref<1x40xi32, #tpu.memory_space<vmem>>
    %dma_wait3A_116 = tpu.memref_squeeze %dma_wait3A_115 : memref<1x40xi32, #tpu.memory_space<vmem>> -> memref<40xi32, #tpu.memory_space<vmem>>
    %dma_wait3A_117 = arith.constant 0 : i32
    %dma_wait3A_118 = arith.constant 0 : i32
    %dma_wait3A_119 = tpu.memref_slice %arg2[%dma_wait3A_117, %dma_wait3A_118] : memref<10000x128xf32, #tpu.memory_space<hbm>> -> memref<10000x128xf32, #tpu.memory_space<hbm>>
    tpu.wait_indirect_dma semaphore(%arg17 : memref<!tpu.dma_semaphore, #tpu.memory_space<semaphore_mem>>) src(%dma_wait3A_119 : memref<10000x128xf32, #tpu.memory_space<hbm>>) dst(%arg11 : memref<40x128xf32, #tpu.memory_space<vmem>>)
    %dma_start3A_120 = arith.constant 247 : i32
    %dma_start3A_121 = arith.constant 0 : i32
    %dma_start3A_122 = tpu.memref_slice %arg8[%dma_start3A_120, %dma_start3A_121] : memref<250x40xi32, #tpu.memory_space<vmem>> -> memref<1x40xi32, #tpu.memory_space<vmem>>
    %dma_start3A_123 = tpu.memref_squeeze %dma_start3A_122 : memref<1x40xi32, #tpu.memory_space<vmem>> -> memref<40xi32, #tpu.memory_space<vmem>>
    %dma_start3A_124 = arith.constant 0 : i32
    %dma_start3A_125 = arith.constant 0 : i32
    %dma_start3A_126 = tpu.memref_slice %arg14[%dma_start3A_124, %dma_start3A_125] : memref<10000x128xf32, #tpu.memory_space<vmem_shared>> -> memref<10000x128xf32, #tpu.memory_space<vmem_shared>>
    tpu.enqueue_indirect_dma source(%arg11 : memref<40x128xf32, #tpu.memory_space<vmem>>) target(%dma_start3A_126 : memref<10000x128xf32, #tpu.memory_space<vmem_shared>>) offsets(%dma_start3A_123 : memref<40xi32, #tpu.memory_space<vmem>>) semaphore(%arg22 : memref<!tpu.dma_semaphore, #tpu.memory_space<semaphore_mem>>) {add = true}
    %dma_wait3A_127 = arith.constant 248 : i32
    %dma_wait3A_128 = arith.constant 0 : i32
    %dma_wait3A_129 = tpu.memref_slice %arg7[%dma_wait3A_127, %dma_wait3A_128] : memref<250x40xi32, #tpu.memory_space<vmem>> -> memref<1x40xi32, #tpu.memory_space<vmem>>
    %dma_wait3A_130 = tpu.memref_squeeze %dma_wait3A_129 : memref<1x40xi32, #tpu.memory_space<vmem>> -> memref<40xi32, #tpu.memory_space<vmem>>
    %dma_wait3A_131 = arith.constant 0 : i32
    %dma_wait3A_132 = arith.constant 0 : i32
    %dma_wait3A_133 = tpu.memref_slice %arg2[%dma_wait3A_131, %dma_wait3A_132] : memref<10000x128xf32, #tpu.memory_space<hbm>> -> memref<10000x128xf32, #tpu.memory_space<hbm>>
    tpu.wait_indirect_dma semaphore(%arg18 : memref<!tpu.dma_semaphore, #tpu.memory_space<semaphore_mem>>) src(%dma_wait3A_133 : memref<10000x128xf32, #tpu.memory_space<hbm>>) dst(%arg12 : memref<40x128xf32, #tpu.memory_space<vmem>>)
    %dma_start3A_134 = arith.constant 248 : i32
    %dma_start3A_135 = arith.constant 0 : i32
    %dma_start3A_136 = tpu.memref_slice %arg8[%dma_start3A_134, %dma_start3A_135] : memref<250x40xi32, #tpu.memory_space<vmem>> -> memref<1x40xi32, #tpu.memory_space<vmem>>
    %dma_start3A_137 = tpu.memref_squeeze %dma_start3A_136 : memref<1x40xi32, #tpu.memory_space<vmem>> -> memref<40xi32, #tpu.memory_space<vmem>>
    %dma_start3A_138 = arith.constant 0 : i32
    %dma_start3A_139 = arith.constant 0 : i32
    %dma_start3A_140 = tpu.memref_slice %arg14[%dma_start3A_138, %dma_start3A_139] : memref<10000x128xf32, #tpu.memory_space<vmem_shared>> -> memref<10000x128xf32, #tpu.memory_space<vmem_shared>>
    tpu.enqueue_indirect_dma source(%arg12 : memref<40x128xf32, #tpu.memory_space<vmem>>) target(%dma_start3A_140 : memref<10000x128xf32, #tpu.memory_space<vmem_shared>>) offsets(%dma_start3A_137 : memref<40xi32, #tpu.memory_space<vmem>>) semaphore(%arg23 : memref<!tpu.dma_semaphore, #tpu.memory_space<semaphore_mem>>) {add = true}
    %dma_wait3A_141 = arith.constant 249 : i32
    %dma_wait3A_142 = arith.constant 0 : i32
    %dma_wait3A_143 = tpu.memref_slice %arg7[%dma_wait3A_141, %dma_wait3A_142] : memref<250x40xi32, #tpu.memory_space<vmem>> -> memref<1x40xi32, #tpu.memory_space<vmem>>
    %dma_wait3A_144 = tpu.memref_squeeze %dma_wait3A_143 : memref<1x40xi32, #tpu.memory_space<vmem>> -> memref<40xi32, #tpu.memory_space<vmem>>
    %dma_wait3A_145 = arith.constant 0 : i32
    %dma_wait3A_146 = arith.constant 0 : i32
    %dma_wait3A_147 = tpu.memref_slice %arg2[%dma_wait3A_145, %dma_wait3A_146] : memref<10000x128xf32, #tpu.memory_space<hbm>> -> memref<10000x128xf32, #tpu.memory_space<hbm>>
    tpu.wait_indirect_dma semaphore(%arg19 : memref<!tpu.dma_semaphore, #tpu.memory_space<semaphore_mem>>) src(%dma_wait3A_147 : memref<10000x128xf32, #tpu.memory_space<hbm>>) dst(%arg13 : memref<40x128xf32, #tpu.memory_space<vmem>>)
    %dma_start3A_148 = arith.constant 249 : i32
    %dma_start3A_149 = arith.constant 0 : i32
    %dma_start3A_150 = tpu.memref_slice %arg8[%dma_start3A_148, %dma_start3A_149] : memref<250x40xi32, #tpu.memory_space<vmem>> -> memref<1x40xi32, #tpu.memory_space<vmem>>
    %dma_start3A_151 = tpu.memref_squeeze %dma_start3A_150 : memref<1x40xi32, #tpu.memory_space<vmem>> -> memref<40xi32, #tpu.memory_space<vmem>>
    %dma_start3A_152 = arith.constant 0 : i32
    %dma_start3A_153 = arith.constant 0 : i32
    %dma_start3A_154 = tpu.memref_slice %arg14[%dma_start3A_152, %dma_start3A_153] : memref<10000x128xf32, #tpu.memory_space<vmem_shared>> -> memref<10000x128xf32, #tpu.memory_space<vmem_shared>>
    tpu.enqueue_indirect_dma source(%arg13 : memref<40x128xf32, #tpu.memory_space<vmem>>) target(%dma_start3A_154 : memref<10000x128xf32, #tpu.memory_space<vmem_shared>>) offsets(%dma_start3A_151 : memref<40xi32, #tpu.memory_space<vmem>>) semaphore(%arg24 : memref<!tpu.dma_semaphore, #tpu.memory_space<semaphore_mem>>) {add = true}
    %dma_wait3A_155 = arith.constant 245 : i32
    %dma_wait3A_156 = arith.constant 0 : i32
    %dma_wait3A_157 = tpu.memref_slice %arg8[%dma_wait3A_155, %dma_wait3A_156] : memref<250x40xi32, #tpu.memory_space<vmem>> -> memref<1x40xi32, #tpu.memory_space<vmem>>
    %dma_wait3A_158 = tpu.memref_squeeze %dma_wait3A_157 : memref<1x40xi32, #tpu.memory_space<vmem>> -> memref<40xi32, #tpu.memory_space<vmem>>
    %dma_wait3A_159 = arith.constant 0 : i32
    %dma_wait3A_160 = arith.constant 0 : i32
    %dma_wait3A_161 = tpu.memref_slice %arg14[%dma_wait3A_159, %dma_wait3A_160] : memref<10000x128xf32, #tpu.memory_space<vmem_shared>> -> memref<10000x128xf32, #tpu.memory_space<vmem_shared>>
    tpu.wait_indirect_dma semaphore(%arg20 : memref<!tpu.dma_semaphore, #tpu.memory_space<semaphore_mem>>) src(%arg9 : memref<40x128xf32, #tpu.memory_space<vmem>>) dst(%dma_wait3A_161 : memref<10000x128xf32, #tpu.memory_space<vmem_shared>>)
    %dma_wait3A_162 = arith.constant 246 : i32
    %dma_wait3A_163 = arith.constant 0 : i32
    %dma_wait3A_164 = tpu.memref_slice %arg8[%dma_wait3A_162, %dma_wait3A_163] : memref<250x40xi32, #tpu.memory_space<vmem>> -> memref<1x40xi32, #tpu.memory_space<vmem>>
    %dma_wait3A_165 = tpu.memref_squeeze %dma_wait3A_164 : memref<1x40xi32, #tpu.memory_space<vmem>> -> memref<40xi32, #tpu.memory_space<vmem>>
    %dma_wait3A_166 = arith.constant 0 : i32
    %dma_wait3A_167 = arith.constant 0 : i32
    %dma_wait3A_168 = tpu.memref_slice %arg14[%dma_wait3A_166, %dma_wait3A_167] : memref<10000x128xf32, #tpu.memory_space<vmem_shared>> -> memref<10000x128xf32, #tpu.memory_space<vmem_shared>>
    tpu.wait_indirect_dma semaphore(%arg21 : memref<!tpu.dma_semaphore, #tpu.memory_space<semaphore_mem>>) src(%arg10 : memref<40x128xf32, #tpu.memory_space<vmem>>) dst(%dma_wait3A_168 : memref<10000x128xf32, #tpu.memory_space<vmem_shared>>)
    %dma_wait3A_169 = arith.constant 247 : i32
    %dma_wait3A_170 = arith.constant 0 : i32
    %dma_wait3A_171 = tpu.memref_slice %arg8[%dma_wait3A_169, %dma_wait3A_170] : memref<250x40xi32, #tpu.memory_space<vmem>> -> memref<1x40xi32, #tpu.memory_space<vmem>>
    %dma_wait3A_172 = tpu.memref_squeeze %dma_wait3A_171 : memref<1x40xi32, #tpu.memory_space<vmem>> -> memref<40xi32, #tpu.memory_space<vmem>>
    %dma_wait3A_173 = arith.constant 0 : i32
    %dma_wait3A_174 = arith.constant 0 : i32
    %dma_wait3A_175 = tpu.memref_slice %arg14[%dma_wait3A_173, %dma_wait3A_174] : memref<10000x128xf32, #tpu.memory_space<vmem_shared>> -> memref<10000x128xf32, #tpu.memory_space<vmem_shared>>
    tpu.wait_indirect_dma semaphore(%arg22 : memref<!tpu.dma_semaphore, #tpu.memory_space<semaphore_mem>>) src(%arg11 : memref<40x128xf32, #tpu.memory_space<vmem>>) dst(%dma_wait3A_175 : memref<10000x128xf32, #tpu.memory_space<vmem_shared>>)
    %dma_wait3A_176 = arith.constant 248 : i32
    %dma_wait3A_177 = arith.constant 0 : i32
    %dma_wait3A_178 = tpu.memref_slice %arg8[%dma_wait3A_176, %dma_wait3A_177] : memref<250x40xi32, #tpu.memory_space<vmem>> -> memref<1x40xi32, #tpu.memory_space<vmem>>
    %dma_wait3A_179 = tpu.memref_squeeze %dma_wait3A_178 : memref<1x40xi32, #tpu.memory_space<vmem>> -> memref<40xi32, #tpu.memory_space<vmem>>
    %dma_wait3A_180 = arith.constant 0 : i32
    %dma_wait3A_181 = arith.constant 0 : i32
    %dma_wait3A_182 = tpu.memref_slice %arg14[%dma_wait3A_180, %dma_wait3A_181] : memref<10000x128xf32, #tpu.memory_space<vmem_shared>> -> memref<10000x128xf32, #tpu.memory_space<vmem_shared>>
    tpu.wait_indirect_dma semaphore(%arg23 : memref<!tpu.dma_semaphore, #tpu.memory_space<semaphore_mem>>) src(%arg12 : memref<40x128xf32, #tpu.memory_space<vmem>>) dst(%dma_wait3A_182 : memref<10000x128xf32, #tpu.memory_space<vmem_shared>>)
    %dma_wait3A_183 = arith.constant 249 : i32
    %dma_wait3A_184 = arith.constant 0 : i32
    %dma_wait3A_185 = tpu.memref_slice %arg8[%dma_wait3A_183, %dma_wait3A_184] : memref<250x40xi32, #tpu.memory_space<vmem>> -> memref<1x40xi32, #tpu.memory_space<vmem>>
    %dma_wait3A_186 = tpu.memref_squeeze %dma_wait3A_185 : memref<1x40xi32, #tpu.memory_space<vmem>> -> memref<40xi32, #tpu.memory_space<vmem>>
    %dma_wait3A_187 = arith.constant 0 : i32
    %dma_wait3A_188 = arith.constant 0 : i32
    %dma_wait3A_189 = tpu.memref_slice %arg14[%dma_wait3A_187, %dma_wait3A_188] : memref<10000x128xf32, #tpu.memory_space<vmem_shared>> -> memref<10000x128xf32, #tpu.memory_space<vmem_shared>>
    tpu.wait_indirect_dma semaphore(%arg24 : memref<!tpu.dma_semaphore, #tpu.memory_space<semaphore_mem>>) src(%arg13 : memref<40x128xf32, #tpu.memory_space<vmem>>) dst(%dma_wait3A_189 : memref<10000x128xf32, #tpu.memory_space<vmem_shared>>)
    %barrier3A_190 = arith.constant 0 : index
    tpu.barrier barrier_id(%barrier3A_190)
    %eq3A_191 = arith.constant 0 : i32
    %eq3A_192 = arith.cmpi eq, %arg0, %eq3A_191 : i32
    %convert_element_type3A_193 = arith.extui %eq3A_192 : i1 to i32
    %cond3A_194 = arith.constant 0 : i32
    %cond3A_195 = arith.cmpi ne, %convert_element_type3A_193, %cond3A_194 : i32
    scf.if %cond3A_195 {
      "tpu.region"() ({
        %run_scoped3A = tpu.sem_alloc : memref<!tpu.dma_semaphore, #tpu.memory_space<semaphore_mem>>
        %dma_start3A_206 = arith.constant 0 : i32
        %dma_start3A_207 = tpu.memref_slice %arg5[%mul3A_17, %dma_start3A_206] : memref<10000x128xf32, #tpu.memory_space<hbm>> -> memref<624x128xf32, #tpu.memory_space<hbm>>
        %dma_start3A_208 = arith.constant 0 : i32
        %dma_start3A_209 = tpu.memref_slice %arg14[%mul3A_17, %dma_start3A_208] : memref<10000x128xf32, #tpu.memory_space<vmem_shared>> -> memref<624x128xf32, #tpu.memory_space<vmem_shared>>
        tpu.enqueue_dma source(%dma_start3A_209 : memref<624x128xf32, #tpu.memory_space<vmem_shared>>) target(%dma_start3A_207 : memref<624x128xf32, #tpu.memory_space<hbm>>) target_semaphore(%run_scoped3A : memref<!tpu.dma_semaphore, #tpu.memory_space<semaphore_mem>>)
        %dma_wait3A_210 = arith.constant 0 : i32
        %dma_wait3A_211 = tpu.memref_slice %arg5[%mul3A_17, %dma_wait3A_210] : memref<10000x128xf32, #tpu.memory_space<hbm>> -> memref<624x128xf32, #tpu.memory_space<hbm>>
        %dma_wait3A_212 = arith.constant 0 : i32
        %dma_wait3A_213 = tpu.memref_slice %arg14[%mul3A_17, %dma_wait3A_212] : memref<10000x128xf32, #tpu.memory_space<vmem_shared>> -> memref<624x128xf32, #tpu.memory_space<vmem_shared>>
        tpu.wait_dma2 semaphore(%run_scoped3A : memref<!tpu.dma_semaphore, #tpu.memory_space<semaphore_mem>>) src(%dma_wait3A_213 : memref<624x128xf32, #tpu.memory_space<vmem_shared>>) dst(%dma_wait3A_211 : memref<624x128xf32, #tpu.memory_space<hbm>>)
        tpu.yield
      }) : () -> ()
      %eq3A_201 = arith.constant 0 : i32
      %eq3A_202 = arith.cmpi eq, %arg1, %eq3A_201 : i32
      %convert_element_type3A_203 = arith.extui %eq3A_202 : i1 to i32
      %cond3A_204 = arith.constant 0 : i32
      %cond3A_205 = arith.cmpi ne, %convert_element_type3A_203, %cond3A_204 : i32
      scf.if %cond3A_205 {
        "tpu.region"() ({
          %run_scoped3A = tpu.sem_alloc : memref<!tpu.dma_semaphore, #tpu.memory_space<semaphore_mem>>
          %dma_start3A_206 = arith.constant 9984 : i32
          %dma_start3A_207 = arith.constant 0 : i32
          %dma_start3A_208 = tpu.memref_slice %arg5[%dma_start3A_206, %dma_start3A_207] : memref<10000x128xf32, #tpu.memory_space<hbm>> -> memref<16x128xf32, #tpu.memory_space<hbm>>
          %dma_start3A_209 = arith.constant 9984 : i32
          %dma_start3A_210 = arith.constant 0 : i32
          %dma_start3A_211 = tpu.memref_slice %arg14[%dma_start3A_209, %dma_start3A_210] : memref<10000x128xf32, #tpu.memory_space<vmem_shared>> -> memref<16x128xf32, #tpu.memory_space<vmem_shared>>
          tpu.enqueue_dma source(%dma_start3A_211 : memref<16x128xf32, #tpu.memory_space<vmem_shared>>) target(%dma_start3A_208 : memref<16x128xf32, #tpu.memory_space<hbm>>) target_semaphore(%run_scoped3A : memref<!tpu.dma_semaphore, #tpu.memory_space<semaphore_mem>>)
          %dma_wait3A_212 = arith.constant 9984 : i32
          %dma_wait3A_213 = arith.constant 0 : i32
          %dma_wait3A_214 = tpu.memref_slice %arg5[%dma_wait3A_212, %dma_wait3A_213] : memref<10000x128xf32, #tpu.memory_space<hbm>> -> memref<16x128xf32, #tpu.memory_space<hbm>>
          %dma_wait3A_215 = arith.constant 9984 : i32
          %dma_wait3A_216 = arith.constant 0 : i32
          %dma_wait3A_217 = tpu.memref_slice %arg14[%dma_wait3A_215, %dma_wait3A_216] : memref<10000x128xf32, #tpu.memory_space<vmem_shared>> -> memref<16x128xf32, #tpu.memory_space<vmem_shared>>
          tpu.wait_dma2 semaphore(%run_scoped3A : memref<!tpu.dma_semaphore, #tpu.memory_space<semaphore_mem>>) src(%dma_wait3A_217 : memref<16x128xf32, #tpu.memory_space<vmem_shared>>) dst(%dma_wait3A_214 : memref<16x128xf32, #tpu.memory_space<hbm>>)
          tpu.yield
        }) : () -> ()
      } else {
      }
    } else {
    }
    %eq3A_196 = arith.constant 1 : i32
    %eq3A_197 = arith.cmpi eq, %arg0, %eq3A_196 : i32
    %convert_element_type3A_198 = arith.extui %eq3A_197 : i1 to i32
    %cond3A_199 = arith.constant 0 : i32
    %cond3A_200 = arith.cmpi ne, %convert_element_type3A_198, %cond3A_199 : i32
    scf.if %cond3A_200 {
      "tpu.region"() ({
        %run_scoped3A = tpu.sem_alloc : memref<!tpu.dma_semaphore, #tpu.memory_space<semaphore_mem>>
        %dma_start3A_206 = arith.constant 0 : i32
        %dma_start3A_207 = tpu.memref_slice %arg6[%mul3A_17, %dma_start3A_206] : memref<10000x128xf32, #tpu.memory_space<hbm>> -> memref<624x128xf32, #tpu.memory_space<hbm>>
        %dma_start3A_208 = arith.constant 0 : i32
        %dma_start3A_209 = tpu.memref_slice %arg14[%mul3A_17, %dma_start3A_208] : memref<10000x128xf32, #tpu.memory_space<vmem_shared>> -> memref<624x128xf32, #tpu.memory_space<vmem_shared>>
        tpu.enqueue_dma source(%dma_start3A_209 : memref<624x128xf32, #tpu.memory_space<vmem_shared>>) target(%dma_start3A_207 : memref<624x128xf32, #tpu.memory_space<hbm>>) target_semaphore(%run_scoped3A : memref<!tpu.dma_semaphore, #tpu.memory_space<semaphore_mem>>)
        %dma_wait3A_210 = arith.constant 0 : i32
        %dma_wait3A_211 = tpu.memref_slice %arg6[%mul3A_17, %dma_wait3A_210] : memref<10000x128xf32, #tpu.memory_space<hbm>> -> memref<624x128xf32, #tpu.memory_space<hbm>>
        %dma_wait3A_212 = arith.constant 0 : i32
        %dma_wait3A_213 = tpu.memref_slice %arg14[%mul3A_17, %dma_wait3A_212] : memref<10000x128xf32, #tpu.memory_space<vmem_shared>> -> memref<624x128xf32, #tpu.memory_space<vmem_shared>>
        tpu.wait_dma2 semaphore(%run_scoped3A : memref<!tpu.dma_semaphore, #tpu.memory_space<semaphore_mem>>) src(%dma_wait3A_213 : memref<624x128xf32, #tpu.memory_space<vmem_shared>>) dst(%dma_wait3A_211 : memref<624x128xf32, #tpu.memory_space<hbm>>)
        tpu.yield
      }) : () -> ()
      %eq3A_201 = arith.constant 0 : i32
      %eq3A_202 = arith.cmpi eq, %arg1, %eq3A_201 : i32
      %convert_element_type3A_203 = arith.extui %eq3A_202 : i1 to i32
      %cond3A_204 = arith.constant 0 : i32
      %cond3A_205 = arith.cmpi ne, %convert_element_type3A_203, %cond3A_204 : i32
      scf.if %cond3A_205 {
        "tpu.region"() ({
          %run_scoped3A = tpu.sem_alloc : memref<!tpu.dma_semaphore, #tpu.memory_space<semaphore_mem>>
          %dma_start3A_206 = arith.constant 9984 : i32
          %dma_start3A_207 = arith.constant 0 : i32
          %dma_start3A_208 = tpu.memref_slice %arg6[%dma_start3A_206, %dma_start3A_207] : memref<10000x128xf32, #tpu.memory_space<hbm>> -> memref<16x128xf32, #tpu.memory_space<hbm>>
          %dma_start3A_209 = arith.constant 9984 : i32
          %dma_start3A_210 = arith.constant 0 : i32
          %dma_start3A_211 = tpu.memref_slice %arg14[%dma_start3A_209, %dma_start3A_210] : memref<10000x128xf32, #tpu.memory_space<vmem_shared>> -> memref<16x128xf32, #tpu.memory_space<vmem_shared>>
          tpu.enqueue_dma source(%dma_start3A_211 : memref<16x128xf32, #tpu.memory_space<vmem_shared>>) target(%dma_start3A_208 : memref<16x128xf32, #tpu.memory_space<hbm>>) target_semaphore(%run_scoped3A : memref<!tpu.dma_semaphore, #tpu.memory_space<semaphore_mem>>)
          %dma_wait3A_212 = arith.constant 9984 : i32
          %dma_wait3A_213 = arith.constant 0 : i32
          %dma_wait3A_214 = tpu.memref_slice %arg6[%dma_wait3A_212, %dma_wait3A_213] : memref<10000x128xf32, #tpu.memory_space<hbm>> -> memref<16x128xf32, #tpu.memory_space<hbm>>
          %dma_wait3A_215 = arith.constant 9984 : i32
          %dma_wait3A_216 = arith.constant 0 : i32
          %dma_wait3A_217 = tpu.memref_slice %arg14[%dma_wait3A_215, %dma_wait3A_216] : memref<10000x128xf32, #tpu.memory_space<vmem_shared>> -> memref<16x128xf32, #tpu.memory_space<vmem_shared>>
          tpu.wait_dma2 semaphore(%run_scoped3A : memref<!tpu.dma_semaphore, #tpu.memory_space<semaphore_mem>>) src(%dma_wait3A_217 : memref<16x128xf32, #tpu.memory_space<vmem_shared>>) dst(%dma_wait3A_214 : memref<16x128xf32, #tpu.memory_space<hbm>>)
          tpu.yield
        }) : () -> ()
      } else {
      }
    } else {
    }
    return
  }
}

#map = affine_map<(d0, d1) -> (0, 0)>
#map1 = affine_map<(d0, d1) -> (0, 0, 0)>
module attributes {stable_mosaic.version = 14 : i64} {
  func.func @segsum(%arg0: i32, %arg1: i32, %arg2: memref<10000x40xf32, #tpu.memory_space<hbm>>, %arg3: memref<2x8000x40xi32, #tpu.memory_space<hbm>>, %arg4: memref<10000x40xf32, #tpu.memory_space<hbm>>, %arg5: memref<10000x40xf32, #tpu.memory_space<hbm>>, %arg6: memref<10000x40xf32, #tpu.memory_space<hbm>>, %arg7: memref<250x40xi32, #tpu.memory_space<vmem>>, %arg8: memref<250x40xi32, #tpu.memory_space<vmem>>, %arg9: memref<40x40xf32, #tpu.memory_space<vmem>>, %arg10: memref<40x40xf32, #tpu.memory_space<vmem>>, %arg11: memref<40x40xf32, #tpu.memory_space<vmem>>, %arg12: memref<40x40xf32, #tpu.memory_space<vmem>>, %arg13: memref<40x40xf32, #tpu.memory_space<vmem>>, %arg14: memref<40x40xf32, #tpu.memory_space<vmem>>, %arg15: memref<40x40xf32, #tpu.memory_space<vmem>>, %arg16: memref<40x40xf32, #tpu.memory_space<vmem>>, %arg17: memref<40x40xf32, #tpu.memory_space<vmem>>, %arg18: memref<40x40xf32, #tpu.memory_space<vmem>>, %arg19: memref<10000x40xf32, #tpu.memory_space<vmem_shared>>, %arg20: memref<!tpu.dma_semaphore, #tpu.memory_space<semaphore_mem>>, %arg21: memref<!tpu.dma_semaphore, #tpu.memory_space<semaphore_mem>>, %arg22: memref<!tpu.dma_semaphore, #tpu.memory_space<semaphore_mem>>, %arg23: memref<!tpu.dma_semaphore, #tpu.memory_space<semaphore_mem>>, %arg24: memref<!tpu.dma_semaphore, #tpu.memory_space<semaphore_mem>>, %arg25: memref<!tpu.dma_semaphore, #tpu.memory_space<semaphore_mem>>, %arg26: memref<!tpu.dma_semaphore, #tpu.memory_space<semaphore_mem>>, %arg27: memref<!tpu.dma_semaphore, #tpu.memory_space<semaphore_mem>>, %arg28: memref<!tpu.dma_semaphore, #tpu.memory_space<semaphore_mem>>, %arg29: memref<!tpu.dma_semaphore, #tpu.memory_space<semaphore_mem>>, %arg30: memref<!tpu.dma_semaphore, #tpu.memory_space<semaphore_mem>>, %arg31: memref<!tpu.dma_semaphore, #tpu.memory_space<semaphore_mem>>, %arg32: memref<!tpu.dma_semaphore, #tpu.memory_space<semaphore_mem>>, %arg33: memref<!tpu.dma_semaphore, #tpu.memory_space<semaphore_mem>>, %arg34: memref<!tpu.dma_semaphore, #tpu.memory_space<semaphore_mem>>, %arg35: memref<!tpu.dma_semaphore, #tpu.memory_space<semaphore_mem>>, %arg36: memref<!tpu.dma_semaphore, #tpu.memory_space<semaphore_mem>>, %arg37: memref<!tpu.dma_semaphore, #tpu.memory_space<semaphore_mem>>, %arg38: memref<!tpu.dma_semaphore, #tpu.memory_space<semaphore_mem>>, %arg39: memref<!tpu.dma_semaphore, #tpu.memory_space<semaphore_mem>>, %arg40: memref<!tpu.dma_semaphore, #tpu.memory_space<semaphore_mem>>, %arg41: memref<!tpu.dma_semaphore, #tpu.memory_space<semaphore_mem>>) attributes {dimension_semantics = [#tpu.dimension_semantics<core_parallel>, #tpu.dimension_semantics<subcore_parallel>], iteration_bounds = array<i64: 2, 16>, scalar_prefetch = 0 : i64, scratch_operands = 35 : i64, tpu.core_type = #tpu.core_type<sc_vector_subcore>, window_params = [{transform_indices = #map}, {transform_indices = #map1}, {transform_indices = #map}, {transform_indices = #map}, {transform_indices = #map}]} {
    %mul3A = arith.constant 2 : i32
    %mul3A_0 = arith.muli %arg1, %mul3A : i32
    %add3A = arith.addi %mul3A_0, %arg0 : i32
    %mul3A_1 = arith.constant 250 : i32
    %mul3A_2 = arith.muli %add3A, %mul3A_1 : i32
    %dma_start3A = arith.constant 0 : i32
    %dma_start3A_3 = arith.constant 0 : i32
    %dma_start3A_4 = tpu.memref_slice %arg3[%dma_start3A, %mul3A_2, %dma_start3A_3] : memref<2x8000x40xi32, #tpu.memory_space<hbm>> -> memref<1x250x40xi32, #tpu.memory_space<hbm>>
    %dma_start3A_5 = tpu.memref_squeeze %dma_start3A_4 : memref<1x250x40xi32, #tpu.memory_space<hbm>> -> memref<250x40xi32, #tpu.memory_space<hbm>>
    %dma_start3A_6 = arith.constant 0 : i32
    %dma_start3A_7 = tpu.memref_slice %arg3[%dma_start3A, %mul3A_2, %dma_start3A_6] : memref<2x8000x40xi32, #tpu.memory_space<hbm>> -> memref<1x250x40xi32, #tpu.memory_space<hbm>>
    %dma_start3A_8 = tpu.memref_squeeze %dma_start3A_7 : memref<1x250x40xi32, #tpu.memory_space<hbm>> -> memref<250x40xi32, #tpu.memory_space<hbm>>
    tpu.enqueue_dma source(%dma_start3A_8 : memref<250x40xi32, #tpu.memory_space<hbm>>) target(%arg7 : memref<250x40xi32, #tpu.memory_space<vmem>>) target_semaphore(%arg40 : memref<!tpu.dma_semaphore, #tpu.memory_space<semaphore_mem>>)
    %dma_start3A_9 = arith.constant 1 : i32
    %dma_start3A_10 = arith.constant 0 : i32
    %dma_start3A_11 = tpu.memref_slice %arg3[%dma_start3A_9, %mul3A_2, %dma_start3A_10] : memref<2x8000x40xi32, #tpu.memory_space<hbm>> -> memref<1x250x40xi32, #tpu.memory_space<hbm>>
    %dma_start3A_12 = tpu.memref_squeeze %dma_start3A_11 : memref<1x250x40xi32, #tpu.memory_space<hbm>> -> memref<250x40xi32, #tpu.memory_space<hbm>>
    %dma_start3A_13 = arith.constant 0 : i32
    %dma_start3A_14 = tpu.memref_slice %arg3[%dma_start3A_9, %mul3A_2, %dma_start3A_13] : memref<2x8000x40xi32, #tpu.memory_space<hbm>> -> memref<1x250x40xi32, #tpu.memory_space<hbm>>
    %dma_start3A_15 = tpu.memref_squeeze %dma_start3A_14 : memref<1x250x40xi32, #tpu.memory_space<hbm>> -> memref<250x40xi32, #tpu.memory_space<hbm>>
    tpu.enqueue_dma source(%dma_start3A_15 : memref<250x40xi32, #tpu.memory_space<hbm>>) target(%arg8 : memref<250x40xi32, #tpu.memory_space<vmem>>) target_semaphore(%arg40 : memref<!tpu.dma_semaphore, #tpu.memory_space<semaphore_mem>>)
    %mul3A_16 = arith.constant 624 : i32
    %mul3A_17 = arith.muli %arg1, %mul3A_16 : i32
    %dma_start3A_18 = arith.constant 0 : i32
    %dma_start3A_19 = tpu.memref_slice %arg19[%mul3A_17, %dma_start3A_18] : memref<10000x40xf32, #tpu.memory_space<vmem_shared>> -> memref<624x40xf32, #tpu.memory_space<vmem_shared>>
    %dma_start3A_20 = arith.constant 0 : i32
    %dma_start3A_21 = tpu.memref_slice %arg4[%mul3A_17, %dma_start3A_20] : memref<10000x40xf32, #tpu.memory_space<hbm>> -> memref<624x40xf32, #tpu.memory_space<hbm>>
    tpu.enqueue_dma source(%dma_start3A_21 : memref<624x40xf32, #tpu.memory_space<hbm>>) target(%dma_start3A_19 : memref<624x40xf32, #tpu.memory_space<vmem_shared>>) target_semaphore(%arg41 : memref<!tpu.dma_semaphore, #tpu.memory_space<semaphore_mem>>)
    %eq3A = arith.constant 0 : i32
    %eq3A_22 = arith.cmpi eq, %arg1, %eq3A : i32
    %convert_element_type3A = arith.extui %eq3A_22 : i1 to i32
    %cond3A = arith.constant 0 : i32
    %cond3A_23 = arith.cmpi ne, %convert_element_type3A, %cond3A : i32
    scf.if %cond3A_23 {
      %dma_start3A_341 = arith.constant 9984 : i32
      %dma_start3A_342 = arith.constant 0 : i32
      %dma_start3A_343 = tpu.memref_slice %arg19[%dma_start3A_341, %dma_start3A_342] : memref<10000x40xf32, #tpu.memory_space<vmem_shared>> -> memref<16x40xf32, #tpu.memory_space<vmem_shared>>
      %dma_start3A_344 = arith.constant 9984 : i32
      %dma_start3A_345 = arith.constant 0 : i32
      %dma_start3A_346 = tpu.memref_slice %arg4[%dma_start3A_344, %dma_start3A_345] : memref<10000x40xf32, #tpu.memory_space<hbm>> -> memref<16x40xf32, #tpu.memory_space<hbm>>
      tpu.enqueue_dma source(%dma_start3A_346 : memref<16x40xf32, #tpu.memory_space<hbm>>) target(%dma_start3A_343 : memref<16x40xf32, #tpu.memory_space<vmem_shared>>) target_semaphore(%arg41 : memref<!tpu.dma_semaphore, #tpu.memory_space<semaphore_mem>>)
    } else {
    }
    %dma_wait3A = arith.constant 0 : i32
    %dma_wait3A_24 = arith.constant 0 : i32
    %dma_wait3A_25 = tpu.memref_slice %arg3[%dma_wait3A, %mul3A_2, %dma_wait3A_24] : memref<2x8000x40xi32, #tpu.memory_space<hbm>> -> memref<1x250x40xi32, #tpu.memory_space<hbm>>
    %dma_wait3A_26 = tpu.memref_squeeze %dma_wait3A_25 : memref<1x250x40xi32, #tpu.memory_space<hbm>> -> memref<250x40xi32, #tpu.memory_space<hbm>>
    %dma_wait3A_27 = arith.constant 0 : i32
    %dma_wait3A_28 = tpu.memref_slice %arg3[%dma_wait3A, %mul3A_2, %dma_wait3A_27] : memref<2x8000x40xi32, #tpu.memory_space<hbm>> -> memref<1x250x40xi32, #tpu.memory_space<hbm>>
    %dma_wait3A_29 = tpu.memref_squeeze %dma_wait3A_28 : memref<1x250x40xi32, #tpu.memory_space<hbm>> -> memref<250x40xi32, #tpu.memory_space<hbm>>
    tpu.wait_dma2 semaphore(%arg40 : memref<!tpu.dma_semaphore, #tpu.memory_space<semaphore_mem>>) src(%dma_wait3A_29 : memref<250x40xi32, #tpu.memory_space<hbm>>) dst(%arg7 : memref<250x40xi32, #tpu.memory_space<vmem>>)
    %dma_wait3A_30 = arith.constant 1 : i32
    %dma_wait3A_31 = arith.constant 0 : i32
    %dma_wait3A_32 = tpu.memref_slice %arg3[%dma_wait3A_30, %mul3A_2, %dma_wait3A_31] : memref<2x8000x40xi32, #tpu.memory_space<hbm>> -> memref<1x250x40xi32, #tpu.memory_space<hbm>>
    %dma_wait3A_33 = tpu.memref_squeeze %dma_wait3A_32 : memref<1x250x40xi32, #tpu.memory_space<hbm>> -> memref<250x40xi32, #tpu.memory_space<hbm>>
    %dma_wait3A_34 = arith.constant 0 : i32
    %dma_wait3A_35 = tpu.memref_slice %arg3[%dma_wait3A_30, %mul3A_2, %dma_wait3A_34] : memref<2x8000x40xi32, #tpu.memory_space<hbm>> -> memref<1x250x40xi32, #tpu.memory_space<hbm>>
    %dma_wait3A_36 = tpu.memref_squeeze %dma_wait3A_35 : memref<1x250x40xi32, #tpu.memory_space<hbm>> -> memref<250x40xi32, #tpu.memory_space<hbm>>
    tpu.wait_dma2 semaphore(%arg40 : memref<!tpu.dma_semaphore, #tpu.memory_space<semaphore_mem>>) src(%dma_wait3A_36 : memref<250x40xi32, #tpu.memory_space<hbm>>) dst(%arg8 : memref<250x40xi32, #tpu.memory_space<vmem>>)
    %dma_start3A_37 = arith.constant 0 : i32
    %dma_start3A_38 = arith.constant 0 : i32
    %dma_start3A_39 = tpu.memref_slice %arg7[%dma_start3A_37, %dma_start3A_38] : memref<250x40xi32, #tpu.memory_space<vmem>> -> memref<1x40xi32, #tpu.memory_space<vmem>>
    %dma_start3A_40 = tpu.memref_squeeze %dma_start3A_39 : memref<1x40xi32, #tpu.memory_space<vmem>> -> memref<40xi32, #tpu.memory_space<vmem>>
    %dma_start3A_41 = arith.constant 0 : i32
    %dma_start3A_42 = arith.constant 0 : i32
    %dma_start3A_43 = tpu.memref_slice %arg2[%dma_start3A_41, %dma_start3A_42] : memref<10000x40xf32, #tpu.memory_space<hbm>> -> memref<10000x40xf32, #tpu.memory_space<hbm>>
    tpu.enqueue_indirect_dma source(%dma_start3A_43 : memref<10000x40xf32, #tpu.memory_space<hbm>>) target(%arg9 : memref<40x40xf32, #tpu.memory_space<vmem>>) offsets(%dma_start3A_40 : memref<40xi32, #tpu.memory_space<vmem>>) semaphore(%arg20 : memref<!tpu.dma_semaphore, #tpu.memory_space<semaphore_mem>>)
    %dma_start3A_44 = arith.constant 1 : i32
    %dma_start3A_45 = arith.constant 0 : i32
    %dma_start3A_46 = tpu.memref_slice %arg7[%dma_start3A_44, %dma_start3A_45] : memref<250x40xi32, #tpu.memory_space<vmem>> -> memref<1x40xi32, #tpu.memory_space<vmem>>
    %dma_start3A_47 = tpu.memref_squeeze %dma_start3A_46 : memref<1x40xi32, #tpu.memory_space<vmem>> -> memref<40xi32, #tpu.memory_space<vmem>>
    %dma_start3A_48 = arith.constant 0 : i32
    %dma_start3A_49 = arith.constant 0 : i32
    %dma_start3A_50 = tpu.memref_slice %arg2[%dma_start3A_48, %dma_start3A_49] : memref<10000x40xf32, #tpu.memory_space<hbm>> -> memref<10000x40xf32, #tpu.memory_space<hbm>>
    tpu.enqueue_indirect_dma source(%dma_start3A_50 : memref<10000x40xf32, #tpu.memory_space<hbm>>) target(%arg10 : memref<40x40xf32, #tpu.memory_space<vmem>>) offsets(%dma_start3A_47 : memref<40xi32, #tpu.memory_space<vmem>>) semaphore(%arg21 : memref<!tpu.dma_semaphore, #tpu.memory_space<semaphore_mem>>)
    %dma_start3A_51 = arith.constant 2 : i32
    %dma_start3A_52 = arith.constant 0 : i32
    %dma_start3A_53 = tpu.memref_slice %arg7[%dma_start3A_51, %dma_start3A_52] : memref<250x40xi32, #tpu.memory_space<vmem>> -> memref<1x40xi32, #tpu.memory_space<vmem>>
    %dma_start3A_54 = tpu.memref_squeeze %dma_start3A_53 : memref<1x40xi32, #tpu.memory_space<vmem>> -> memref<40xi32, #tpu.memory_space<vmem>>
    %dma_start3A_55 = arith.constant 0 : i32
    %dma_start3A_56 = arith.constant 0 : i32
    %dma_start3A_57 = tpu.memref_slice %arg2[%dma_start3A_55, %dma_start3A_56] : memref<10000x40xf32, #tpu.memory_space<hbm>> -> memref<10000x40xf32, #tpu.memory_space<hbm>>
    tpu.enqueue_indirect_dma source(%dma_start3A_57 : memref<10000x40xf32, #tpu.memory_space<hbm>>) target(%arg11 : memref<40x40xf32, #tpu.memory_space<vmem>>) offsets(%dma_start3A_54 : memref<40xi32, #tpu.memory_space<vmem>>) semaphore(%arg22 : memref<!tpu.dma_semaphore, #tpu.memory_space<semaphore_mem>>)
    %dma_start3A_58 = arith.constant 3 : i32
    %dma_start3A_59 = arith.constant 0 : i32
    %dma_start3A_60 = tpu.memref_slice %arg7[%dma_start3A_58, %dma_start3A_59] : memref<250x40xi32, #tpu.memory_space<vmem>> -> memref<1x40xi32, #tpu.memory_space<vmem>>
    %dma_start3A_61 = tpu.memref_squeeze %dma_start3A_60 : memref<1x40xi32, #tpu.memory_space<vmem>> -> memref<40xi32, #tpu.memory_space<vmem>>
    %dma_start3A_62 = arith.constant 0 : i32
    %dma_start3A_63 = arith.constant 0 : i32
    %dma_start3A_64 = tpu.memref_slice %arg2[%dma_start3A_62, %dma_start3A_63] : memref<10000x40xf32, #tpu.memory_space<hbm>> -> memref<10000x40xf32, #tpu.memory_space<hbm>>
    tpu.enqueue_indirect_dma source(%dma_start3A_64 : memref<10000x40xf32, #tpu.memory_space<hbm>>) target(%arg12 : memref<40x40xf32, #tpu.memory_space<vmem>>) offsets(%dma_start3A_61 : memref<40xi32, #tpu.memory_space<vmem>>) semaphore(%arg23 : memref<!tpu.dma_semaphore, #tpu.memory_space<semaphore_mem>>)
    %dma_start3A_65 = arith.constant 4 : i32
    %dma_start3A_66 = arith.constant 0 : i32
    %dma_start3A_67 = tpu.memref_slice %arg7[%dma_start3A_65, %dma_start3A_66] : memref<250x40xi32, #tpu.memory_space<vmem>> -> memref<1x40xi32, #tpu.memory_space<vmem>>
    %dma_start3A_68 = tpu.memref_squeeze %dma_start3A_67 : memref<1x40xi32, #tpu.memory_space<vmem>> -> memref<40xi32, #tpu.memory_space<vmem>>
    %dma_start3A_69 = arith.constant 0 : i32
    %dma_start3A_70 = arith.constant 0 : i32
    %dma_start3A_71 = tpu.memref_slice %arg2[%dma_start3A_69, %dma_start3A_70] : memref<10000x40xf32, #tpu.memory_space<hbm>> -> memref<10000x40xf32, #tpu.memory_space<hbm>>
    tpu.enqueue_indirect_dma source(%dma_start3A_71 : memref<10000x40xf32, #tpu.memory_space<hbm>>) target(%arg13 : memref<40x40xf32, #tpu.memory_space<vmem>>) offsets(%dma_start3A_68 : memref<40xi32, #tpu.memory_space<vmem>>) semaphore(%arg24 : memref<!tpu.dma_semaphore, #tpu.memory_space<semaphore_mem>>)
    %dma_start3A_72 = arith.constant 5 : i32
    %dma_start3A_73 = arith.constant 0 : i32
    %dma_start3A_74 = tpu.memref_slice %arg7[%dma_start3A_72, %dma_start3A_73] : memref<250x40xi32, #tpu.memory_space<vmem>> -> memref<1x40xi32, #tpu.memory_space<vmem>>
    %dma_start3A_75 = tpu.memref_squeeze %dma_start3A_74 : memref<1x40xi32, #tpu.memory_space<vmem>> -> memref<40xi32, #tpu.memory_space<vmem>>
    %dma_start3A_76 = arith.constant 0 : i32
    %dma_start3A_77 = arith.constant 0 : i32
    %dma_start3A_78 = tpu.memref_slice %arg2[%dma_start3A_76, %dma_start3A_77] : memref<10000x40xf32, #tpu.memory_space<hbm>> -> memref<10000x40xf32, #tpu.memory_space<hbm>>
    tpu.enqueue_indirect_dma source(%dma_start3A_78 : memref<10000x40xf32, #tpu.memory_space<hbm>>) target(%arg14 : memref<40x40xf32, #tpu.memory_space<vmem>>) offsets(%dma_start3A_75 : memref<40xi32, #tpu.memory_space<vmem>>) semaphore(%arg25 : memref<!tpu.dma_semaphore, #tpu.memory_space<semaphore_mem>>)
    %dma_start3A_79 = arith.constant 6 : i32
    %dma_start3A_80 = arith.constant 0 : i32
    %dma_start3A_81 = tpu.memref_slice %arg7[%dma_start3A_79, %dma_start3A_80] : memref<250x40xi32, #tpu.memory_space<vmem>> -> memref<1x40xi32, #tpu.memory_space<vmem>>
    %dma_start3A_82 = tpu.memref_squeeze %dma_start3A_81 : memref<1x40xi32, #tpu.memory_space<vmem>> -> memref<40xi32, #tpu.memory_space<vmem>>
    %dma_start3A_83 = arith.constant 0 : i32
    %dma_start3A_84 = arith.constant 0 : i32
    %dma_start3A_85 = tpu.memref_slice %arg2[%dma_start3A_83, %dma_start3A_84] : memref<10000x40xf32, #tpu.memory_space<hbm>> -> memref<10000x40xf32, #tpu.memory_space<hbm>>
    tpu.enqueue_indirect_dma source(%dma_start3A_85 : memref<10000x40xf32, #tpu.memory_space<hbm>>) target(%arg15 : memref<40x40xf32, #tpu.memory_space<vmem>>) offsets(%dma_start3A_82 : memref<40xi32, #tpu.memory_space<vmem>>) semaphore(%arg26 : memref<!tpu.dma_semaphore, #tpu.memory_space<semaphore_mem>>)
    %dma_start3A_86 = arith.constant 7 : i32
    %dma_start3A_87 = arith.constant 0 : i32
    %dma_start3A_88 = tpu.memref_slice %arg7[%dma_start3A_86, %dma_start3A_87] : memref<250x40xi32, #tpu.memory_space<vmem>> -> memref<1x40xi32, #tpu.memory_space<vmem>>
    %dma_start3A_89 = tpu.memref_squeeze %dma_start3A_88 : memref<1x40xi32, #tpu.memory_space<vmem>> -> memref<40xi32, #tpu.memory_space<vmem>>
    %dma_start3A_90 = arith.constant 0 : i32
    %dma_start3A_91 = arith.constant 0 : i32
    %dma_start3A_92 = tpu.memref_slice %arg2[%dma_start3A_90, %dma_start3A_91] : memref<10000x40xf32, #tpu.memory_space<hbm>> -> memref<10000x40xf32, #tpu.memory_space<hbm>>
    tpu.enqueue_indirect_dma source(%dma_start3A_92 : memref<10000x40xf32, #tpu.memory_space<hbm>>) target(%arg16 : memref<40x40xf32, #tpu.memory_space<vmem>>) offsets(%dma_start3A_89 : memref<40xi32, #tpu.memory_space<vmem>>) semaphore(%arg27 : memref<!tpu.dma_semaphore, #tpu.memory_space<semaphore_mem>>)
    %dma_start3A_93 = arith.constant 8 : i32
    %dma_start3A_94 = arith.constant 0 : i32
    %dma_start3A_95 = tpu.memref_slice %arg7[%dma_start3A_93, %dma_start3A_94] : memref<250x40xi32, #tpu.memory_space<vmem>> -> memref<1x40xi32, #tpu.memory_space<vmem>>
    %dma_start3A_96 = tpu.memref_squeeze %dma_start3A_95 : memref<1x40xi32, #tpu.memory_space<vmem>> -> memref<40xi32, #tpu.memory_space<vmem>>
    %dma_start3A_97 = arith.constant 0 : i32
    %dma_start3A_98 = arith.constant 0 : i32
    %dma_start3A_99 = tpu.memref_slice %arg2[%dma_start3A_97, %dma_start3A_98] : memref<10000x40xf32, #tpu.memory_space<hbm>> -> memref<10000x40xf32, #tpu.memory_space<hbm>>
    tpu.enqueue_indirect_dma source(%dma_start3A_99 : memref<10000x40xf32, #tpu.memory_space<hbm>>) target(%arg17 : memref<40x40xf32, #tpu.memory_space<vmem>>) offsets(%dma_start3A_96 : memref<40xi32, #tpu.memory_space<vmem>>) semaphore(%arg28 : memref<!tpu.dma_semaphore, #tpu.memory_space<semaphore_mem>>)
    %dma_wait3A_100 = arith.constant 0 : i32
    %dma_wait3A_101 = tpu.memref_slice %arg19[%mul3A_17, %dma_wait3A_100] : memref<10000x40xf32, #tpu.memory_space<vmem_shared>> -> memref<624x40xf32, #tpu.memory_space<vmem_shared>>
    %dma_wait3A_102 = arith.constant 0 : i32
    %dma_wait3A_103 = tpu.memref_slice %arg4[%mul3A_17, %dma_wait3A_102] : memref<10000x40xf32, #tpu.memory_space<hbm>> -> memref<624x40xf32, #tpu.memory_space<hbm>>
    tpu.wait_dma2 semaphore(%arg41 : memref<!tpu.dma_semaphore, #tpu.memory_space<semaphore_mem>>) src(%dma_wait3A_103 : memref<624x40xf32, #tpu.memory_space<hbm>>) dst(%dma_wait3A_101 : memref<624x40xf32, #tpu.memory_space<vmem_shared>>)
    %eq3A_104 = arith.constant 0 : i32
    %eq3A_105 = arith.cmpi eq, %arg1, %eq3A_104 : i32
    %convert_element_type3A_106 = arith.extui %eq3A_105 : i1 to i32
    %cond3A_107 = arith.constant 0 : i32
    %cond3A_108 = arith.cmpi ne, %convert_element_type3A_106, %cond3A_107 : i32
    scf.if %cond3A_108 {
      %dma_wait3A_341 = arith.constant 9984 : i32
      %dma_wait3A_342 = arith.constant 0 : i32
      %dma_wait3A_343 = tpu.memref_slice %arg19[%dma_wait3A_341, %dma_wait3A_342] : memref<10000x40xf32, #tpu.memory_space<vmem_shared>> -> memref<16x40xf32, #tpu.memory_space<vmem_shared>>
      %dma_wait3A_344 = arith.constant 9984 : i32
      %dma_wait3A_345 = arith.constant 0 : i32
      %dma_wait3A_346 = tpu.memref_slice %arg4[%dma_wait3A_344, %dma_wait3A_345] : memref<10000x40xf32, #tpu.memory_space<hbm>> -> memref<16x40xf32, #tpu.memory_space<hbm>>
      tpu.wait_dma2 semaphore(%arg41 : memref<!tpu.dma_semaphore, #tpu.memory_space<semaphore_mem>>) src(%dma_wait3A_346 : memref<16x40xf32, #tpu.memory_space<hbm>>) dst(%dma_wait3A_343 : memref<16x40xf32, #tpu.memory_space<vmem_shared>>)
    } else {
    }
    %barrier3A = arith.constant 0 : index
    tpu.barrier barrier_id(%barrier3A)
    %dma_wait3A_109 = arith.constant 0 : i32
    %dma_wait3A_110 = arith.constant 0 : i32
    %dma_wait3A_111 = tpu.memref_slice %arg7[%dma_wait3A_109, %dma_wait3A_110] : memref<250x40xi32, #tpu.memory_space<vmem>> -> memref<1x40xi32, #tpu.memory_space<vmem>>
    %dma_wait3A_112 = tpu.memref_squeeze %dma_wait3A_111 : memref<1x40xi32, #tpu.memory_space<vmem>> -> memref<40xi32, #tpu.memory_space<vmem>>
    %dma_wait3A_113 = arith.constant 0 : i32
    %dma_wait3A_114 = arith.constant 0 : i32
    %dma_wait3A_115 = tpu.memref_slice %arg2[%dma_wait3A_113, %dma_wait3A_114] : memref<10000x40xf32, #tpu.memory_space<hbm>> -> memref<10000x40xf32, #tpu.memory_space<hbm>>
    tpu.wait_indirect_dma semaphore(%arg20 : memref<!tpu.dma_semaphore, #tpu.memory_space<semaphore_mem>>) src(%dma_wait3A_115 : memref<10000x40xf32, #tpu.memory_space<hbm>>) dst(%arg9 : memref<40x40xf32, #tpu.memory_space<vmem>>)
    %dma_start3A_116 = arith.constant 0 : i32
    %dma_start3A_117 = arith.constant 0 : i32
    %dma_start3A_118 = tpu.memref_slice %arg8[%dma_start3A_116, %dma_start3A_117] : memref<250x40xi32, #tpu.memory_space<vmem>> -> memref<1x40xi32, #tpu.memory_space<vmem>>
    %dma_start3A_119 = tpu.memref_squeeze %dma_start3A_118 : memref<1x40xi32, #tpu.memory_space<vmem>> -> memref<40xi32, #tpu.memory_space<vmem>>
    %dma_start3A_120 = arith.constant 0 : i32
    %dma_start3A_121 = arith.constant 0 : i32
    %dma_start3A_122 = tpu.memref_slice %arg19[%dma_start3A_120, %dma_start3A_121] : memref<10000x40xf32, #tpu.memory_space<vmem_shared>> -> memref<10000x40xf32, #tpu.memory_space<vmem_shared>>
    tpu.enqueue_indirect_dma source(%arg9 : memref<40x40xf32, #tpu.memory_space<vmem>>) target(%dma_start3A_122 : memref<10000x40xf32, #tpu.memory_space<vmem_shared>>) offsets(%dma_start3A_119 : memref<40xi32, #tpu.memory_space<vmem>>) semaphore(%arg30 : memref<!tpu.dma_semaphore, #tpu.memory_space<semaphore_mem>>) {add = true}
    %dma_start3A_123 = arith.constant 9 : i32
    %dma_start3A_124 = arith.constant 0 : i32
    %dma_start3A_125 = tpu.memref_slice %arg7[%dma_start3A_123, %dma_start3A_124] : memref<250x40xi32, #tpu.memory_space<vmem>> -> memref<1x40xi32, #tpu.memory_space<vmem>>
    %dma_start3A_126 = tpu.memref_squeeze %dma_start3A_125 : memref<1x40xi32, #tpu.memory_space<vmem>> -> memref<40xi32, #tpu.memory_space<vmem>>
    %dma_start3A_127 = arith.constant 0 : i32
    %dma_start3A_128 = arith.constant 0 : i32
    %dma_start3A_129 = tpu.memref_slice %arg2[%dma_start3A_127, %dma_start3A_128] : memref<10000x40xf32, #tpu.memory_space<hbm>> -> memref<10000x40xf32, #tpu.memory_space<hbm>>
    tpu.enqueue_indirect_dma source(%dma_start3A_129 : memref<10000x40xf32, #tpu.memory_space<hbm>>) target(%arg18 : memref<40x40xf32, #tpu.memory_space<vmem>>) offsets(%dma_start3A_126 : memref<40xi32, #tpu.memory_space<vmem>>) semaphore(%arg29 : memref<!tpu.dma_semaphore, #tpu.memory_space<semaphore_mem>>)
    %scan3A = arith.constant 0 : i32
    %scan3A_130 = arith.constant 24 : i32
    %scan3A_131 = arith.addi %scan3A, %scan3A_130 : i32
    %scan3A_132 = arith.constant 1 : i32
    scf.for %scan3A_341 = %scan3A to %scan3A_131 step %scan3A_132  : i32 {
      %mul3A_342 = arith.constant 10 : i32
      %mul3A_343 = arith.muli %scan3A_341, %mul3A_342 : i32
      %add3A_344 = arith.constant 1 : i32
      %add3A_345 = arith.addi %add3A_344, %mul3A_343 : i32
      %add3A_346 = arith.constant 0 : i32
      %add3A_347 = arith.addi %add3A_345, %add3A_346 : i32
      %dma_wait3A_348 = arith.constant 0 : i32
      %dma_wait3A_349 = tpu.memref_slice %arg7[%add3A_347, %dma_wait3A_348] : memref<250x40xi32, #tpu.memory_space<vmem>> -> memref<1x40xi32, #tpu.memory_space<vmem>>
      %dma_wait3A_350 = tpu.memref_squeeze %dma_wait3A_349 : memref<1x40xi32, #tpu.memory_space<vmem>> -> memref<40xi32, #tpu.memory_space<vmem>>
      %dma_wait3A_351 = arith.constant 0 : i32
      %dma_wait3A_352 = arith.constant 0 : i32
      %dma_wait3A_353 = tpu.memref_slice %arg2[%dma_wait3A_351, %dma_wait3A_352] : memref<10000x40xf32, #tpu.memory_space<hbm>> -> memref<10000x40xf32, #tpu.memory_space<hbm>>
      tpu.wait_indirect_dma semaphore(%arg21 : memref<!tpu.dma_semaphore, #tpu.memory_space<semaphore_mem>>) src(%dma_wait3A_353 : memref<10000x40xf32, #tpu.memory_space<hbm>>) dst(%arg10 : memref<40x40xf32, #tpu.memory_space<vmem>>)
      %dma_start3A_354 = arith.constant 0 : i32
      %dma_start3A_355 = tpu.memref_slice %arg8[%add3A_347, %dma_start3A_354] : memref<250x40xi32, #tpu.memory_space<vmem>> -> memref<1x40xi32, #tpu.memory_space<vmem>>
      %dma_start3A_356 = tpu.memref_squeeze %dma_start3A_355 : memref<1x40xi32, #tpu.memory_space<vmem>> -> memref<40xi32, #tpu.memory_space<vmem>>
      %dma_start3A_357 = arith.constant 0 : i32
      %dma_start3A_358 = arith.constant 0 : i32
      %dma_start3A_359 = tpu.memref_slice %arg19[%dma_start3A_357, %dma_start3A_358] : memref<10000x40xf32, #tpu.memory_space<vmem_shared>> -> memref<10000x40xf32, #tpu.memory_space<vmem_shared>>
      tpu.enqueue_indirect_dma source(%arg10 : memref<40x40xf32, #tpu.memory_space<vmem>>) target(%dma_start3A_359 : memref<10000x40xf32, #tpu.memory_space<vmem_shared>>) offsets(%dma_start3A_356 : memref<40xi32, #tpu.memory_space<vmem>>) semaphore(%arg31 : memref<!tpu.dma_semaphore, #tpu.memory_space<semaphore_mem>>) {add = true}
      %sub3A = arith.constant 1 : i32
      %sub3A_360 = arith.subi %add3A_347, %sub3A : i32
      %dma_wait3A_361 = arith.constant 0 : i32
      %dma_wait3A_362 = tpu.memref_slice %arg8[%sub3A_360, %dma_wait3A_361] : memref<250x40xi32, #tpu.memory_space<vmem>> -> memref<1x40xi32, #tpu.memory_space<vmem>>
      %dma_wait3A_363 = tpu.memref_squeeze %dma_wait3A_362 : memref<1x40xi32, #tpu.memory_space<vmem>> -> memref<40xi32, #tpu.memory_space<vmem>>
      %dma_wait3A_364 = arith.constant 0 : i32
      %dma_wait3A_365 = arith.constant 0 : i32
      %dma_wait3A_366 = tpu.memref_slice %arg19[%dma_wait3A_364, %dma_wait3A_365] : memref<10000x40xf32, #tpu.memory_space<vmem_shared>> -> memref<10000x40xf32, #tpu.memory_space<vmem_shared>>
      tpu.wait_indirect_dma semaphore(%arg30 : memref<!tpu.dma_semaphore, #tpu.memory_space<semaphore_mem>>) src(%arg9 : memref<40x40xf32, #tpu.memory_space<vmem>>) dst(%dma_wait3A_366 : memref<10000x40xf32, #tpu.memory_space<vmem_shared>>)
      %add3A_367 = arith.constant 10 : i32
      %add3A_368 = arith.addi %add3A_347, %add3A_367 : i32
      %sub3A_369 = arith.constant 1 : i32
      %sub3A_370 = arith.subi %add3A_368, %sub3A_369 : i32
      %dma_start3A_371 = arith.constant 0 : i32
      %dma_start3A_372 = tpu.memref_slice %arg7[%sub3A_370, %dma_start3A_371] : memref<250x40xi32, #tpu.memory_space<vmem>> -> memref<1x40xi32, #tpu.memory_space<vmem>>
      %dma_start3A_373 = tpu.memref_squeeze %dma_start3A_372 : memref<1x40xi32, #tpu.memory_space<vmem>> -> memref<40xi32, #tpu.memory_space<vmem>>
      %dma_start3A_374 = arith.constant 0 : i32
      %dma_start3A_375 = arith.constant 0 : i32
      %dma_start3A_376 = tpu.memref_slice %arg2[%dma_start3A_374, %dma_start3A_375] : memref<10000x40xf32, #tpu.memory_space<hbm>> -> memref<10000x40xf32, #tpu.memory_space<hbm>>
      tpu.enqueue_indirect_dma source(%dma_start3A_376 : memref<10000x40xf32, #tpu.memory_space<hbm>>) target(%arg9 : memref<40x40xf32, #tpu.memory_space<vmem>>) offsets(%dma_start3A_373 : memref<40xi32, #tpu.memory_space<vmem>>) semaphore(%arg20 : memref<!tpu.dma_semaphore, #tpu.memory_space<semaphore_mem>>)
      %add3A_377 = arith.constant 1 : i32
      %add3A_378 = arith.addi %add3A_345, %add3A_377 : i32
      %dma_wait3A_379 = arith.constant 0 : i32
      %dma_wait3A_380 = tpu.memref_slice %arg7[%add3A_378, %dma_wait3A_379] : memref<250x40xi32, #tpu.memory_space<vmem>> -> memref<1x40xi32, #tpu.memory_space<vmem>>
      %dma_wait3A_381 = tpu.memref_squeeze %dma_wait3A_380 : memref<1x40xi32, #tpu.memory_space<vmem>> -> memref<40xi32, #tpu.memory_space<vmem>>
      %dma_wait3A_382 = arith.constant 0 : i32
      %dma_wait3A_383 = arith.constant 0 : i32
      %dma_wait3A_384 = tpu.memref_slice %arg2[%dma_wait3A_382, %dma_wait3A_383] : memref<10000x40xf32, #tpu.memory_space<hbm>> -> memref<10000x40xf32, #tpu.memory_space<hbm>>
      tpu.wait_indirect_dma semaphore(%arg22 : memref<!tpu.dma_semaphore, #tpu.memory_space<semaphore_mem>>) src(%dma_wait3A_384 : memref<10000x40xf32, #tpu.memory_space<hbm>>) dst(%arg11 : memref<40x40xf32, #tpu.memory_space<vmem>>)
      %dma_start3A_385 = arith.constant 0 : i32
      %dma_start3A_386 = tpu.memref_slice %arg8[%add3A_378, %dma_start3A_385] : memref<250x40xi32, #tpu.memory_space<vmem>> -> memref<1x40xi32, #tpu.memory_space<vmem>>
      %dma_start3A_387 = tpu.memref_squeeze %dma_start3A_386 : memref<1x40xi32, #tpu.memory_space<vmem>> -> memref<40xi32, #tpu.memory_space<vmem>>
      %dma_start3A_388 = arith.constant 0 : i32
      %dma_start3A_389 = arith.constant 0 : i32
      %dma_start3A_390 = tpu.memref_slice %arg19[%dma_start3A_388, %dma_start3A_389] : memref<10000x40xf32, #tpu.memory_space<vmem_shared>> -> memref<10000x40xf32, #tpu.memory_space<vmem_shared>>
      tpu.enqueue_indirect_dma source(%arg11 : memref<40x40xf32, #tpu.memory_space<vmem>>) target(%dma_start3A_390 : memref<10000x40xf32, #tpu.memory_space<vmem_shared>>) offsets(%dma_start3A_387 : memref<40xi32, #tpu.memory_space<vmem>>) semaphore(%arg32 : memref<!tpu.dma_semaphore, #tpu.memory_space<semaphore_mem>>) {add = true}
      %sub3A_391 = arith.constant 1 : i32
      %sub3A_392 = arith.subi %add3A_378, %sub3A_391 : i32
      %dma_wait3A_393 = arith.constant 0 : i32
      %dma_wait3A_394 = tpu.memref_slice %arg8[%sub3A_392, %dma_wait3A_393] : memref<250x40xi32, #tpu.memory_space<vmem>> -> memref<1x40xi32, #tpu.memory_space<vmem>>
      %dma_wait3A_395 = tpu.memref_squeeze %dma_wait3A_394 : memref<1x40xi32, #tpu.memory_space<vmem>> -> memref<40xi32, #tpu.memory_space<vmem>>
      %dma_wait3A_396 = arith.constant 0 : i32
      %dma_wait3A_397 = arith.constant 0 : i32
      %dma_wait3A_398 = tpu.memref_slice %arg19[%dma_wait3A_396, %dma_wait3A_397] : memref<10000x40xf32, #tpu.memory_space<vmem_shared>> -> memref<10000x40xf32, #tpu.memory_space<vmem_shared>>
      tpu.wait_indirect_dma semaphore(%arg31 : memref<!tpu.dma_semaphore, #tpu.memory_space<semaphore_mem>>) src(%arg10 : memref<40x40xf32, #tpu.memory_space<vmem>>) dst(%dma_wait3A_398 : memref<10000x40xf32, #tpu.memory_space<vmem_shared>>)
      %add3A_399 = arith.constant 10 : i32
      %add3A_400 = arith.addi %add3A_378, %add3A_399 : i32
      %sub3A_401 = arith.constant 1 : i32
      %sub3A_402 = arith.subi %add3A_400, %sub3A_401 : i32
      %dma_start3A_403 = arith.constant 0 : i32
      %dma_start3A_404 = tpu.memref_slice %arg7[%sub3A_402, %dma_start3A_403] : memref<250x40xi32, #tpu.memory_space<vmem>> -> memref<1x40xi32, #tpu.memory_space<vmem>>
      %dma_start3A_405 = tpu.memref_squeeze %dma_start3A_404 : memref<1x40xi32, #tpu.memory_space<vmem>> -> memref<40xi32, #tpu.memory_space<vmem>>
      %dma_start3A_406 = arith.constant 0 : i32
      %dma_start3A_407 = arith.constant 0 : i32
      %dma_start3A_408 = tpu.memref_slice %arg2[%dma_start3A_406, %dma_start3A_407] : memref<10000x40xf32, #tpu.memory_space<hbm>> -> memref<10000x40xf32, #tpu.memory_space<hbm>>
      tpu.enqueue_indirect_dma source(%dma_start3A_408 : memref<10000x40xf32, #tpu.memory_space<hbm>>) target(%arg10 : memref<40x40xf32, #tpu.memory_space<vmem>>) offsets(%dma_start3A_405 : memref<40xi32, #tpu.memory_space<vmem>>) semaphore(%arg21 : memref<!tpu.dma_semaphore, #tpu.memory_space<semaphore_mem>>)
      %add3A_409 = arith.constant 2 : i32
      %add3A_410 = arith.addi %add3A_345, %add3A_409 : i32
      %dma_wait3A_411 = arith.constant 0 : i32
      %dma_wait3A_412 = tpu.memref_slice %arg7[%add3A_410, %dma_wait3A_411] : memref<250x40xi32, #tpu.memory_space<vmem>> -> memref<1x40xi32, #tpu.memory_space<vmem>>
      %dma_wait3A_413 = tpu.memref_squeeze %dma_wait3A_412 : memref<1x40xi32, #tpu.memory_space<vmem>> -> memref<40xi32, #tpu.memory_space<vmem>>
      %dma_wait3A_414 = arith.constant 0 : i32
      %dma_wait3A_415 = arith.constant 0 : i32
      %dma_wait3A_416 = tpu.memref_slice %arg2[%dma_wait3A_414, %dma_wait3A_415] : memref<10000x40xf32, #tpu.memory_space<hbm>> -> memref<10000x40xf32, #tpu.memory_space<hbm>>
      tpu.wait_indirect_dma semaphore(%arg23 : memref<!tpu.dma_semaphore, #tpu.memory_space<semaphore_mem>>) src(%dma_wait3A_416 : memref<10000x40xf32, #tpu.memory_space<hbm>>) dst(%arg12 : memref<40x40xf32, #tpu.memory_space<vmem>>)
      %dma_start3A_417 = arith.constant 0 : i32
      %dma_start3A_418 = tpu.memref_slice %arg8[%add3A_410, %dma_start3A_417] : memref<250x40xi32, #tpu.memory_space<vmem>> -> memref<1x40xi32, #tpu.memory_space<vmem>>
      %dma_start3A_419 = tpu.memref_squeeze %dma_start3A_418 : memref<1x40xi32, #tpu.memory_space<vmem>> -> memref<40xi32, #tpu.memory_space<vmem>>
      %dma_start3A_420 = arith.constant 0 : i32
      %dma_start3A_421 = arith.constant 0 : i32
      %dma_start3A_422 = tpu.memref_slice %arg19[%dma_start3A_420, %dma_start3A_421] : memref<10000x40xf32, #tpu.memory_space<vmem_shared>> -> memref<10000x40xf32, #tpu.memory_space<vmem_shared>>
      tpu.enqueue_indirect_dma source(%arg12 : memref<40x40xf32, #tpu.memory_space<vmem>>) target(%dma_start3A_422 : memref<10000x40xf32, #tpu.memory_space<vmem_shared>>) offsets(%dma_start3A_419 : memref<40xi32, #tpu.memory_space<vmem>>) semaphore(%arg33 : memref<!tpu.dma_semaphore, #tpu.memory_space<semaphore_mem>>) {add = true}
      %sub3A_423 = arith.constant 1 : i32
      %sub3A_424 = arith.subi %add3A_410, %sub3A_423 : i32
      %dma_wait3A_425 = arith.constant 0 : i32
      %dma_wait3A_426 = tpu.memref_slice %arg8[%sub3A_424, %dma_wait3A_425] : memref<250x40xi32, #tpu.memory_space<vmem>> -> memref<1x40xi32, #tpu.memory_space<vmem>>
      %dma_wait3A_427 = tpu.memref_squeeze %dma_wait3A_426 : memref<1x40xi32, #tpu.memory_space<vmem>> -> memref<40xi32, #tpu.memory_space<vmem>>
      %dma_wait3A_428 = arith.constant 0 : i32
      %dma_wait3A_429 = arith.constant 0 : i32
      %dma_wait3A_430 = tpu.memref_slice %arg19[%dma_wait3A_428, %dma_wait3A_429] : memref<10000x40xf32, #tpu.memory_space<vmem_shared>> -> memref<10000x40xf32, #tpu.memory_space<vmem_shared>>
      tpu.wait_indirect_dma semaphore(%arg32 : memref<!tpu.dma_semaphore, #tpu.memory_space<semaphore_mem>>) src(%arg11 : memref<40x40xf32, #tpu.memory_space<vmem>>) dst(%dma_wait3A_430 : memref<10000x40xf32, #tpu.memory_space<vmem_shared>>)
      %add3A_431 = arith.constant 10 : i32
      %add3A_432 = arith.addi %add3A_410, %add3A_431 : i32
      %sub3A_433 = arith.constant 1 : i32
      %sub3A_434 = arith.subi %add3A_432, %sub3A_433 : i32
      %dma_start3A_435 = arith.constant 0 : i32
      %dma_start3A_436 = tpu.memref_slice %arg7[%sub3A_434, %dma_start3A_435] : memref<250x40xi32, #tpu.memory_space<vmem>> -> memref<1x40xi32, #tpu.memory_space<vmem>>
      %dma_start3A_437 = tpu.memref_squeeze %dma_start3A_436 : memref<1x40xi32, #tpu.memory_space<vmem>> -> memref<40xi32, #tpu.memory_space<vmem>>
      %dma_start3A_438 = arith.constant 0 : i32
      %dma_start3A_439 = arith.constant 0 : i32
      %dma_start3A_440 = tpu.memref_slice %arg2[%dma_start3A_438, %dma_start3A_439] : memref<10000x40xf32, #tpu.memory_space<hbm>> -> memref<10000x40xf32, #tpu.memory_space<hbm>>
      tpu.enqueue_indirect_dma source(%dma_start3A_440 : memref<10000x40xf32, #tpu.memory_space<hbm>>) target(%arg11 : memref<40x40xf32, #tpu.memory_space<vmem>>) offsets(%dma_start3A_437 : memref<40xi32, #tpu.memory_space<vmem>>) semaphore(%arg22 : memref<!tpu.dma_semaphore, #tpu.memory_space<semaphore_mem>>)
      %add3A_441 = arith.constant 3 : i32
      %add3A_442 = arith.addi %add3A_345, %add3A_441 : i32
      %dma_wait3A_443 = arith.constant 0 : i32
      %dma_wait3A_444 = tpu.memref_slice %arg7[%add3A_442, %dma_wait3A_443] : memref<250x40xi32, #tpu.memory_space<vmem>> -> memref<1x40xi32, #tpu.memory_space<vmem>>
      %dma_wait3A_445 = tpu.memref_squeeze %dma_wait3A_444 : memref<1x40xi32, #tpu.memory_space<vmem>> -> memref<40xi32, #tpu.memory_space<vmem>>
      %dma_wait3A_446 = arith.constant 0 : i32
      %dma_wait3A_447 = arith.constant 0 : i32
      %dma_wait3A_448 = tpu.memref_slice %arg2[%dma_wait3A_446, %dma_wait3A_447] : memref<10000x40xf32, #tpu.memory_space<hbm>> -> memref<10000x40xf32, #tpu.memory_space<hbm>>
      tpu.wait_indirect_dma semaphore(%arg24 : memref<!tpu.dma_semaphore, #tpu.memory_space<semaphore_mem>>) src(%dma_wait3A_448 : memref<10000x40xf32, #tpu.memory_space<hbm>>) dst(%arg13 : memref<40x40xf32, #tpu.memory_space<vmem>>)
      %dma_start3A_449 = arith.constant 0 : i32
      %dma_start3A_450 = tpu.memref_slice %arg8[%add3A_442, %dma_start3A_449] : memref<250x40xi32, #tpu.memory_space<vmem>> -> memref<1x40xi32, #tpu.memory_space<vmem>>
      %dma_start3A_451 = tpu.memref_squeeze %dma_start3A_450 : memref<1x40xi32, #tpu.memory_space<vmem>> -> memref<40xi32, #tpu.memory_space<vmem>>
      %dma_start3A_452 = arith.constant 0 : i32
      %dma_start3A_453 = arith.constant 0 : i32
      %dma_start3A_454 = tpu.memref_slice %arg19[%dma_start3A_452, %dma_start3A_453] : memref<10000x40xf32, #tpu.memory_space<vmem_shared>> -> memref<10000x40xf32, #tpu.memory_space<vmem_shared>>
      tpu.enqueue_indirect_dma source(%arg13 : memref<40x40xf32, #tpu.memory_space<vmem>>) target(%dma_start3A_454 : memref<10000x40xf32, #tpu.memory_space<vmem_shared>>) offsets(%dma_start3A_451 : memref<40xi32, #tpu.memory_space<vmem>>) semaphore(%arg34 : memref<!tpu.dma_semaphore, #tpu.memory_space<semaphore_mem>>) {add = true}
      %sub3A_455 = arith.constant 1 : i32
      %sub3A_456 = arith.subi %add3A_442, %sub3A_455 : i32
      %dma_wait3A_457 = arith.constant 0 : i32
      %dma_wait3A_458 = tpu.memref_slice %arg8[%sub3A_456, %dma_wait3A_457] : memref<250x40xi32, #tpu.memory_space<vmem>> -> memref<1x40xi32, #tpu.memory_space<vmem>>
      %dma_wait3A_459 = tpu.memref_squeeze %dma_wait3A_458 : memref<1x40xi32, #tpu.memory_space<vmem>> -> memref<40xi32, #tpu.memory_space<vmem>>
      %dma_wait3A_460 = arith.constant 0 : i32
      %dma_wait3A_461 = arith.constant 0 : i32
      %dma_wait3A_462 = tpu.memref_slice %arg19[%dma_wait3A_460, %dma_wait3A_461] : memref<10000x40xf32, #tpu.memory_space<vmem_shared>> -> memref<10000x40xf32, #tpu.memory_space<vmem_shared>>
      tpu.wait_indirect_dma semaphore(%arg33 : memref<!tpu.dma_semaphore, #tpu.memory_space<semaphore_mem>>) src(%arg12 : memref<40x40xf32, #tpu.memory_space<vmem>>) dst(%dma_wait3A_462 : memref<10000x40xf32, #tpu.memory_space<vmem_shared>>)
      %add3A_463 = arith.constant 10 : i32
      %add3A_464 = arith.addi %add3A_442, %add3A_463 : i32
      %sub3A_465 = arith.constant 1 : i32
      %sub3A_466 = arith.subi %add3A_464, %sub3A_465 : i32
      %dma_start3A_467 = arith.constant 0 : i32
      %dma_start3A_468 = tpu.memref_slice %arg7[%sub3A_466, %dma_start3A_467] : memref<250x40xi32, #tpu.memory_space<vmem>> -> memref<1x40xi32, #tpu.memory_space<vmem>>
      %dma_start3A_469 = tpu.memref_squeeze %dma_start3A_468 : memref<1x40xi32, #tpu.memory_space<vmem>> -> memref<40xi32, #tpu.memory_space<vmem>>
      %dma_start3A_470 = arith.constant 0 : i32
      %dma_start3A_471 = arith.constant 0 : i32
      %dma_start3A_472 = tpu.memref_slice %arg2[%dma_start3A_470, %dma_start3A_471] : memref<10000x40xf32, #tpu.memory_space<hbm>> -> memref<10000x40xf32, #tpu.memory_space<hbm>>
      tpu.enqueue_indirect_dma source(%dma_start3A_472 : memref<10000x40xf32, #tpu.memory_space<hbm>>) target(%arg12 : memref<40x40xf32, #tpu.memory_space<vmem>>) offsets(%dma_start3A_469 : memref<40xi32, #tpu.memory_space<vmem>>) semaphore(%arg23 : memref<!tpu.dma_semaphore, #tpu.memory_space<semaphore_mem>>)
      %add3A_473 = arith.constant 4 : i32
      %add3A_474 = arith.addi %add3A_345, %add3A_473 : i32
      %dma_wait3A_475 = arith.constant 0 : i32
      %dma_wait3A_476 = tpu.memref_slice %arg7[%add3A_474, %dma_wait3A_475] : memref<250x40xi32, #tpu.memory_space<vmem>> -> memref<1x40xi32, #tpu.memory_space<vmem>>
      %dma_wait3A_477 = tpu.memref_squeeze %dma_wait3A_476 : memref<1x40xi32, #tpu.memory_space<vmem>> -> memref<40xi32, #tpu.memory_space<vmem>>
      %dma_wait3A_478 = arith.constant 0 : i32
      %dma_wait3A_479 = arith.constant 0 : i32
      %dma_wait3A_480 = tpu.memref_slice %arg2[%dma_wait3A_478, %dma_wait3A_479] : memref<10000x40xf32, #tpu.memory_space<hbm>> -> memref<10000x40xf32, #tpu.memory_space<hbm>>
      tpu.wait_indirect_dma semaphore(%arg25 : memref<!tpu.dma_semaphore, #tpu.memory_space<semaphore_mem>>) src(%dma_wait3A_480 : memref<10000x40xf32, #tpu.memory_space<hbm>>) dst(%arg14 : memref<40x40xf32, #tpu.memory_space<vmem>>)
      %dma_start3A_481 = arith.constant 0 : i32
      %dma_start3A_482 = tpu.memref_slice %arg8[%add3A_474, %dma_start3A_481] : memref<250x40xi32, #tpu.memory_space<vmem>> -> memref<1x40xi32, #tpu.memory_space<vmem>>
      %dma_start3A_483 = tpu.memref_squeeze %dma_start3A_482 : memref<1x40xi32, #tpu.memory_space<vmem>> -> memref<40xi32, #tpu.memory_space<vmem>>
      %dma_start3A_484 = arith.constant 0 : i32
      %dma_start3A_485 = arith.constant 0 : i32
      %dma_start3A_486 = tpu.memref_slice %arg19[%dma_start3A_484, %dma_start3A_485] : memref<10000x40xf32, #tpu.memory_space<vmem_shared>> -> memref<10000x40xf32, #tpu.memory_space<vmem_shared>>
      tpu.enqueue_indirect_dma source(%arg14 : memref<40x40xf32, #tpu.memory_space<vmem>>) target(%dma_start3A_486 : memref<10000x40xf32, #tpu.memory_space<vmem_shared>>) offsets(%dma_start3A_483 : memref<40xi32, #tpu.memory_space<vmem>>) semaphore(%arg35 : memref<!tpu.dma_semaphore, #tpu.memory_space<semaphore_mem>>) {add = true}
      %sub3A_487 = arith.constant 1 : i32
      %sub3A_488 = arith.subi %add3A_474, %sub3A_487 : i32
      %dma_wait3A_489 = arith.constant 0 : i32
      %dma_wait3A_490 = tpu.memref_slice %arg8[%sub3A_488, %dma_wait3A_489] : memref<250x40xi32, #tpu.memory_space<vmem>> -> memref<1x40xi32, #tpu.memory_space<vmem>>
      %dma_wait3A_491 = tpu.memref_squeeze %dma_wait3A_490 : memref<1x40xi32, #tpu.memory_space<vmem>> -> memref<40xi32, #tpu.memory_space<vmem>>
      %dma_wait3A_492 = arith.constant 0 : i32
      %dma_wait3A_493 = arith.constant 0 : i32
      %dma_wait3A_494 = tpu.memref_slice %arg19[%dma_wait3A_492, %dma_wait3A_493] : memref<10000x40xf32, #tpu.memory_space<vmem_shared>> -> memref<10000x40xf32, #tpu.memory_space<vmem_shared>>
      tpu.wait_indirect_dma semaphore(%arg34 : memref<!tpu.dma_semaphore, #tpu.memory_space<semaphore_mem>>) src(%arg13 : memref<40x40xf32, #tpu.memory_space<vmem>>) dst(%dma_wait3A_494 : memref<10000x40xf32, #tpu.memory_space<vmem_shared>>)
      %add3A_495 = arith.constant 10 : i32
      %add3A_496 = arith.addi %add3A_474, %add3A_495 : i32
      %sub3A_497 = arith.constant 1 : i32
      %sub3A_498 = arith.subi %add3A_496, %sub3A_497 : i32
      %dma_start3A_499 = arith.constant 0 : i32
      %dma_start3A_500 = tpu.memref_slice %arg7[%sub3A_498, %dma_start3A_499] : memref<250x40xi32, #tpu.memory_space<vmem>> -> memref<1x40xi32, #tpu.memory_space<vmem>>
      %dma_start3A_501 = tpu.memref_squeeze %dma_start3A_500 : memref<1x40xi32, #tpu.memory_space<vmem>> -> memref<40xi32, #tpu.memory_space<vmem>>
      %dma_start3A_502 = arith.constant 0 : i32
      %dma_start3A_503 = arith.constant 0 : i32
      %dma_start3A_504 = tpu.memref_slice %arg2[%dma_start3A_502, %dma_start3A_503] : memref<10000x40xf32, #tpu.memory_space<hbm>> -> memref<10000x40xf32, #tpu.memory_space<hbm>>
      tpu.enqueue_indirect_dma source(%dma_start3A_504 : memref<10000x40xf32, #tpu.memory_space<hbm>>) target(%arg13 : memref<40x40xf32, #tpu.memory_space<vmem>>) offsets(%dma_start3A_501 : memref<40xi32, #tpu.memory_space<vmem>>) semaphore(%arg24 : memref<!tpu.dma_semaphore, #tpu.memory_space<semaphore_mem>>)
      %add3A_505 = arith.constant 5 : i32
      %add3A_506 = arith.addi %add3A_345, %add3A_505 : i32
      %dma_wait3A_507 = arith.constant 0 : i32
      %dma_wait3A_508 = tpu.memref_slice %arg7[%add3A_506, %dma_wait3A_507] : memref<250x40xi32, #tpu.memory_space<vmem>> -> memref<1x40xi32, #tpu.memory_space<vmem>>
      %dma_wait3A_509 = tpu.memref_squeeze %dma_wait3A_508 : memref<1x40xi32, #tpu.memory_space<vmem>> -> memref<40xi32, #tpu.memory_space<vmem>>
      %dma_wait3A_510 = arith.constant 0 : i32
      %dma_wait3A_511 = arith.constant 0 : i32
      %dma_wait3A_512 = tpu.memref_slice %arg2[%dma_wait3A_510, %dma_wait3A_511] : memref<10000x40xf32, #tpu.memory_space<hbm>> -> memref<10000x40xf32, #tpu.memory_space<hbm>>
      tpu.wait_indirect_dma semaphore(%arg26 : memref<!tpu.dma_semaphore, #tpu.memory_space<semaphore_mem>>) src(%dma_wait3A_512 : memref<10000x40xf32, #tpu.memory_space<hbm>>) dst(%arg15 : memref<40x40xf32, #tpu.memory_space<vmem>>)
      %dma_start3A_513 = arith.constant 0 : i32
      %dma_start3A_514 = tpu.memref_slice %arg8[%add3A_506, %dma_start3A_513] : memref<250x40xi32, #tpu.memory_space<vmem>> -> memref<1x40xi32, #tpu.memory_space<vmem>>
      %dma_start3A_515 = tpu.memref_squeeze %dma_start3A_514 : memref<1x40xi32, #tpu.memory_space<vmem>> -> memref<40xi32, #tpu.memory_space<vmem>>
      %dma_start3A_516 = arith.constant 0 : i32
      %dma_start3A_517 = arith.constant 0 : i32
      %dma_start3A_518 = tpu.memref_slice %arg19[%dma_start3A_516, %dma_start3A_517] : memref<10000x40xf32, #tpu.memory_space<vmem_shared>> -> memref<10000x40xf32, #tpu.memory_space<vmem_shared>>
      tpu.enqueue_indirect_dma source(%arg15 : memref<40x40xf32, #tpu.memory_space<vmem>>) target(%dma_start3A_518 : memref<10000x40xf32, #tpu.memory_space<vmem_shared>>) offsets(%dma_start3A_515 : memref<40xi32, #tpu.memory_space<vmem>>) semaphore(%arg36 : memref<!tpu.dma_semaphore, #tpu.memory_space<semaphore_mem>>) {add = true}
      %sub3A_519 = arith.constant 1 : i32
      %sub3A_520 = arith.subi %add3A_506, %sub3A_519 : i32
      %dma_wait3A_521 = arith.constant 0 : i32
      %dma_wait3A_522 = tpu.memref_slice %arg8[%sub3A_520, %dma_wait3A_521] : memref<250x40xi32, #tpu.memory_space<vmem>> -> memref<1x40xi32, #tpu.memory_space<vmem>>
      %dma_wait3A_523 = tpu.memref_squeeze %dma_wait3A_522 : memref<1x40xi32, #tpu.memory_space<vmem>> -> memref<40xi32, #tpu.memory_space<vmem>>
      %dma_wait3A_524 = arith.constant 0 : i32
      %dma_wait3A_525 = arith.constant 0 : i32
      %dma_wait3A_526 = tpu.memref_slice %arg19[%dma_wait3A_524, %dma_wait3A_525] : memref<10000x40xf32, #tpu.memory_space<vmem_shared>> -> memref<10000x40xf32, #tpu.memory_space<vmem_shared>>
      tpu.wait_indirect_dma semaphore(%arg35 : memref<!tpu.dma_semaphore, #tpu.memory_space<semaphore_mem>>) src(%arg14 : memref<40x40xf32, #tpu.memory_space<vmem>>) dst(%dma_wait3A_526 : memref<10000x40xf32, #tpu.memory_space<vmem_shared>>)
      %add3A_527 = arith.constant 10 : i32
      %add3A_528 = arith.addi %add3A_506, %add3A_527 : i32
      %sub3A_529 = arith.constant 1 : i32
      %sub3A_530 = arith.subi %add3A_528, %sub3A_529 : i32
      %dma_start3A_531 = arith.constant 0 : i32
      %dma_start3A_532 = tpu.memref_slice %arg7[%sub3A_530, %dma_start3A_531] : memref<250x40xi32, #tpu.memory_space<vmem>> -> memref<1x40xi32, #tpu.memory_space<vmem>>
      %dma_start3A_533 = tpu.memref_squeeze %dma_start3A_532 : memref<1x40xi32, #tpu.memory_space<vmem>> -> memref<40xi32, #tpu.memory_space<vmem>>
      %dma_start3A_534 = arith.constant 0 : i32
      %dma_start3A_535 = arith.constant 0 : i32
      %dma_start3A_536 = tpu.memref_slice %arg2[%dma_start3A_534, %dma_start3A_535] : memref<10000x40xf32, #tpu.memory_space<hbm>> -> memref<10000x40xf32, #tpu.memory_space<hbm>>
      tpu.enqueue_indirect_dma source(%dma_start3A_536 : memref<10000x40xf32, #tpu.memory_space<hbm>>) target(%arg14 : memref<40x40xf32, #tpu.memory_space<vmem>>) offsets(%dma_start3A_533 : memref<40xi32, #tpu.memory_space<vmem>>) semaphore(%arg25 : memref<!tpu.dma_semaphore, #tpu.memory_space<semaphore_mem>>)
      %add3A_537 = arith.constant 6 : i32
      %add3A_538 = arith.addi %add3A_345, %add3A_537 : i32
      %dma_wait3A_539 = arith.constant 0 : i32
      %dma_wait3A_540 = tpu.memref_slice %arg7[%add3A_538, %dma_wait3A_539] : memref<250x40xi32, #tpu.memory_space<vmem>> -> memref<1x40xi32, #tpu.memory_space<vmem>>
      %dma_wait3A_541 = tpu.memref_squeeze %dma_wait3A_540 : memref<1x40xi32, #tpu.memory_space<vmem>> -> memref<40xi32, #tpu.memory_space<vmem>>
      %dma_wait3A_542 = arith.constant 0 : i32
      %dma_wait3A_543 = arith.constant 0 : i32
      %dma_wait3A_544 = tpu.memref_slice %arg2[%dma_wait3A_542, %dma_wait3A_543] : memref<10000x40xf32, #tpu.memory_space<hbm>> -> memref<10000x40xf32, #tpu.memory_space<hbm>>
      tpu.wait_indirect_dma semaphore(%arg27 : memref<!tpu.dma_semaphore, #tpu.memory_space<semaphore_mem>>) src(%dma_wait3A_544 : memref<10000x40xf32, #tpu.memory_space<hbm>>) dst(%arg16 : memref<40x40xf32, #tpu.memory_space<vmem>>)
      %dma_start3A_545 = arith.constant 0 : i32
      %dma_start3A_546 = tpu.memref_slice %arg8[%add3A_538, %dma_start3A_545] : memref<250x40xi32, #tpu.memory_space<vmem>> -> memref<1x40xi32, #tpu.memory_space<vmem>>
      %dma_start3A_547 = tpu.memref_squeeze %dma_start3A_546 : memref<1x40xi32, #tpu.memory_space<vmem>> -> memref<40xi32, #tpu.memory_space<vmem>>
      %dma_start3A_548 = arith.constant 0 : i32
      %dma_start3A_549 = arith.constant 0 : i32
      %dma_start3A_550 = tpu.memref_slice %arg19[%dma_start3A_548, %dma_start3A_549] : memref<10000x40xf32, #tpu.memory_space<vmem_shared>> -> memref<10000x40xf32, #tpu.memory_space<vmem_shared>>
      tpu.enqueue_indirect_dma source(%arg16 : memref<40x40xf32, #tpu.memory_space<vmem>>) target(%dma_start3A_550 : memref<10000x40xf32, #tpu.memory_space<vmem_shared>>) offsets(%dma_start3A_547 : memref<40xi32, #tpu.memory_space<vmem>>) semaphore(%arg37 : memref<!tpu.dma_semaphore, #tpu.memory_space<semaphore_mem>>) {add = true}
      %sub3A_551 = arith.constant 1 : i32
      %sub3A_552 = arith.subi %add3A_538, %sub3A_551 : i32
      %dma_wait3A_553 = arith.constant 0 : i32
      %dma_wait3A_554 = tpu.memref_slice %arg8[%sub3A_552, %dma_wait3A_553] : memref<250x40xi32, #tpu.memory_space<vmem>> -> memref<1x40xi32, #tpu.memory_space<vmem>>
      %dma_wait3A_555 = tpu.memref_squeeze %dma_wait3A_554 : memref<1x40xi32, #tpu.memory_space<vmem>> -> memref<40xi32, #tpu.memory_space<vmem>>
      %dma_wait3A_556 = arith.constant 0 : i32
      %dma_wait3A_557 = arith.constant 0 : i32
      %dma_wait3A_558 = tpu.memref_slice %arg19[%dma_wait3A_556, %dma_wait3A_557] : memref<10000x40xf32, #tpu.memory_space<vmem_shared>> -> memref<10000x40xf32, #tpu.memory_space<vmem_shared>>
      tpu.wait_indirect_dma semaphore(%arg36 : memref<!tpu.dma_semaphore, #tpu.memory_space<semaphore_mem>>) src(%arg15 : memref<40x40xf32, #tpu.memory_space<vmem>>) dst(%dma_wait3A_558 : memref<10000x40xf32, #tpu.memory_space<vmem_shared>>)
      %add3A_559 = arith.constant 10 : i32
      %add3A_560 = arith.addi %add3A_538, %add3A_559 : i32
      %sub3A_561 = arith.constant 1 : i32
      %sub3A_562 = arith.subi %add3A_560, %sub3A_561 : i32
      %dma_start3A_563 = arith.constant 0 : i32
      %dma_start3A_564 = tpu.memref_slice %arg7[%sub3A_562, %dma_start3A_563] : memref<250x40xi32, #tpu.memory_space<vmem>> -> memref<1x40xi32, #tpu.memory_space<vmem>>
      %dma_start3A_565 = tpu.memref_squeeze %dma_start3A_564 : memref<1x40xi32, #tpu.memory_space<vmem>> -> memref<40xi32, #tpu.memory_space<vmem>>
      %dma_start3A_566 = arith.constant 0 : i32
      %dma_start3A_567 = arith.constant 0 : i32
      %dma_start3A_568 = tpu.memref_slice %arg2[%dma_start3A_566, %dma_start3A_567] : memref<10000x40xf32, #tpu.memory_space<hbm>> -> memref<10000x40xf32, #tpu.memory_space<hbm>>
      tpu.enqueue_indirect_dma source(%dma_start3A_568 : memref<10000x40xf32, #tpu.memory_space<hbm>>) target(%arg15 : memref<40x40xf32, #tpu.memory_space<vmem>>) offsets(%dma_start3A_565 : memref<40xi32, #tpu.memory_space<vmem>>) semaphore(%arg26 : memref<!tpu.dma_semaphore, #tpu.memory_space<semaphore_mem>>)
      %add3A_569 = arith.constant 7 : i32
      %add3A_570 = arith.addi %add3A_345, %add3A_569 : i32
      %dma_wait3A_571 = arith.constant 0 : i32
      %dma_wait3A_572 = tpu.memref_slice %arg7[%add3A_570, %dma_wait3A_571] : memref<250x40xi32, #tpu.memory_space<vmem>> -> memref<1x40xi32, #tpu.memory_space<vmem>>
      %dma_wait3A_573 = tpu.memref_squeeze %dma_wait3A_572 : memref<1x40xi32, #tpu.memory_space<vmem>> -> memref<40xi32, #tpu.memory_space<vmem>>
      %dma_wait3A_574 = arith.constant 0 : i32
      %dma_wait3A_575 = arith.constant 0 : i32
      %dma_wait3A_576 = tpu.memref_slice %arg2[%dma_wait3A_574, %dma_wait3A_575] : memref<10000x40xf32, #tpu.memory_space<hbm>> -> memref<10000x40xf32, #tpu.memory_space<hbm>>
      tpu.wait_indirect_dma semaphore(%arg28 : memref<!tpu.dma_semaphore, #tpu.memory_space<semaphore_mem>>) src(%dma_wait3A_576 : memref<10000x40xf32, #tpu.memory_space<hbm>>) dst(%arg17 : memref<40x40xf32, #tpu.memory_space<vmem>>)
      %dma_start3A_577 = arith.constant 0 : i32
      %dma_start3A_578 = tpu.memref_slice %arg8[%add3A_570, %dma_start3A_577] : memref<250x40xi32, #tpu.memory_space<vmem>> -> memref<1x40xi32, #tpu.memory_space<vmem>>
      %dma_start3A_579 = tpu.memref_squeeze %dma_start3A_578 : memref<1x40xi32, #tpu.memory_space<vmem>> -> memref<40xi32, #tpu.memory_space<vmem>>
      %dma_start3A_580 = arith.constant 0 : i32
      %dma_start3A_581 = arith.constant 0 : i32
      %dma_start3A_582 = tpu.memref_slice %arg19[%dma_start3A_580, %dma_start3A_581] : memref<10000x40xf32, #tpu.memory_space<vmem_shared>> -> memref<10000x40xf32, #tpu.memory_space<vmem_shared>>
      tpu.enqueue_indirect_dma source(%arg17 : memref<40x40xf32, #tpu.memory_space<vmem>>) target(%dma_start3A_582 : memref<10000x40xf32, #tpu.memory_space<vmem_shared>>) offsets(%dma_start3A_579 : memref<40xi32, #tpu.memory_space<vmem>>) semaphore(%arg38 : memref<!tpu.dma_semaphore, #tpu.memory_space<semaphore_mem>>) {add = true}
      %sub3A_583 = arith.constant 1 : i32
      %sub3A_584 = arith.subi %add3A_570, %sub3A_583 : i32
      %dma_wait3A_585 = arith.constant 0 : i32
      %dma_wait3A_586 = tpu.memref_slice %arg8[%sub3A_584, %dma_wait3A_585] : memref<250x40xi32, #tpu.memory_space<vmem>> -> memref<1x40xi32, #tpu.memory_space<vmem>>
      %dma_wait3A_587 = tpu.memref_squeeze %dma_wait3A_586 : memref<1x40xi32, #tpu.memory_space<vmem>> -> memref<40xi32, #tpu.memory_space<vmem>>
      %dma_wait3A_588 = arith.constant 0 : i32
      %dma_wait3A_589 = arith.constant 0 : i32
      %dma_wait3A_590 = tpu.memref_slice %arg19[%dma_wait3A_588, %dma_wait3A_589] : memref<10000x40xf32, #tpu.memory_space<vmem_shared>> -> memref<10000x40xf32, #tpu.memory_space<vmem_shared>>
      tpu.wait_indirect_dma semaphore(%arg37 : memref<!tpu.dma_semaphore, #tpu.memory_space<semaphore_mem>>) src(%arg16 : memref<40x40xf32, #tpu.memory_space<vmem>>) dst(%dma_wait3A_590 : memref<10000x40xf32, #tpu.memory_space<vmem_shared>>)
      %add3A_591 = arith.constant 10 : i32
      %add3A_592 = arith.addi %add3A_570, %add3A_591 : i32
      %sub3A_593 = arith.constant 1 : i32
      %sub3A_594 = arith.subi %add3A_592, %sub3A_593 : i32
      %dma_start3A_595 = arith.constant 0 : i32
      %dma_start3A_596 = tpu.memref_slice %arg7[%sub3A_594, %dma_start3A_595] : memref<250x40xi32, #tpu.memory_space<vmem>> -> memref<1x40xi32, #tpu.memory_space<vmem>>
      %dma_start3A_597 = tpu.memref_squeeze %dma_start3A_596 : memref<1x40xi32, #tpu.memory_space<vmem>> -> memref<40xi32, #tpu.memory_space<vmem>>
      %dma_start3A_598 = arith.constant 0 : i32
      %dma_start3A_599 = arith.constant 0 : i32
      %dma_start3A_600 = tpu.memref_slice %arg2[%dma_start3A_598, %dma_start3A_599] : memref<10000x40xf32, #tpu.memory_space<hbm>> -> memref<10000x40xf32, #tpu.memory_space<hbm>>
      tpu.enqueue_indirect_dma source(%dma_start3A_600 : memref<10000x40xf32, #tpu.memory_space<hbm>>) target(%arg16 : memref<40x40xf32, #tpu.memory_space<vmem>>) offsets(%dma_start3A_597 : memref<40xi32, #tpu.memory_space<vmem>>) semaphore(%arg27 : memref<!tpu.dma_semaphore, #tpu.memory_space<semaphore_mem>>)
      %add3A_601 = arith.constant 8 : i32
      %add3A_602 = arith.addi %add3A_345, %add3A_601 : i32
      %dma_wait3A_603 = arith.constant 0 : i32
      %dma_wait3A_604 = tpu.memref_slice %arg7[%add3A_602, %dma_wait3A_603] : memref<250x40xi32, #tpu.memory_space<vmem>> -> memref<1x40xi32, #tpu.memory_space<vmem>>
      %dma_wait3A_605 = tpu.memref_squeeze %dma_wait3A_604 : memref<1x40xi32, #tpu.memory_space<vmem>> -> memref<40xi32, #tpu.memory_space<vmem>>
      %dma_wait3A_606 = arith.constant 0 : i32
      %dma_wait3A_607 = arith.constant 0 : i32
      %dma_wait3A_608 = tpu.memref_slice %arg2[%dma_wait3A_606, %dma_wait3A_607] : memref<10000x40xf32, #tpu.memory_space<hbm>> -> memref<10000x40xf32, #tpu.memory_space<hbm>>
      tpu.wait_indirect_dma semaphore(%arg29 : memref<!tpu.dma_semaphore, #tpu.memory_space<semaphore_mem>>) src(%dma_wait3A_608 : memref<10000x40xf32, #tpu.memory_space<hbm>>) dst(%arg18 : memref<40x40xf32, #tpu.memory_space<vmem>>)
      %dma_start3A_609 = arith.constant 0 : i32
      %dma_start3A_610 = tpu.memref_slice %arg8[%add3A_602, %dma_start3A_609] : memref<250x40xi32, #tpu.memory_space<vmem>> -> memref<1x40xi32, #tpu.memory_space<vmem>>
      %dma_start3A_611 = tpu.memref_squeeze %dma_start3A_610 : memref<1x40xi32, #tpu.memory_space<vmem>> -> memref<40xi32, #tpu.memory_space<vmem>>
      %dma_start3A_612 = arith.constant 0 : i32
      %dma_start3A_613 = arith.constant 0 : i32
      %dma_start3A_614 = tpu.memref_slice %arg19[%dma_start3A_612, %dma_start3A_613] : memref<10000x40xf32, #tpu.memory_space<vmem_shared>> -> memref<10000x40xf32, #tpu.memory_space<vmem_shared>>
      tpu.enqueue_indirect_dma source(%arg18 : memref<40x40xf32, #tpu.memory_space<vmem>>) target(%dma_start3A_614 : memref<10000x40xf32, #tpu.memory_space<vmem_shared>>) offsets(%dma_start3A_611 : memref<40xi32, #tpu.memory_space<vmem>>) semaphore(%arg39 : memref<!tpu.dma_semaphore, #tpu.memory_space<semaphore_mem>>) {add = true}
      %sub3A_615 = arith.constant 1 : i32
      %sub3A_616 = arith.subi %add3A_602, %sub3A_615 : i32
      %dma_wait3A_617 = arith.constant 0 : i32
      %dma_wait3A_618 = tpu.memref_slice %arg8[%sub3A_616, %dma_wait3A_617] : memref<250x40xi32, #tpu.memory_space<vmem>> -> memref<1x40xi32, #tpu.memory_space<vmem>>
      %dma_wait3A_619 = tpu.memref_squeeze %dma_wait3A_618 : memref<1x40xi32, #tpu.memory_space<vmem>> -> memref<40xi32, #tpu.memory_space<vmem>>
      %dma_wait3A_620 = arith.constant 0 : i32
      %dma_wait3A_621 = arith.constant 0 : i32
      %dma_wait3A_622 = tpu.memref_slice %arg19[%dma_wait3A_620, %dma_wait3A_621] : memref<10000x40xf32, #tpu.memory_space<vmem_shared>> -> memref<10000x40xf32, #tpu.memory_space<vmem_shared>>
      tpu.wait_indirect_dma semaphore(%arg38 : memref<!tpu.dma_semaphore, #tpu.memory_space<semaphore_mem>>) src(%arg17 : memref<40x40xf32, #tpu.memory_space<vmem>>) dst(%dma_wait3A_622 : memref<10000x40xf32, #tpu.memory_space<vmem_shared>>)
      %add3A_623 = arith.constant 10 : i32
      %add3A_624 = arith.addi %add3A_602, %add3A_623 : i32
      %sub3A_625 = arith.constant 1 : i32
      %sub3A_626 = arith.subi %add3A_624, %sub3A_625 : i32
      %dma_start3A_627 = arith.constant 0 : i32
      %dma_start3A_628 = tpu.memref_slice %arg7[%sub3A_626, %dma_start3A_627] : memref<250x40xi32, #tpu.memory_space<vmem>> -> memref<1x40xi32, #tpu.memory_space<vmem>>
      %dma_start3A_629 = tpu.memref_squeeze %dma_start3A_628 : memref<1x40xi32, #tpu.memory_space<vmem>> -> memref<40xi32, #tpu.memory_space<vmem>>
      %dma_start3A_630 = arith.constant 0 : i32
      %dma_start3A_631 = arith.constant 0 : i32
      %dma_start3A_632 = tpu.memref_slice %arg2[%dma_start3A_630, %dma_start3A_631] : memref<10000x40xf32, #tpu.memory_space<hbm>> -> memref<10000x40xf32, #tpu.memory_space<hbm>>
      tpu.enqueue_indirect_dma source(%dma_start3A_632 : memref<10000x40xf32, #tpu.memory_space<hbm>>) target(%arg17 : memref<40x40xf32, #tpu.memory_space<vmem>>) offsets(%dma_start3A_629 : memref<40xi32, #tpu.memory_space<vmem>>) semaphore(%arg28 : memref<!tpu.dma_semaphore, #tpu.memory_space<semaphore_mem>>)
      %add3A_633 = arith.constant 9 : i32
      %add3A_634 = arith.addi %add3A_345, %add3A_633 : i32
      %dma_wait3A_635 = arith.constant 0 : i32
      %dma_wait3A_636 = tpu.memref_slice %arg7[%add3A_634, %dma_wait3A_635] : memref<250x40xi32, #tpu.memory_space<vmem>> -> memref<1x40xi32, #tpu.memory_space<vmem>>
      %dma_wait3A_637 = tpu.memref_squeeze %dma_wait3A_636 : memref<1x40xi32, #tpu.memory_space<vmem>> -> memref<40xi32, #tpu.memory_space<vmem>>
      %dma_wait3A_638 = arith.constant 0 : i32
      %dma_wait3A_639 = arith.constant 0 : i32
      %dma_wait3A_640 = tpu.memref_slice %arg2[%dma_wait3A_638, %dma_wait3A_639] : memref<10000x40xf32, #tpu.memory_space<hbm>> -> memref<10000x40xf32, #tpu.memory_space<hbm>>
      tpu.wait_indirect_dma semaphore(%arg20 : memref<!tpu.dma_semaphore, #tpu.memory_space<semaphore_mem>>) src(%dma_wait3A_640 : memref<10000x40xf32, #tpu.memory_space<hbm>>) dst(%arg9 : memref<40x40xf32, #tpu.memory_space<vmem>>)
      %dma_start3A_641 = arith.constant 0 : i32
      %dma_start3A_642 = tpu.memref_slice %arg8[%add3A_634, %dma_start3A_641] : memref<250x40xi32, #tpu.memory_space<vmem>> -> memref<1x40xi32, #tpu.memory_space<vmem>>
      %dma_start3A_643 = tpu.memref_squeeze %dma_start3A_642 : memref<1x40xi32, #tpu.memory_space<vmem>> -> memref<40xi32, #tpu.memory_space<vmem>>
      %dma_start3A_644 = arith.constant 0 : i32
      %dma_start3A_645 = arith.constant 0 : i32
      %dma_start3A_646 = tpu.memref_slice %arg19[%dma_start3A_644, %dma_start3A_645] : memref<10000x40xf32, #tpu.memory_space<vmem_shared>> -> memref<10000x40xf32, #tpu.memory_space<vmem_shared>>
      tpu.enqueue_indirect_dma source(%arg9 : memref<40x40xf32, #tpu.memory_space<vmem>>) target(%dma_start3A_646 : memref<10000x40xf32, #tpu.memory_space<vmem_shared>>) offsets(%dma_start3A_643 : memref<40xi32, #tpu.memory_space<vmem>>) semaphore(%arg30 : memref<!tpu.dma_semaphore, #tpu.memory_space<semaphore_mem>>) {add = true}
      %sub3A_647 = arith.constant 1 : i32
      %sub3A_648 = arith.subi %add3A_634, %sub3A_647 : i32
      %dma_wait3A_649 = arith.constant 0 : i32
      %dma_wait3A_650 = tpu.memref_slice %arg8[%sub3A_648, %dma_wait3A_649] : memref<250x40xi32, #tpu.memory_space<vmem>> -> memref<1x40xi32, #tpu.memory_space<vmem>>
      %dma_wait3A_651 = tpu.memref_squeeze %dma_wait3A_650 : memref<1x40xi32, #tpu.memory_space<vmem>> -> memref<40xi32, #tpu.memory_space<vmem>>
      %dma_wait3A_652 = arith.constant 0 : i32
      %dma_wait3A_653 = arith.constant 0 : i32
      %dma_wait3A_654 = tpu.memref_slice %arg19[%dma_wait3A_652, %dma_wait3A_653] : memref<10000x40xf32, #tpu.memory_space<vmem_shared>> -> memref<10000x40xf32, #tpu.memory_space<vmem_shared>>
      tpu.wait_indirect_dma semaphore(%arg39 : memref<!tpu.dma_semaphore, #tpu.memory_space<semaphore_mem>>) src(%arg18 : memref<40x40xf32, #tpu.memory_space<vmem>>) dst(%dma_wait3A_654 : memref<10000x40xf32, #tpu.memory_space<vmem_shared>>)
      %add3A_655 = arith.constant 10 : i32
      %add3A_656 = arith.addi %add3A_634, %add3A_655 : i32
      %sub3A_657 = arith.constant 1 : i32
      %sub3A_658 = arith.subi %add3A_656, %sub3A_657 : i32
      %dma_start3A_659 = arith.constant 0 : i32
      %dma_start3A_660 = tpu.memref_slice %arg7[%sub3A_658, %dma_start3A_659] : memref<250x40xi32, #tpu.memory_space<vmem>> -> memref<1x40xi32, #tpu.memory_space<vmem>>
      %dma_start3A_661 = tpu.memref_squeeze %dma_start3A_660 : memref<1x40xi32, #tpu.memory_space<vmem>> -> memref<40xi32, #tpu.memory_space<vmem>>
      %dma_start3A_662 = arith.constant 0 : i32
      %dma_start3A_663 = arith.constant 0 : i32
      %dma_start3A_664 = tpu.memref_slice %arg2[%dma_start3A_662, %dma_start3A_663] : memref<10000x40xf32, #tpu.memory_space<hbm>> -> memref<10000x40xf32, #tpu.memory_space<hbm>>
      tpu.enqueue_indirect_dma source(%dma_start3A_664 : memref<10000x40xf32, #tpu.memory_space<hbm>>) target(%arg18 : memref<40x40xf32, #tpu.memory_space<vmem>>) offsets(%dma_start3A_661 : memref<40xi32, #tpu.memory_space<vmem>>) semaphore(%arg29 : memref<!tpu.dma_semaphore, #tpu.memory_space<semaphore_mem>>)
    }
    %scan3A_133 = arith.constant 24 : i32
    %dma_wait3A_134 = arith.constant 241 : i32
    %dma_wait3A_135 = arith.constant 0 : i32
    %dma_wait3A_136 = tpu.memref_slice %arg7[%dma_wait3A_134, %dma_wait3A_135] : memref<250x40xi32, #tpu.memory_space<vmem>> -> memref<1x40xi32, #tpu.memory_space<vmem>>
    %dma_wait3A_137 = tpu.memref_squeeze %dma_wait3A_136 : memref<1x40xi32, #tpu.memory_space<vmem>> -> memref<40xi32, #tpu.memory_space<vmem>>
    %dma_wait3A_138 = arith.constant 0 : i32
    %dma_wait3A_139 = arith.constant 0 : i32
    %dma_wait3A_140 = tpu.memref_slice %arg2[%dma_wait3A_138, %dma_wait3A_139] : memref<10000x40xf32, #tpu.memory_space<hbm>> -> memref<10000x40xf32, #tpu.memory_space<hbm>>
    tpu.wait_indirect_dma semaphore(%arg21 : memref<!tpu.dma_semaphore, #tpu.memory_space<semaphore_mem>>) src(%dma_wait3A_140 : memref<10000x40xf32, #tpu.memory_space<hbm>>) dst(%arg10 : memref<40x40xf32, #tpu.memory_space<vmem>>)
    %dma_start3A_141 = arith.constant 241 : i32
    %dma_start3A_142 = arith.constant 0 : i32
    %dma_start3A_143 = tpu.memref_slice %arg8[%dma_start3A_141, %dma_start3A_142] : memref<250x40xi32, #tpu.memory_space<vmem>> -> memref<1x40xi32, #tpu.memory_space<vmem>>
    %dma_start3A_144 = tpu.memref_squeeze %dma_start3A_143 : memref<1x40xi32, #tpu.memory_space<vmem>> -> memref<40xi32, #tpu.memory_space<vmem>>
    %dma_start3A_145 = arith.constant 0 : i32
    %dma_start3A_146 = arith.constant 0 : i32
    %dma_start3A_147 = tpu.memref_slice %arg19[%dma_start3A_145, %dma_start3A_146] : memref<10000x40xf32, #tpu.memory_space<vmem_shared>> -> memref<10000x40xf32, #tpu.memory_space<vmem_shared>>
    tpu.enqueue_indirect_dma source(%arg10 : memref<40x40xf32, #tpu.memory_space<vmem>>) target(%dma_start3A_147 : memref<10000x40xf32, #tpu.memory_space<vmem_shared>>) offsets(%dma_start3A_144 : memref<40xi32, #tpu.memory_space<vmem>>) semaphore(%arg31 : memref<!tpu.dma_semaphore, #tpu.memory_space<semaphore_mem>>) {add = true}
    %dma_wait3A_148 = arith.constant 242 : i32
    %dma_wait3A_149 = arith.constant 0 : i32
    %dma_wait3A_150 = tpu.memref_slice %arg7[%dma_wait3A_148, %dma_wait3A_149] : memref<250x40xi32, #tpu.memory_space<vmem>> -> memref<1x40xi32, #tpu.memory_space<vmem>>
    %dma_wait3A_151 = tpu.memref_squeeze %dma_wait3A_150 : memref<1x40xi32, #tpu.memory_space<vmem>> -> memref<40xi32, #tpu.memory_space<vmem>>
    %dma_wait3A_152 = arith.constant 0 : i32
    %dma_wait3A_153 = arith.constant 0 : i32
    %dma_wait3A_154 = tpu.memref_slice %arg2[%dma_wait3A_152, %dma_wait3A_153] : memref<10000x40xf32, #tpu.memory_space<hbm>> -> memref<10000x40xf32, #tpu.memory_space<hbm>>
    tpu.wait_indirect_dma semaphore(%arg22 : memref<!tpu.dma_semaphore, #tpu.memory_space<semaphore_mem>>) src(%dma_wait3A_154 : memref<10000x40xf32, #tpu.memory_space<hbm>>) dst(%arg11 : memref<40x40xf32, #tpu.memory_space<vmem>>)
    %dma_start3A_155 = arith.constant 242 : i32
    %dma_start3A_156 = arith.constant 0 : i32
    %dma_start3A_157 = tpu.memref_slice %arg8[%dma_start3A_155, %dma_start3A_156] : memref<250x40xi32, #tpu.memory_space<vmem>> -> memref<1x40xi32, #tpu.memory_space<vmem>>
    %dma_start3A_158 = tpu.memref_squeeze %dma_start3A_157 : memref<1x40xi32, #tpu.memory_space<vmem>> -> memref<40xi32, #tpu.memory_space<vmem>>
    %dma_start3A_159 = arith.constant 0 : i32
    %dma_start3A_160 = arith.constant 0 : i32
    %dma_start3A_161 = tpu.memref_slice %arg19[%dma_start3A_159, %dma_start3A_160] : memref<10000x40xf32, #tpu.memory_space<vmem_shared>> -> memref<10000x40xf32, #tpu.memory_space<vmem_shared>>
    tpu.enqueue_indirect_dma source(%arg11 : memref<40x40xf32, #tpu.memory_space<vmem>>) target(%dma_start3A_161 : memref<10000x40xf32, #tpu.memory_space<vmem_shared>>) offsets(%dma_start3A_158 : memref<40xi32, #tpu.memory_space<vmem>>) semaphore(%arg32 : memref<!tpu.dma_semaphore, #tpu.memory_space<semaphore_mem>>) {add = true}
    %dma_wait3A_162 = arith.constant 243 : i32
    %dma_wait3A_163 = arith.constant 0 : i32
    %dma_wait3A_164 = tpu.memref_slice %arg7[%dma_wait3A_162, %dma_wait3A_163] : memref<250x40xi32, #tpu.memory_space<vmem>> -> memref<1x40xi32, #tpu.memory_space<vmem>>
    %dma_wait3A_165 = tpu.memref_squeeze %dma_wait3A_164 : memref<1x40xi32, #tpu.memory_space<vmem>> -> memref<40xi32, #tpu.memory_space<vmem>>
    %dma_wait3A_166 = arith.constant 0 : i32
    %dma_wait3A_167 = arith.constant 0 : i32
    %dma_wait3A_168 = tpu.memref_slice %arg2[%dma_wait3A_166, %dma_wait3A_167] : memref<10000x40xf32, #tpu.memory_space<hbm>> -> memref<10000x40xf32, #tpu.memory_space<hbm>>
    tpu.wait_indirect_dma semaphore(%arg23 : memref<!tpu.dma_semaphore, #tpu.memory_space<semaphore_mem>>) src(%dma_wait3A_168 : memref<10000x40xf32, #tpu.memory_space<hbm>>) dst(%arg12 : memref<40x40xf32, #tpu.memory_space<vmem>>)
    %dma_start3A_169 = arith.constant 243 : i32
    %dma_start3A_170 = arith.constant 0 : i32
    %dma_start3A_171 = tpu.memref_slice %arg8[%dma_start3A_169, %dma_start3A_170] : memref<250x40xi32, #tpu.memory_space<vmem>> -> memref<1x40xi32, #tpu.memory_space<vmem>>
    %dma_start3A_172 = tpu.memref_squeeze %dma_start3A_171 : memref<1x40xi32, #tpu.memory_space<vmem>> -> memref<40xi32, #tpu.memory_space<vmem>>
    %dma_start3A_173 = arith.constant 0 : i32
    %dma_start3A_174 = arith.constant 0 : i32
    %dma_start3A_175 = tpu.memref_slice %arg19[%dma_start3A_173, %dma_start3A_174] : memref<10000x40xf32, #tpu.memory_space<vmem_shared>> -> memref<10000x40xf32, #tpu.memory_space<vmem_shared>>
    tpu.enqueue_indirect_dma source(%arg12 : memref<40x40xf32, #tpu.memory_space<vmem>>) target(%dma_start3A_175 : memref<10000x40xf32, #tpu.memory_space<vmem_shared>>) offsets(%dma_start3A_172 : memref<40xi32, #tpu.memory_space<vmem>>) semaphore(%arg33 : memref<!tpu.dma_semaphore, #tpu.memory_space<semaphore_mem>>) {add = true}
    %dma_wait3A_176 = arith.constant 244 : i32
    %dma_wait3A_177 = arith.constant 0 : i32
    %dma_wait3A_178 = tpu.memref_slice %arg7[%dma_wait3A_176, %dma_wait3A_177] : memref<250x40xi32, #tpu.memory_space<vmem>> -> memref<1x40xi32, #tpu.memory_space<vmem>>
    %dma_wait3A_179 = tpu.memref_squeeze %dma_wait3A_178 : memref<1x40xi32, #tpu.memory_space<vmem>> -> memref<40xi32, #tpu.memory_space<vmem>>
    %dma_wait3A_180 = arith.constant 0 : i32
    %dma_wait3A_181 = arith.constant 0 : i32
    %dma_wait3A_182 = tpu.memref_slice %arg2[%dma_wait3A_180, %dma_wait3A_181] : memref<10000x40xf32, #tpu.memory_space<hbm>> -> memref<10000x40xf32, #tpu.memory_space<hbm>>
    tpu.wait_indirect_dma semaphore(%arg24 : memref<!tpu.dma_semaphore, #tpu.memory_space<semaphore_mem>>) src(%dma_wait3A_182 : memref<10000x40xf32, #tpu.memory_space<hbm>>) dst(%arg13 : memref<40x40xf32, #tpu.memory_space<vmem>>)
    %dma_start3A_183 = arith.constant 244 : i32
    %dma_start3A_184 = arith.constant 0 : i32
    %dma_start3A_185 = tpu.memref_slice %arg8[%dma_start3A_183, %dma_start3A_184] : memref<250x40xi32, #tpu.memory_space<vmem>> -> memref<1x40xi32, #tpu.memory_space<vmem>>
    %dma_start3A_186 = tpu.memref_squeeze %dma_start3A_185 : memref<1x40xi32, #tpu.memory_space<vmem>> -> memref<40xi32, #tpu.memory_space<vmem>>
    %dma_start3A_187 = arith.constant 0 : i32
    %dma_start3A_188 = arith.constant 0 : i32
    %dma_start3A_189 = tpu.memref_slice %arg19[%dma_start3A_187, %dma_start3A_188] : memref<10000x40xf32, #tpu.memory_space<vmem_shared>> -> memref<10000x40xf32, #tpu.memory_space<vmem_shared>>
    tpu.enqueue_indirect_dma source(%arg13 : memref<40x40xf32, #tpu.memory_space<vmem>>) target(%dma_start3A_189 : memref<10000x40xf32, #tpu.memory_space<vmem_shared>>) offsets(%dma_start3A_186 : memref<40xi32, #tpu.memory_space<vmem>>) semaphore(%arg34 : memref<!tpu.dma_semaphore, #tpu.memory_space<semaphore_mem>>) {add = true}
    %dma_wait3A_190 = arith.constant 245 : i32
    %dma_wait3A_191 = arith.constant 0 : i32
    %dma_wait3A_192 = tpu.memref_slice %arg7[%dma_wait3A_190, %dma_wait3A_191] : memref<250x40xi32, #tpu.memory_space<vmem>> -> memref<1x40xi32, #tpu.memory_space<vmem>>
    %dma_wait3A_193 = tpu.memref_squeeze %dma_wait3A_192 : memref<1x40xi32, #tpu.memory_space<vmem>> -> memref<40xi32, #tpu.memory_space<vmem>>
    %dma_wait3A_194 = arith.constant 0 : i32
    %dma_wait3A_195 = arith.constant 0 : i32
    %dma_wait3A_196 = tpu.memref_slice %arg2[%dma_wait3A_194, %dma_wait3A_195] : memref<10000x40xf32, #tpu.memory_space<hbm>> -> memref<10000x40xf32, #tpu.memory_space<hbm>>
    tpu.wait_indirect_dma semaphore(%arg25 : memref<!tpu.dma_semaphore, #tpu.memory_space<semaphore_mem>>) src(%dma_wait3A_196 : memref<10000x40xf32, #tpu.memory_space<hbm>>) dst(%arg14 : memref<40x40xf32, #tpu.memory_space<vmem>>)
    %dma_start3A_197 = arith.constant 245 : i32
    %dma_start3A_198 = arith.constant 0 : i32
    %dma_start3A_199 = tpu.memref_slice %arg8[%dma_start3A_197, %dma_start3A_198] : memref<250x40xi32, #tpu.memory_space<vmem>> -> memref<1x40xi32, #tpu.memory_space<vmem>>
    %dma_start3A_200 = tpu.memref_squeeze %dma_start3A_199 : memref<1x40xi32, #tpu.memory_space<vmem>> -> memref<40xi32, #tpu.memory_space<vmem>>
    %dma_start3A_201 = arith.constant 0 : i32
    %dma_start3A_202 = arith.constant 0 : i32
    %dma_start3A_203 = tpu.memref_slice %arg19[%dma_start3A_201, %dma_start3A_202] : memref<10000x40xf32, #tpu.memory_space<vmem_shared>> -> memref<10000x40xf32, #tpu.memory_space<vmem_shared>>
    tpu.enqueue_indirect_dma source(%arg14 : memref<40x40xf32, #tpu.memory_space<vmem>>) target(%dma_start3A_203 : memref<10000x40xf32, #tpu.memory_space<vmem_shared>>) offsets(%dma_start3A_200 : memref<40xi32, #tpu.memory_space<vmem>>) semaphore(%arg35 : memref<!tpu.dma_semaphore, #tpu.memory_space<semaphore_mem>>) {add = true}
    %dma_wait3A_204 = arith.constant 246 : i32
    %dma_wait3A_205 = arith.constant 0 : i32
    %dma_wait3A_206 = tpu.memref_slice %arg7[%dma_wait3A_204, %dma_wait3A_205] : memref<250x40xi32, #tpu.memory_space<vmem>> -> memref<1x40xi32, #tpu.memory_space<vmem>>
    %dma_wait3A_207 = tpu.memref_squeeze %dma_wait3A_206 : memref<1x40xi32, #tpu.memory_space<vmem>> -> memref<40xi32, #tpu.memory_space<vmem>>
    %dma_wait3A_208 = arith.constant 0 : i32
    %dma_wait3A_209 = arith.constant 0 : i32
    %dma_wait3A_210 = tpu.memref_slice %arg2[%dma_wait3A_208, %dma_wait3A_209] : memref<10000x40xf32, #tpu.memory_space<hbm>> -> memref<10000x40xf32, #tpu.memory_space<hbm>>
    tpu.wait_indirect_dma semaphore(%arg26 : memref<!tpu.dma_semaphore, #tpu.memory_space<semaphore_mem>>) src(%dma_wait3A_210 : memref<10000x40xf32, #tpu.memory_space<hbm>>) dst(%arg15 : memref<40x40xf32, #tpu.memory_space<vmem>>)
    %dma_start3A_211 = arith.constant 246 : i32
    %dma_start3A_212 = arith.constant 0 : i32
    %dma_start3A_213 = tpu.memref_slice %arg8[%dma_start3A_211, %dma_start3A_212] : memref<250x40xi32, #tpu.memory_space<vmem>> -> memref<1x40xi32, #tpu.memory_space<vmem>>
    %dma_start3A_214 = tpu.memref_squeeze %dma_start3A_213 : memref<1x40xi32, #tpu.memory_space<vmem>> -> memref<40xi32, #tpu.memory_space<vmem>>
    %dma_start3A_215 = arith.constant 0 : i32
    %dma_start3A_216 = arith.constant 0 : i32
    %dma_start3A_217 = tpu.memref_slice %arg19[%dma_start3A_215, %dma_start3A_216] : memref<10000x40xf32, #tpu.memory_space<vmem_shared>> -> memref<10000x40xf32, #tpu.memory_space<vmem_shared>>
    tpu.enqueue_indirect_dma source(%arg15 : memref<40x40xf32, #tpu.memory_space<vmem>>) target(%dma_start3A_217 : memref<10000x40xf32, #tpu.memory_space<vmem_shared>>) offsets(%dma_start3A_214 : memref<40xi32, #tpu.memory_space<vmem>>) semaphore(%arg36 : memref<!tpu.dma_semaphore, #tpu.memory_space<semaphore_mem>>) {add = true}
    %dma_wait3A_218 = arith.constant 247 : i32
    %dma_wait3A_219 = arith.constant 0 : i32
    %dma_wait3A_220 = tpu.memref_slice %arg7[%dma_wait3A_218, %dma_wait3A_219] : memref<250x40xi32, #tpu.memory_space<vmem>> -> memref<1x40xi32, #tpu.memory_space<vmem>>
    %dma_wait3A_221 = tpu.memref_squeeze %dma_wait3A_220 : memref<1x40xi32, #tpu.memory_space<vmem>> -> memref<40xi32, #tpu.memory_space<vmem>>
    %dma_wait3A_222 = arith.constant 0 : i32
    %dma_wait3A_223 = arith.constant 0 : i32
    %dma_wait3A_224 = tpu.memref_slice %arg2[%dma_wait3A_222, %dma_wait3A_223] : memref<10000x40xf32, #tpu.memory_space<hbm>> -> memref<10000x40xf32, #tpu.memory_space<hbm>>
    tpu.wait_indirect_dma semaphore(%arg27 : memref<!tpu.dma_semaphore, #tpu.memory_space<semaphore_mem>>) src(%dma_wait3A_224 : memref<10000x40xf32, #tpu.memory_space<hbm>>) dst(%arg16 : memref<40x40xf32, #tpu.memory_space<vmem>>)
    %dma_start3A_225 = arith.constant 247 : i32
    %dma_start3A_226 = arith.constant 0 : i32
    %dma_start3A_227 = tpu.memref_slice %arg8[%dma_start3A_225, %dma_start3A_226] : memref<250x40xi32, #tpu.memory_space<vmem>> -> memref<1x40xi32, #tpu.memory_space<vmem>>
    %dma_start3A_228 = tpu.memref_squeeze %dma_start3A_227 : memref<1x40xi32, #tpu.memory_space<vmem>> -> memref<40xi32, #tpu.memory_space<vmem>>
    %dma_start3A_229 = arith.constant 0 : i32
    %dma_start3A_230 = arith.constant 0 : i32
    %dma_start3A_231 = tpu.memref_slice %arg19[%dma_start3A_229, %dma_start3A_230] : memref<10000x40xf32, #tpu.memory_space<vmem_shared>> -> memref<10000x40xf32, #tpu.memory_space<vmem_shared>>
    tpu.enqueue_indirect_dma source(%arg16 : memref<40x40xf32, #tpu.memory_space<vmem>>) target(%dma_start3A_231 : memref<10000x40xf32, #tpu.memory_space<vmem_shared>>) offsets(%dma_start3A_228 : memref<40xi32, #tpu.memory_space<vmem>>) semaphore(%arg37 : memref<!tpu.dma_semaphore, #tpu.memory_space<semaphore_mem>>) {add = true}
    %dma_wait3A_232 = arith.constant 248 : i32
    %dma_wait3A_233 = arith.constant 0 : i32
    %dma_wait3A_234 = tpu.memref_slice %arg7[%dma_wait3A_232, %dma_wait3A_233] : memref<250x40xi32, #tpu.memory_space<vmem>> -> memref<1x40xi32, #tpu.memory_space<vmem>>
    %dma_wait3A_235 = tpu.memref_squeeze %dma_wait3A_234 : memref<1x40xi32, #tpu.memory_space<vmem>> -> memref<40xi32, #tpu.memory_space<vmem>>
    %dma_wait3A_236 = arith.constant 0 : i32
    %dma_wait3A_237 = arith.constant 0 : i32
    %dma_wait3A_238 = tpu.memref_slice %arg2[%dma_wait3A_236, %dma_wait3A_237] : memref<10000x40xf32, #tpu.memory_space<hbm>> -> memref<10000x40xf32, #tpu.memory_space<hbm>>
    tpu.wait_indirect_dma semaphore(%arg28 : memref<!tpu.dma_semaphore, #tpu.memory_space<semaphore_mem>>) src(%dma_wait3A_238 : memref<10000x40xf32, #tpu.memory_space<hbm>>) dst(%arg17 : memref<40x40xf32, #tpu.memory_space<vmem>>)
    %dma_start3A_239 = arith.constant 248 : i32
    %dma_start3A_240 = arith.constant 0 : i32
    %dma_start3A_241 = tpu.memref_slice %arg8[%dma_start3A_239, %dma_start3A_240] : memref<250x40xi32, #tpu.memory_space<vmem>> -> memref<1x40xi32, #tpu.memory_space<vmem>>
    %dma_start3A_242 = tpu.memref_squeeze %dma_start3A_241 : memref<1x40xi32, #tpu.memory_space<vmem>> -> memref<40xi32, #tpu.memory_space<vmem>>
    %dma_start3A_243 = arith.constant 0 : i32
    %dma_start3A_244 = arith.constant 0 : i32
    %dma_start3A_245 = tpu.memref_slice %arg19[%dma_start3A_243, %dma_start3A_244] : memref<10000x40xf32, #tpu.memory_space<vmem_shared>> -> memref<10000x40xf32, #tpu.memory_space<vmem_shared>>
    tpu.enqueue_indirect_dma source(%arg17 : memref<40x40xf32, #tpu.memory_space<vmem>>) target(%dma_start3A_245 : memref<10000x40xf32, #tpu.memory_space<vmem_shared>>) offsets(%dma_start3A_242 : memref<40xi32, #tpu.memory_space<vmem>>) semaphore(%arg38 : memref<!tpu.dma_semaphore, #tpu.memory_space<semaphore_mem>>) {add = true}
    %dma_wait3A_246 = arith.constant 249 : i32
    %dma_wait3A_247 = arith.constant 0 : i32
    %dma_wait3A_248 = tpu.memref_slice %arg7[%dma_wait3A_246, %dma_wait3A_247] : memref<250x40xi32, #tpu.memory_space<vmem>> -> memref<1x40xi32, #tpu.memory_space<vmem>>
    %dma_wait3A_249 = tpu.memref_squeeze %dma_wait3A_248 : memref<1x40xi32, #tpu.memory_space<vmem>> -> memref<40xi32, #tpu.memory_space<vmem>>
    %dma_wait3A_250 = arith.constant 0 : i32
    %dma_wait3A_251 = arith.constant 0 : i32
    %dma_wait3A_252 = tpu.memref_slice %arg2[%dma_wait3A_250, %dma_wait3A_251] : memref<10000x40xf32, #tpu.memory_space<hbm>> -> memref<10000x40xf32, #tpu.memory_space<hbm>>
    tpu.wait_indirect_dma semaphore(%arg29 : memref<!tpu.dma_semaphore, #tpu.memory_space<semaphore_mem>>) src(%dma_wait3A_252 : memref<10000x40xf32, #tpu.memory_space<hbm>>) dst(%arg18 : memref<40x40xf32, #tpu.memory_space<vmem>>)
    %dma_start3A_253 = arith.constant 249 : i32
    %dma_start3A_254 = arith.constant 0 : i32
    %dma_start3A_255 = tpu.memref_slice %arg8[%dma_start3A_253, %dma_start3A_254] : memref<250x40xi32, #tpu.memory_space<vmem>> -> memref<1x40xi32, #tpu.memory_space<vmem>>
    %dma_start3A_256 = tpu.memref_squeeze %dma_start3A_255 : memref<1x40xi32, #tpu.memory_space<vmem>> -> memref<40xi32, #tpu.memory_space<vmem>>
    %dma_start3A_257 = arith.constant 0 : i32
    %dma_start3A_258 = arith.constant 0 : i32
    %dma_start3A_259 = tpu.memref_slice %arg19[%dma_start3A_257, %dma_start3A_258] : memref<10000x40xf32, #tpu.memory_space<vmem_shared>> -> memref<10000x40xf32, #tpu.memory_space<vmem_shared>>
    tpu.enqueue_indirect_dma source(%arg18 : memref<40x40xf32, #tpu.memory_space<vmem>>) target(%dma_start3A_259 : memref<10000x40xf32, #tpu.memory_space<vmem_shared>>) offsets(%dma_start3A_256 : memref<40xi32, #tpu.memory_space<vmem>>) semaphore(%arg39 : memref<!tpu.dma_semaphore, #tpu.memory_space<semaphore_mem>>) {add = true}
    %dma_wait3A_260 = arith.constant 240 : i32
    %dma_wait3A_261 = arith.constant 0 : i32
    %dma_wait3A_262 = tpu.memref_slice %arg8[%dma_wait3A_260, %dma_wait3A_261] : memref<250x40xi32, #tpu.memory_space<vmem>> -> memref<1x40xi32, #tpu.memory_space<vmem>>
    %dma_wait3A_263 = tpu.memref_squeeze %dma_wait3A_262 : memref<1x40xi32, #tpu.memory_space<vmem>> -> memref<40xi32, #tpu.memory_space<vmem>>
    %dma_wait3A_264 = arith.constant 0 : i32
    %dma_wait3A_265 = arith.constant 0 : i32
    %dma_wait3A_266 = tpu.memref_slice %arg19[%dma_wait3A_264, %dma_wait3A_265] : memref<10000x40xf32, #tpu.memory_space<vmem_shared>> -> memref<10000x40xf32, #tpu.memory_space<vmem_shared>>
    tpu.wait_indirect_dma semaphore(%arg30 : memref<!tpu.dma_semaphore, #tpu.memory_space<semaphore_mem>>) src(%arg9 : memref<40x40xf32, #tpu.memory_space<vmem>>) dst(%dma_wait3A_266 : memref<10000x40xf32, #tpu.memory_space<vmem_shared>>)
    %dma_wait3A_267 = arith.constant 241 : i32
    %dma_wait3A_268 = arith.constant 0 : i32
    %dma_wait3A_269 = tpu.memref_slice %arg8[%dma_wait3A_267, %dma_wait3A_268] : memref<250x40xi32, #tpu.memory_space<vmem>> -> memref<1x40xi32, #tpu.memory_space<vmem>>
    %dma_wait3A_270 = tpu.memref_squeeze %dma_wait3A_269 : memref<1x40xi32, #tpu.memory_space<vmem>> -> memref<40xi32, #tpu.memory_space<vmem>>
    %dma_wait3A_271 = arith.constant 0 : i32
    %dma_wait3A_272 = arith.constant 0 : i32
    %dma_wait3A_273 = tpu.memref_slice %arg19[%dma_wait3A_271, %dma_wait3A_272] : memref<10000x40xf32, #tpu.memory_space<vmem_shared>> -> memref<10000x40xf32, #tpu.memory_space<vmem_shared>>
    tpu.wait_indirect_dma semaphore(%arg31 : memref<!tpu.dma_semaphore, #tpu.memory_space<semaphore_mem>>) src(%arg10 : memref<40x40xf32, #tpu.memory_space<vmem>>) dst(%dma_wait3A_273 : memref<10000x40xf32, #tpu.memory_space<vmem_shared>>)
    %dma_wait3A_274 = arith.constant 242 : i32
    %dma_wait3A_275 = arith.constant 0 : i32
    %dma_wait3A_276 = tpu.memref_slice %arg8[%dma_wait3A_274, %dma_wait3A_275] : memref<250x40xi32, #tpu.memory_space<vmem>> -> memref<1x40xi32, #tpu.memory_space<vmem>>
    %dma_wait3A_277 = tpu.memref_squeeze %dma_wait3A_276 : memref<1x40xi32, #tpu.memory_space<vmem>> -> memref<40xi32, #tpu.memory_space<vmem>>
    %dma_wait3A_278 = arith.constant 0 : i32
    %dma_wait3A_279 = arith.constant 0 : i32
    %dma_wait3A_280 = tpu.memref_slice %arg19[%dma_wait3A_278, %dma_wait3A_279] : memref<10000x40xf32, #tpu.memory_space<vmem_shared>> -> memref<10000x40xf32, #tpu.memory_space<vmem_shared>>
    tpu.wait_indirect_dma semaphore(%arg32 : memref<!tpu.dma_semaphore, #tpu.memory_space<semaphore_mem>>) src(%arg11 : memref<40x40xf32, #tpu.memory_space<vmem>>) dst(%dma_wait3A_280 : memref<10000x40xf32, #tpu.memory_space<vmem_shared>>)
    %dma_wait3A_281 = arith.constant 243 : i32
    %dma_wait3A_282 = arith.constant 0 : i32
    %dma_wait3A_283 = tpu.memref_slice %arg8[%dma_wait3A_281, %dma_wait3A_282] : memref<250x40xi32, #tpu.memory_space<vmem>> -> memref<1x40xi32, #tpu.memory_space<vmem>>
    %dma_wait3A_284 = tpu.memref_squeeze %dma_wait3A_283 : memref<1x40xi32, #tpu.memory_space<vmem>> -> memref<40xi32, #tpu.memory_space<vmem>>
    %dma_wait3A_285 = arith.constant 0 : i32
    %dma_wait3A_286 = arith.constant 0 : i32
    %dma_wait3A_287 = tpu.memref_slice %arg19[%dma_wait3A_285, %dma_wait3A_286] : memref<10000x40xf32, #tpu.memory_space<vmem_shared>> -> memref<10000x40xf32, #tpu.memory_space<vmem_shared>>
    tpu.wait_indirect_dma semaphore(%arg33 : memref<!tpu.dma_semaphore, #tpu.memory_space<semaphore_mem>>) src(%arg12 : memref<40x40xf32, #tpu.memory_space<vmem>>) dst(%dma_wait3A_287 : memref<10000x40xf32, #tpu.memory_space<vmem_shared>>)
    %dma_wait3A_288 = arith.constant 244 : i32
    %dma_wait3A_289 = arith.constant 0 : i32
    %dma_wait3A_290 = tpu.memref_slice %arg8[%dma_wait3A_288, %dma_wait3A_289] : memref<250x40xi32, #tpu.memory_space<vmem>> -> memref<1x40xi32, #tpu.memory_space<vmem>>
    %dma_wait3A_291 = tpu.memref_squeeze %dma_wait3A_290 : memref<1x40xi32, #tpu.memory_space<vmem>> -> memref<40xi32, #tpu.memory_space<vmem>>
    %dma_wait3A_292 = arith.constant 0 : i32
    %dma_wait3A_293 = arith.constant 0 : i32
    %dma_wait3A_294 = tpu.memref_slice %arg19[%dma_wait3A_292, %dma_wait3A_293] : memref<10000x40xf32, #tpu.memory_space<vmem_shared>> -> memref<10000x40xf32, #tpu.memory_space<vmem_shared>>
    tpu.wait_indirect_dma semaphore(%arg34 : memref<!tpu.dma_semaphore, #tpu.memory_space<semaphore_mem>>) src(%arg13 : memref<40x40xf32, #tpu.memory_space<vmem>>) dst(%dma_wait3A_294 : memref<10000x40xf32, #tpu.memory_space<vmem_shared>>)
    %dma_wait3A_295 = arith.constant 245 : i32
    %dma_wait3A_296 = arith.constant 0 : i32
    %dma_wait3A_297 = tpu.memref_slice %arg8[%dma_wait3A_295, %dma_wait3A_296] : memref<250x40xi32, #tpu.memory_space<vmem>> -> memref<1x40xi32, #tpu.memory_space<vmem>>
    %dma_wait3A_298 = tpu.memref_squeeze %dma_wait3A_297 : memref<1x40xi32, #tpu.memory_space<vmem>> -> memref<40xi32, #tpu.memory_space<vmem>>
    %dma_wait3A_299 = arith.constant 0 : i32
    %dma_wait3A_300 = arith.constant 0 : i32
    %dma_wait3A_301 = tpu.memref_slice %arg19[%dma_wait3A_299, %dma_wait3A_300] : memref<10000x40xf32, #tpu.memory_space<vmem_shared>> -> memref<10000x40xf32, #tpu.memory_space<vmem_shared>>
    tpu.wait_indirect_dma semaphore(%arg35 : memref<!tpu.dma_semaphore, #tpu.memory_space<semaphore_mem>>) src(%arg14 : memref<40x40xf32, #tpu.memory_space<vmem>>) dst(%dma_wait3A_301 : memref<10000x40xf32, #tpu.memory_space<vmem_shared>>)
    %dma_wait3A_302 = arith.constant 246 : i32
    %dma_wait3A_303 = arith.constant 0 : i32
    %dma_wait3A_304 = tpu.memref_slice %arg8[%dma_wait3A_302, %dma_wait3A_303] : memref<250x40xi32, #tpu.memory_space<vmem>> -> memref<1x40xi32, #tpu.memory_space<vmem>>
    %dma_wait3A_305 = tpu.memref_squeeze %dma_wait3A_304 : memref<1x40xi32, #tpu.memory_space<vmem>> -> memref<40xi32, #tpu.memory_space<vmem>>
    %dma_wait3A_306 = arith.constant 0 : i32
    %dma_wait3A_307 = arith.constant 0 : i32
    %dma_wait3A_308 = tpu.memref_slice %arg19[%dma_wait3A_306, %dma_wait3A_307] : memref<10000x40xf32, #tpu.memory_space<vmem_shared>> -> memref<10000x40xf32, #tpu.memory_space<vmem_shared>>
    tpu.wait_indirect_dma semaphore(%arg36 : memref<!tpu.dma_semaphore, #tpu.memory_space<semaphore_mem>>) src(%arg15 : memref<40x40xf32, #tpu.memory_space<vmem>>) dst(%dma_wait3A_308 : memref<10000x40xf32, #tpu.memory_space<vmem_shared>>)
    %dma_wait3A_309 = arith.constant 247 : i32
    %dma_wait3A_310 = arith.constant 0 : i32
    %dma_wait3A_311 = tpu.memref_slice %arg8[%dma_wait3A_309, %dma_wait3A_310] : memref<250x40xi32, #tpu.memory_space<vmem>> -> memref<1x40xi32, #tpu.memory_space<vmem>>
    %dma_wait3A_312 = tpu.memref_squeeze %dma_wait3A_311 : memref<1x40xi32, #tpu.memory_space<vmem>> -> memref<40xi32, #tpu.memory_space<vmem>>
    %dma_wait3A_313 = arith.constant 0 : i32
    %dma_wait3A_314 = arith.constant 0 : i32
    %dma_wait3A_315 = tpu.memref_slice %arg19[%dma_wait3A_313, %dma_wait3A_314] : memref<10000x40xf32, #tpu.memory_space<vmem_shared>> -> memref<10000x40xf32, #tpu.memory_space<vmem_shared>>
    tpu.wait_indirect_dma semaphore(%arg37 : memref<!tpu.dma_semaphore, #tpu.memory_space<semaphore_mem>>) src(%arg16 : memref<40x40xf32, #tpu.memory_space<vmem>>) dst(%dma_wait3A_315 : memref<10000x40xf32, #tpu.memory_space<vmem_shared>>)
    %dma_wait3A_316 = arith.constant 248 : i32
    %dma_wait3A_317 = arith.constant 0 : i32
    %dma_wait3A_318 = tpu.memref_slice %arg8[%dma_wait3A_316, %dma_wait3A_317] : memref<250x40xi32, #tpu.memory_space<vmem>> -> memref<1x40xi32, #tpu.memory_space<vmem>>
    %dma_wait3A_319 = tpu.memref_squeeze %dma_wait3A_318 : memref<1x40xi32, #tpu.memory_space<vmem>> -> memref<40xi32, #tpu.memory_space<vmem>>
    %dma_wait3A_320 = arith.constant 0 : i32
    %dma_wait3A_321 = arith.constant 0 : i32
    %dma_wait3A_322 = tpu.memref_slice %arg19[%dma_wait3A_320, %dma_wait3A_321] : memref<10000x40xf32, #tpu.memory_space<vmem_shared>> -> memref<10000x40xf32, #tpu.memory_space<vmem_shared>>
    tpu.wait_indirect_dma semaphore(%arg38 : memref<!tpu.dma_semaphore, #tpu.memory_space<semaphore_mem>>) src(%arg17 : memref<40x40xf32, #tpu.memory_space<vmem>>) dst(%dma_wait3A_322 : memref<10000x40xf32, #tpu.memory_space<vmem_shared>>)
    %dma_wait3A_323 = arith.constant 249 : i32
    %dma_wait3A_324 = arith.constant 0 : i32
    %dma_wait3A_325 = tpu.memref_slice %arg8[%dma_wait3A_323, %dma_wait3A_324] : memref<250x40xi32, #tpu.memory_space<vmem>> -> memref<1x40xi32, #tpu.memory_space<vmem>>
    %dma_wait3A_326 = tpu.memref_squeeze %dma_wait3A_325 : memref<1x40xi32, #tpu.memory_space<vmem>> -> memref<40xi32, #tpu.memory_space<vmem>>
    %dma_wait3A_327 = arith.constant 0 : i32
    %dma_wait3A_328 = arith.constant 0 : i32
    %dma_wait3A_329 = tpu.memref_slice %arg19[%dma_wait3A_327, %dma_wait3A_328] : memref<10000x40xf32, #tpu.memory_space<vmem_shared>> -> memref<10000x40xf32, #tpu.memory_space<vmem_shared>>
    tpu.wait_indirect_dma semaphore(%arg39 : memref<!tpu.dma_semaphore, #tpu.memory_space<semaphore_mem>>) src(%arg18 : memref<40x40xf32, #tpu.memory_space<vmem>>) dst(%dma_wait3A_329 : memref<10000x40xf32, #tpu.memory_space<vmem_shared>>)
    %barrier3A_330 = arith.constant 0 : index
    tpu.barrier barrier_id(%barrier3A_330)
    %eq3A_331 = arith.constant 0 : i32
    %eq3A_332 = arith.cmpi eq, %arg0, %eq3A_331 : i32
    %convert_element_type3A_333 = arith.extui %eq3A_332 : i1 to i32
    %cond3A_334 = arith.constant 0 : i32
    %cond3A_335 = arith.cmpi ne, %convert_element_type3A_333, %cond3A_334 : i32
    scf.if %cond3A_335 {
      "tpu.region"() ({
        %run_scoped3A = tpu.sem_alloc : memref<!tpu.dma_semaphore, #tpu.memory_space<semaphore_mem>>
        %dma_start3A_346 = arith.constant 0 : i32
        %dma_start3A_347 = tpu.memref_slice %arg5[%mul3A_17, %dma_start3A_346] : memref<10000x40xf32, #tpu.memory_space<hbm>> -> memref<624x40xf32, #tpu.memory_space<hbm>>
        %dma_start3A_348 = arith.constant 0 : i32
        %dma_start3A_349 = tpu.memref_slice %arg19[%mul3A_17, %dma_start3A_348] : memref<10000x40xf32, #tpu.memory_space<vmem_shared>> -> memref<624x40xf32, #tpu.memory_space<vmem_shared>>
        tpu.enqueue_dma source(%dma_start3A_349 : memref<624x40xf32, #tpu.memory_space<vmem_shared>>) target(%dma_start3A_347 : memref<624x40xf32, #tpu.memory_space<hbm>>) target_semaphore(%run_scoped3A : memref<!tpu.dma_semaphore, #tpu.memory_space<semaphore_mem>>)
        %dma_wait3A_350 = arith.constant 0 : i32
        %dma_wait3A_351 = tpu.memref_slice %arg5[%mul3A_17, %dma_wait3A_350] : memref<10000x40xf32, #tpu.memory_space<hbm>> -> memref<624x40xf32, #tpu.memory_space<hbm>>
        %dma_wait3A_352 = arith.constant 0 : i32
        %dma_wait3A_353 = tpu.memref_slice %arg19[%mul3A_17, %dma_wait3A_352] : memref<10000x40xf32, #tpu.memory_space<vmem_shared>> -> memref<624x40xf32, #tpu.memory_space<vmem_shared>>
        tpu.wait_dma2 semaphore(%run_scoped3A : memref<!tpu.dma_semaphore, #tpu.memory_space<semaphore_mem>>) src(%dma_wait3A_353 : memref<624x40xf32, #tpu.memory_space<vmem_shared>>) dst(%dma_wait3A_351 : memref<624x40xf32, #tpu.memory_space<hbm>>)
        tpu.yield
      }) : () -> ()
      %eq3A_341 = arith.constant 0 : i32
      %eq3A_342 = arith.cmpi eq, %arg1, %eq3A_341 : i32
      %convert_element_type3A_343 = arith.extui %eq3A_342 : i1 to i32
      %cond3A_344 = arith.constant 0 : i32
      %cond3A_345 = arith.cmpi ne, %convert_element_type3A_343, %cond3A_344 : i32
      scf.if %cond3A_345 {
        "tpu.region"() ({
          %run_scoped3A = tpu.sem_alloc : memref<!tpu.dma_semaphore, #tpu.memory_space<semaphore_mem>>
          %dma_start3A_346 = arith.constant 9984 : i32
          %dma_start3A_347 = arith.constant 0 : i32
          %dma_start3A_348 = tpu.memref_slice %arg5[%dma_start3A_346, %dma_start3A_347] : memref<10000x40xf32, #tpu.memory_space<hbm>> -> memref<16x40xf32, #tpu.memory_space<hbm>>
          %dma_start3A_349 = arith.constant 9984 : i32
          %dma_start3A_350 = arith.constant 0 : i32
          %dma_start3A_351 = tpu.memref_slice %arg19[%dma_start3A_349, %dma_start3A_350] : memref<10000x40xf32, #tpu.memory_space<vmem_shared>> -> memref<16x40xf32, #tpu.memory_space<vmem_shared>>
          tpu.enqueue_dma source(%dma_start3A_351 : memref<16x40xf32, #tpu.memory_space<vmem_shared>>) target(%dma_start3A_348 : memref<16x40xf32, #tpu.memory_space<hbm>>) target_semaphore(%run_scoped3A : memref<!tpu.dma_semaphore, #tpu.memory_space<semaphore_mem>>)
          %dma_wait3A_352 = arith.constant 9984 : i32
          %dma_wait3A_353 = arith.constant 0 : i32
          %dma_wait3A_354 = tpu.memref_slice %arg5[%dma_wait3A_352, %dma_wait3A_353] : memref<10000x40xf32, #tpu.memory_space<hbm>> -> memref<16x40xf32, #tpu.memory_space<hbm>>
          %dma_wait3A_355 = arith.constant 9984 : i32
          %dma_wait3A_356 = arith.constant 0 : i32
          %dma_wait3A_357 = tpu.memref_slice %arg19[%dma_wait3A_355, %dma_wait3A_356] : memref<10000x40xf32, #tpu.memory_space<vmem_shared>> -> memref<16x40xf32, #tpu.memory_space<vmem_shared>>
          tpu.wait_dma2 semaphore(%run_scoped3A : memref<!tpu.dma_semaphore, #tpu.memory_space<semaphore_mem>>) src(%dma_wait3A_357 : memref<16x40xf32, #tpu.memory_space<vmem_shared>>) dst(%dma_wait3A_354 : memref<16x40xf32, #tpu.memory_space<hbm>>)
          tpu.yield
        }) : () -> ()
      } else {
      }
    } else {
    }
    %eq3A_336 = arith.constant 1 : i32
    %eq3A_337 = arith.cmpi eq, %arg0, %eq3A_336 : i32
    %convert_element_type3A_338 = arith.extui %eq3A_337 : i1 to i32
    %cond3A_339 = arith.constant 0 : i32
    %cond3A_340 = arith.cmpi ne, %convert_element_type3A_338, %cond3A_339 : i32
    scf.if %cond3A_340 {
      "tpu.region"() ({
        %run_scoped3A = tpu.sem_alloc : memref<!tpu.dma_semaphore, #tpu.memory_space<semaphore_mem>>
        %dma_start3A_346 = arith.constant 0 : i32
        %dma_start3A_347 = tpu.memref_slice %arg6[%mul3A_17, %dma_start3A_346] : memref<10000x40xf32, #tpu.memory_space<hbm>> -> memref<624x40xf32, #tpu.memory_space<hbm>>
        %dma_start3A_348 = arith.constant 0 : i32
        %dma_start3A_349 = tpu.memref_slice %arg19[%mul3A_17, %dma_start3A_348] : memref<10000x40xf32, #tpu.memory_space<vmem_shared>> -> memref<624x40xf32, #tpu.memory_space<vmem_shared>>
        tpu.enqueue_dma source(%dma_start3A_349 : memref<624x40xf32, #tpu.memory_space<vmem_shared>>) target(%dma_start3A_347 : memref<624x40xf32, #tpu.memory_space<hbm>>) target_semaphore(%run_scoped3A : memref<!tpu.dma_semaphore, #tpu.memory_space<semaphore_mem>>)
        %dma_wait3A_350 = arith.constant 0 : i32
        %dma_wait3A_351 = tpu.memref_slice %arg6[%mul3A_17, %dma_wait3A_350] : memref<10000x40xf32, #tpu.memory_space<hbm>> -> memref<624x40xf32, #tpu.memory_space<hbm>>
        %dma_wait3A_352 = arith.constant 0 : i32
        %dma_wait3A_353 = tpu.memref_slice %arg19[%mul3A_17, %dma_wait3A_352] : memref<10000x40xf32, #tpu.memory_space<vmem_shared>> -> memref<624x40xf32, #tpu.memory_space<vmem_shared>>
        tpu.wait_dma2 semaphore(%run_scoped3A : memref<!tpu.dma_semaphore, #tpu.memory_space<semaphore_mem>>) src(%dma_wait3A_353 : memref<624x40xf32, #tpu.memory_space<vmem_shared>>) dst(%dma_wait3A_351 : memref<624x40xf32, #tpu.memory_space<hbm>>)
        tpu.yield
      }) : () -> ()
      %eq3A_341 = arith.constant 0 : i32
      %eq3A_342 = arith.cmpi eq, %arg1, %eq3A_341 : i32
      %convert_element_type3A_343 = arith.extui %eq3A_342 : i1 to i32
      %cond3A_344 = arith.constant 0 : i32
      %cond3A_345 = arith.cmpi ne, %convert_element_type3A_343, %cond3A_344 : i32
      scf.if %cond3A_345 {
        "tpu.region"() ({
          %run_scoped3A = tpu.sem_alloc : memref<!tpu.dma_semaphore, #tpu.memory_space<semaphore_mem>>
          %dma_start3A_346 = arith.constant 9984 : i32
          %dma_start3A_347 = arith.constant 0 : i32
          %dma_start3A_348 = tpu.memref_slice %arg6[%dma_start3A_346, %dma_start3A_347] : memref<10000x40xf32, #tpu.memory_space<hbm>> -> memref<16x40xf32, #tpu.memory_space<hbm>>
          %dma_start3A_349 = arith.constant 9984 : i32
          %dma_start3A_350 = arith.constant 0 : i32
          %dma_start3A_351 = tpu.memref_slice %arg19[%dma_start3A_349, %dma_start3A_350] : memref<10000x40xf32, #tpu.memory_space<vmem_shared>> -> memref<16x40xf32, #tpu.memory_space<vmem_shared>>
          tpu.enqueue_dma source(%dma_start3A_351 : memref<16x40xf32, #tpu.memory_space<vmem_shared>>) target(%dma_start3A_348 : memref<16x40xf32, #tpu.memory_space<hbm>>) target_semaphore(%run_scoped3A : memref<!tpu.dma_semaphore, #tpu.memory_space<semaphore_mem>>)
          %dma_wait3A_352 = arith.constant 9984 : i32
          %dma_wait3A_353 = arith.constant 0 : i32
          %dma_wait3A_354 = tpu.memref_slice %arg6[%dma_wait3A_352, %dma_wait3A_353] : memref<10000x40xf32, #tpu.memory_space<hbm>> -> memref<16x40xf32, #tpu.memory_space<hbm>>
          %dma_wait3A_355 = arith.constant 9984 : i32
          %dma_wait3A_356 = arith.constant 0 : i32
          %dma_wait3A_357 = tpu.memref_slice %arg19[%dma_wait3A_355, %dma_wait3A_356] : memref<10000x40xf32, #tpu.memory_space<vmem_shared>> -> memref<16x40xf32, #tpu.memory_space<vmem_shared>>
          tpu.wait_dma2 semaphore(%run_scoped3A : memref<!tpu.dma_semaphore, #tpu.memory_space<semaphore_mem>>) src(%dma_wait3A_357 : memref<16x40xf32, #tpu.memory_space<vmem_shared>>) dst(%dma_wait3A_354 : memref<16x40xf32, #tpu.memory_space<hbm>>)
          tpu.yield
        }) : () -> ()
      } else {
      }
    } else {
    }
    return
  }
}

#map = affine_map<(d0, d1) -> (0, 0)>
#map1 = affine_map<(d0, d1) -> (0)>
module attributes {stable_mosaic.version = 14 : i64} {
  func.func @combine(%arg0: i32, %arg1: i32, %arg2: memref<10000x40xf32, #tpu.memory_space<hbm>>, %arg3: memref<10000x40xf32, #tpu.memory_space<hbm>>, %arg4: memref<10000x40xf32, #tpu.memory_space<hbm>>, %arg5: memref<40xf32, #tpu.memory_space<hbm>>, %arg6: memref<10000x40xf32, #tpu.memory_space<hbm>>, %arg7: memref<312x40xf32, #tpu.memory_space<vmem>>, %arg8: memref<312x40xf32, #tpu.memory_space<vmem>>, %arg9: memref<312x40xf32, #tpu.memory_space<vmem>>, %arg10: memref<40xf32, #tpu.memory_space<vmem>>, %arg11: memref<!tpu.dma_semaphore, #tpu.memory_space<semaphore_mem>>, %arg12: memref<!tpu.dma_semaphore, #tpu.memory_space<semaphore_mem>>, %arg13: memref<!tpu.dma_semaphore, #tpu.memory_space<semaphore_mem>>) attributes {dimension_semantics = [#tpu.dimension_semantics<core_parallel>, #tpu.dimension_semantics<subcore_parallel>], iteration_bounds = array<i64: 2, 16>, scalar_prefetch = 0 : i64, scratch_operands = 7 : i64, tpu.core_type = #tpu.core_type<sc_vector_subcore>, window_params = [{transform_indices = #map}, {transform_indices = #map}, {transform_indices = #map}, {transform_indices = #map1}, {transform_indices = #map}]} {
    %mul3A = arith.constant 2 : i32
    %mul3A_0 = arith.muli %arg1, %mul3A : i32
    %add3A = arith.addi %mul3A_0, %arg0 : i32
    "tpu.region"() ({
      %run_scoped3A = tpu.sem_alloc : memref<!tpu.dma_semaphore, #tpu.memory_space<semaphore_mem>>
      tpu.enqueue_dma source(%arg5 : memref<40xf32, #tpu.memory_space<hbm>>) target(%arg10 : memref<40xf32, #tpu.memory_space<vmem>>) target_semaphore(%run_scoped3A : memref<!tpu.dma_semaphore, #tpu.memory_space<semaphore_mem>>)
      tpu.wait_dma2 semaphore(%run_scoped3A : memref<!tpu.dma_semaphore, #tpu.memory_space<semaphore_mem>>) src(%arg5 : memref<40xf32, #tpu.memory_space<hbm>>) dst(%arg10 : memref<40xf32, #tpu.memory_space<vmem>>)
      tpu.yield
    }) : () -> ()
    %get3A = arith.constant 0 : index
    %get3A_1 = tpu.vector_load %arg10[%get3A] {strides = array<i32>} : memref<40xf32, #tpu.memory_space<vmem>>, vector<16xf32>,
    %get3A_2 = vector.shape_cast %get3A_1 : vector<16xf32> to vector<16xf32>
    %get3A_3 = arith.constant 16 : index
    %get3A_4 = tpu.vector_load %arg10[%get3A_3] {strides = array<i32>} : memref<40xf32, #tpu.memory_space<vmem>>, vector<16xf32>,
    %get3A_5 = vector.shape_cast %get3A_4 : vector<16xf32> to vector<16xf32>
    %get3A_6 = arith.constant 24 : index
    %get3A_7 = tpu.vector_load %arg10[%get3A_6] {strides = array<i32>} : memref<40xf32, #tpu.memory_space<vmem>>, vector<16xf32>,
    %get3A_8 = vector.shape_cast %get3A_7 : vector<16xf32> to vector<16xf32>
    %mul3A_9 = arith.constant 312 : i32
    %mul3A_10 = arith.muli %add3A, %mul3A_9 : i32
    %dma_start3A = arith.constant 0 : i32
    %dma_start3A_11 = arith.constant 0 : i32
    %dma_start3A_12 = tpu.memref_slice %arg7[%dma_start3A, %dma_start3A_11] : memref<312x40xf32, #tpu.memory_space<vmem>> -> memref<312x40xf32, #tpu.memory_space<vmem>>
    %dma_start3A_13 = arith.constant 0 : i32
    %dma_start3A_14 = tpu.memref_slice %arg2[%mul3A_10, %dma_start3A_13] : memref<10000x40xf32, #tpu.memory_space<hbm>> -> memref<312x40xf32, #tpu.memory_space<hbm>>
    %dma_start3A_15 = arith.constant 0 : i32
    %dma_start3A_16 = arith.constant 0 : i32
    %dma_start3A_17 = tpu.memref_slice %arg7[%dma_start3A_15, %dma_start3A_16] : memref<312x40xf32, #tpu.memory_space<vmem>> -> memref<312x40xf32, #tpu.memory_space<vmem>>
    %dma_start3A_18 = arith.constant 0 : i32
    %dma_start3A_19 = tpu.memref_slice %arg2[%mul3A_10, %dma_start3A_18] : memref<10000x40xf32, #tpu.memory_space<hbm>> -> memref<312x40xf32, #tpu.memory_space<hbm>>
    tpu.enqueue_dma source(%dma_start3A_19 : memref<312x40xf32, #tpu.memory_space<hbm>>) target(%dma_start3A_17 : memref<312x40xf32, #tpu.memory_space<vmem>>) target_semaphore(%arg11 : memref<!tpu.dma_semaphore, #tpu.memory_space<semaphore_mem>>)
    %dma_start3A_20 = arith.constant 0 : i32
    %dma_start3A_21 = arith.constant 0 : i32
    %dma_start3A_22 = tpu.memref_slice %arg8[%dma_start3A_20, %dma_start3A_21] : memref<312x40xf32, #tpu.memory_space<vmem>> -> memref<312x40xf32, #tpu.memory_space<vmem>>
    %dma_start3A_23 = arith.constant 0 : i32
    %dma_start3A_24 = tpu.memref_slice %arg3[%mul3A_10, %dma_start3A_23] : memref<10000x40xf32, #tpu.memory_space<hbm>> -> memref<312x40xf32, #tpu.memory_space<hbm>>
    %dma_start3A_25 = arith.constant 0 : i32
    %dma_start3A_26 = arith.constant 0 : i32
    %dma_start3A_27 = tpu.memref_slice %arg8[%dma_start3A_25, %dma_start3A_26] : memref<312x40xf32, #tpu.memory_space<vmem>> -> memref<312x40xf32, #tpu.memory_space<vmem>>
    %dma_start3A_28 = arith.constant 0 : i32
    %dma_start3A_29 = tpu.memref_slice %arg3[%mul3A_10, %dma_start3A_28] : memref<10000x40xf32, #tpu.memory_space<hbm>> -> memref<312x40xf32, #tpu.memory_space<hbm>>
    tpu.enqueue_dma source(%dma_start3A_29 : memref<312x40xf32, #tpu.memory_space<hbm>>) target(%dma_start3A_27 : memref<312x40xf32, #tpu.memory_space<vmem>>) target_semaphore(%arg12 : memref<!tpu.dma_semaphore, #tpu.memory_space<semaphore_mem>>)
    %dma_start3A_30 = arith.constant 0 : i32
    %dma_start3A_31 = arith.constant 0 : i32
    %dma_start3A_32 = tpu.memref_slice %arg9[%dma_start3A_30, %dma_start3A_31] : memref<312x40xf32, #tpu.memory_space<vmem>> -> memref<312x40xf32, #tpu.memory_space<vmem>>
    %dma_start3A_33 = arith.constant 0 : i32
    %dma_start3A_34 = tpu.memref_slice %arg4[%mul3A_10, %dma_start3A_33] : memref<10000x40xf32, #tpu.memory_space<hbm>> -> memref<312x40xf32, #tpu.memory_space<hbm>>
    %dma_start3A_35 = arith.constant 0 : i32
    %dma_start3A_36 = arith.constant 0 : i32
    %dma_start3A_37 = tpu.memref_slice %arg9[%dma_start3A_35, %dma_start3A_36] : memref<312x40xf32, #tpu.memory_space<vmem>> -> memref<312x40xf32, #tpu.memory_space<vmem>>
    %dma_start3A_38 = arith.constant 0 : i32
    %dma_start3A_39 = tpu.memref_slice %arg4[%mul3A_10, %dma_start3A_38] : memref<10000x40xf32, #tpu.memory_space<hbm>> -> memref<312x40xf32, #tpu.memory_space<hbm>>
    tpu.enqueue_dma source(%dma_start3A_39 : memref<312x40xf32, #tpu.memory_space<hbm>>) target(%dma_start3A_37 : memref<312x40xf32, #tpu.memory_space<vmem>>) target_semaphore(%arg13 : memref<!tpu.dma_semaphore, #tpu.memory_space<semaphore_mem>>)
    %dma_wait3A = arith.constant 0 : i32
    %dma_wait3A_40 = arith.constant 0 : i32
    %dma_wait3A_41 = tpu.memref_slice %arg7[%dma_wait3A, %dma_wait3A_40] : memref<312x40xf32, #tpu.memory_space<vmem>> -> memref<312x40xf32, #tpu.memory_space<vmem>>
    %dma_wait3A_42 = arith.constant 0 : i32
    %dma_wait3A_43 = tpu.memref_slice %arg2[%mul3A_10, %dma_wait3A_42] : memref<10000x40xf32, #tpu.memory_space<hbm>> -> memref<312x40xf32, #tpu.memory_space<hbm>>
    %dma_wait3A_44 = arith.constant 0 : i32
    %dma_wait3A_45 = arith.constant 0 : i32
    %dma_wait3A_46 = tpu.memref_slice %arg7[%dma_wait3A_44, %dma_wait3A_45] : memref<312x40xf32, #tpu.memory_space<vmem>> -> memref<312x40xf32, #tpu.memory_space<vmem>>
    %dma_wait3A_47 = arith.constant 0 : i32
    %dma_wait3A_48 = tpu.memref_slice %arg2[%mul3A_10, %dma_wait3A_47] : memref<10000x40xf32, #tpu.memory_space<hbm>> -> memref<312x40xf32, #tpu.memory_space<hbm>>
    tpu.wait_dma2 semaphore(%arg11 : memref<!tpu.dma_semaphore, #tpu.memory_space<semaphore_mem>>) src(%dma_wait3A_48 : memref<312x40xf32, #tpu.memory_space<hbm>>) dst(%dma_wait3A_46 : memref<312x40xf32, #tpu.memory_space<vmem>>)
    %dma_wait3A_49 = arith.constant 0 : i32
    %dma_wait3A_50 = arith.constant 0 : i32
    %dma_wait3A_51 = tpu.memref_slice %arg8[%dma_wait3A_49, %dma_wait3A_50] : memref<312x40xf32, #tpu.memory_space<vmem>> -> memref<312x40xf32, #tpu.memory_space<vmem>>
    %dma_wait3A_52 = arith.constant 0 : i32
    %dma_wait3A_53 = tpu.memref_slice %arg3[%mul3A_10, %dma_wait3A_52] : memref<10000x40xf32, #tpu.memory_space<hbm>> -> memref<312x40xf32, #tpu.memory_space<hbm>>
    %dma_wait3A_54 = arith.constant 0 : i32
    %dma_wait3A_55 = arith.constant 0 : i32
    %dma_wait3A_56 = tpu.memref_slice %arg8[%dma_wait3A_54, %dma_wait3A_55] : memref<312x40xf32, #tpu.memory_space<vmem>> -> memref<312x40xf32, #tpu.memory_space<vmem>>
    %dma_wait3A_57 = arith.constant 0 : i32
    %dma_wait3A_58 = tpu.memref_slice %arg3[%mul3A_10, %dma_wait3A_57] : memref<10000x40xf32, #tpu.memory_space<hbm>> -> memref<312x40xf32, #tpu.memory_space<hbm>>
    tpu.wait_dma2 semaphore(%arg12 : memref<!tpu.dma_semaphore, #tpu.memory_space<semaphore_mem>>) src(%dma_wait3A_58 : memref<312x40xf32, #tpu.memory_space<hbm>>) dst(%dma_wait3A_56 : memref<312x40xf32, #tpu.memory_space<vmem>>)
    %dma_wait3A_59 = arith.constant 0 : i32
    %dma_wait3A_60 = arith.constant 0 : i32
    %dma_wait3A_61 = tpu.memref_slice %arg9[%dma_wait3A_59, %dma_wait3A_60] : memref<312x40xf32, #tpu.memory_space<vmem>> -> memref<312x40xf32, #tpu.memory_space<vmem>>
    %dma_wait3A_62 = arith.constant 0 : i32
    %dma_wait3A_63 = tpu.memref_slice %arg4[%mul3A_10, %dma_wait3A_62] : memref<10000x40xf32, #tpu.memory_space<hbm>> -> memref<312x40xf32, #tpu.memory_space<hbm>>
    %dma_wait3A_64 = arith.constant 0 : i32
    %dma_wait3A_65 = arith.constant 0 : i32
    %dma_wait3A_66 = tpu.memref_slice %arg9[%dma_wait3A_64, %dma_wait3A_65] : memref<312x40xf32, #tpu.memory_space<vmem>> -> memref<312x40xf32, #tpu.memory_space<vmem>>
    %dma_wait3A_67 = arith.constant 0 : i32
    %dma_wait3A_68 = tpu.memref_slice %arg4[%mul3A_10, %dma_wait3A_67] : memref<10000x40xf32, #tpu.memory_space<hbm>> -> memref<312x40xf32, #tpu.memory_space<hbm>>
    tpu.wait_dma2 semaphore(%arg13 : memref<!tpu.dma_semaphore, #tpu.memory_space<semaphore_mem>>) src(%dma_wait3A_68 : memref<312x40xf32, #tpu.memory_space<hbm>>) dst(%dma_wait3A_66 : memref<312x40xf32, #tpu.memory_space<vmem>>)
    %scan3A = arith.constant 0 : i32
    %scan3A_69 = arith.constant 0 : i32
    %scan3A_70 = arith.constant 312 : i32
    %scan3A_71 = arith.addi %scan3A_69, %scan3A_70 : i32
    %scan3A_72 = arith.constant 1 : i32
    scf.for %scan3A_76 = %scan3A_69 to %scan3A_71 step %scan3A_72  : i32 {
      %get3A_77 = arith.index_cast %scan3A_76 : i32 to index
      %get3A_78 = arith.constant 0 : index
      %get3A_79 = tpu.vector_load %arg7[%get3A_77, %get3A_78] {strides = array<i32>} : memref<312x40xf32, #tpu.memory_space<vmem>>, vector<1x16xf32>,
      %get3A_80 = vector.shape_cast %get3A_79 : vector<1x16xf32> to vector<16xf32>
      %get3A_81 = arith.index_cast %scan3A_76 : i32 to index
      %get3A_82 = arith.constant 0 : index
      %get3A_83 = tpu.vector_load %arg8[%get3A_81, %get3A_82] {strides = array<i32>} : memref<312x40xf32, #tpu.memory_space<vmem>>, vector<1x16xf32>,
      %get3A_84 = vector.shape_cast %get3A_83 : vector<1x16xf32> to vector<16xf32>
      %add3A_85 = arith.addf %get3A_80, %get3A_84 : vector<16xf32>
      %get3A_86 = arith.index_cast %scan3A_76 : i32 to index
      %get3A_87 = arith.constant 0 : index
      %get3A_88 = tpu.vector_load %arg9[%get3A_86, %get3A_87] {strides = array<i32>} : memref<312x40xf32, #tpu.memory_space<vmem>>, vector<1x16xf32>,
      %get3A_89 = vector.shape_cast %get3A_88 : vector<1x16xf32> to vector<16xf32>
      %add3A_90 = arith.addf %add3A_85, %get3A_89 : vector<16xf32>
      %add3A_91 = arith.addf %add3A_90, %get3A_2 : vector<16xf32>
      %get3A_92 = arith.index_cast %scan3A_76 : i32 to index
      %get3A_93 = arith.constant 16 : index
      %get3A_94 = tpu.vector_load %arg7[%get3A_92, %get3A_93] {strides = array<i32>} : memref<312x40xf32, #tpu.memory_space<vmem>>, vector<1x16xf32>,
      %get3A_95 = vector.shape_cast %get3A_94 : vector<1x16xf32> to vector<16xf32>
      %get3A_96 = arith.index_cast %scan3A_76 : i32 to index
      %get3A_97 = arith.constant 16 : index
      %get3A_98 = tpu.vector_load %arg8[%get3A_96, %get3A_97] {strides = array<i32>} : memref<312x40xf32, #tpu.memory_space<vmem>>, vector<1x16xf32>,
      %get3A_99 = vector.shape_cast %get3A_98 : vector<1x16xf32> to vector<16xf32>
      %add3A_100 = arith.addf %get3A_95, %get3A_99 : vector<16xf32>
      %get3A_101 = arith.index_cast %scan3A_76 : i32 to index
      %get3A_102 = arith.constant 16 : index
      %get3A_103 = tpu.vector_load %arg9[%get3A_101, %get3A_102] {strides = array<i32>} : memref<312x40xf32, #tpu.memory_space<vmem>>, vector<1x16xf32>,
      %get3A_104 = vector.shape_cast %get3A_103 : vector<1x16xf32> to vector<16xf32>
      %add3A_105 = arith.addf %add3A_100, %get3A_104 : vector<16xf32>
      %add3A_106 = arith.addf %add3A_105, %get3A_5 : vector<16xf32>
      %get3A_107 = arith.index_cast %scan3A_76 : i32 to index
      %get3A_108 = arith.constant 24 : index
      %get3A_109 = tpu.vector_load %arg7[%get3A_107, %get3A_108] {strides = array<i32>} : memref<312x40xf32, #tpu.memory_space<vmem>>, vector<1x16xf32>,
      %get3A_110 = vector.shape_cast %get3A_109 : vector<1x16xf32> to vector<16xf32>
      %get3A_111 = arith.index_cast %scan3A_76 : i32 to index
      %get3A_112 = arith.constant 24 : index
      %get3A_113 = tpu.vector_load %arg8[%get3A_111, %get3A_112] {strides = array<i32>} : memref<312x40xf32, #tpu.memory_space<vmem>>, vector<1x16xf32>,
      %get3A_114 = vector.shape_cast %get3A_113 : vector<1x16xf32> to vector<16xf32>
      %add3A_115 = arith.addf %get3A_110, %get3A_114 : vector<16xf32>
      %get3A_116 = arith.index_cast %scan3A_76 : i32 to index
      %get3A_117 = arith.constant 24 : index
      %get3A_118 = tpu.vector_load %arg9[%get3A_116, %get3A_117] {strides = array<i32>} : memref<312x40xf32, #tpu.memory_space<vmem>>, vector<1x16xf32>,
      %get3A_119 = vector.shape_cast %get3A_118 : vector<1x16xf32> to vector<16xf32>
      %add3A_120 = arith.addf %add3A_115, %get3A_119 : vector<16xf32>
      %add3A_121 = arith.addf %add3A_120, %get3A_8 : vector<16xf32>
      %swap3A = arith.index_cast %scan3A_76 : i32 to index
      %swap3A_122 = arith.constant 0 : index
      %swap3A_123 = tpu.vector_load %arg7[%swap3A, %swap3A_122] {strides = array<i32>} : memref<312x40xf32, #tpu.memory_space<vmem>>, vector<1x16xf32>,
      %swap3A_124 = vector.shape_cast %swap3A_123 : vector<1x16xf32> to vector<16xf32>
      %swap3A_125 = vector.shape_cast %add3A_91 : vector<16xf32> to vector<1x16xf32>
      tpu.vector_store %arg7[%swap3A, %swap3A_122], %swap3A_125 {strides = array<i32>} : memref<312x40xf32, #tpu.memory_space<vmem>>, vector<1x16xf32>,
      %swap3A_126 = arith.index_cast %scan3A_76 : i32 to index
      %swap3A_127 = arith.constant 16 : index
      %swap3A_128 = tpu.vector_load %arg7[%swap3A_126, %swap3A_127] {strides = array<i32>} : memref<312x40xf32, #tpu.memory_space<vmem>>, vector<1x16xf32>,
      %swap3A_129 = vector.shape_cast %swap3A_128 : vector<1x16xf32> to vector<16xf32>
      %swap3A_130 = vector.shape_cast %add3A_106 : vector<16xf32> to vector<1x16xf32>
      tpu.vector_store %arg7[%swap3A_126, %swap3A_127], %swap3A_130 {strides = array<i32>} : memref<312x40xf32, #tpu.memory_space<vmem>>, vector<1x16xf32>,
      %swap3A_131 = arith.index_cast %scan3A_76 : i32 to index
      %swap3A_132 = arith.constant 24 : index
      %swap3A_133 = tpu.vector_load %arg7[%swap3A_131, %swap3A_132] {strides = array<i32>} : memref<312x40xf32, #tpu.memory_space<vmem>>, vector<1x16xf32>,
      %swap3A_134 = vector.shape_cast %swap3A_133 : vector<1x16xf32> to vector<16xf32>
      %swap3A_135 = vector.shape_cast %add3A_121 : vector<16xf32> to vector<1x16xf32>
      tpu.vector_store %arg7[%swap3A_131, %swap3A_132], %swap3A_135 {strides = array<i32>} : memref<312x40xf32, #tpu.memory_space<vmem>>, vector<1x16xf32>,
    }
    %scan3A_73 = arith.constant 312 : i32
    "tpu.region"() ({
      %run_scoped3A = tpu.sem_alloc : memref<!tpu.dma_semaphore, #tpu.memory_space<semaphore_mem>>
      %dma_start3A_76 = arith.constant 0 : i32
      %dma_start3A_77 = arith.constant 0 : i32
      %dma_start3A_78 = tpu.memref_slice %arg7[%dma_start3A_76, %dma_start3A_77] : memref<312x40xf32, #tpu.memory_space<vmem>> -> memref<312x40xf32, #tpu.memory_space<vmem>>
      %dma_start3A_79 = arith.constant 0 : i32
      %dma_start3A_80 = tpu.memref_slice %arg6[%mul3A_10, %dma_start3A_79] : memref<10000x40xf32, #tpu.memory_space<hbm>> -> memref<312x40xf32, #tpu.memory_space<hbm>>
      %dma_start3A_81 = arith.constant 0 : i32
      %dma_start3A_82 = tpu.memref_slice %arg6[%mul3A_10, %dma_start3A_81] : memref<10000x40xf32, #tpu.memory_space<hbm>> -> memref<312x40xf32, #tpu.memory_space<hbm>>
      %dma_start3A_83 = arith.constant 0 : i32
      %dma_start3A_84 = arith.constant 0 : i32
      %dma_start3A_85 = tpu.memref_slice %arg7[%dma_start3A_83, %dma_start3A_84] : memref<312x40xf32, #tpu.memory_space<vmem>> -> memref<312x40xf32, #tpu.memory_space<vmem>>
      tpu.enqueue_dma source(%dma_start3A_85 : memref<312x40xf32, #tpu.memory_space<vmem>>) target(%dma_start3A_82 : memref<312x40xf32, #tpu.memory_space<hbm>>) target_semaphore(%run_scoped3A : memref<!tpu.dma_semaphore, #tpu.memory_space<semaphore_mem>>)
      %dma_wait3A_86 = arith.constant 0 : i32
      %dma_wait3A_87 = arith.constant 0 : i32
      %dma_wait3A_88 = tpu.memref_slice %arg7[%dma_wait3A_86, %dma_wait3A_87] : memref<312x40xf32, #tpu.memory_space<vmem>> -> memref<312x40xf32, #tpu.memory_space<vmem>>
      %dma_wait3A_89 = arith.constant 0 : i32
      %dma_wait3A_90 = tpu.memref_slice %arg6[%mul3A_10, %dma_wait3A_89] : memref<10000x40xf32, #tpu.memory_space<hbm>> -> memref<312x40xf32, #tpu.memory_space<hbm>>
      %dma_wait3A_91 = arith.constant 0 : i32
      %dma_wait3A_92 = tpu.memref_slice %arg6[%mul3A_10, %dma_wait3A_91] : memref<10000x40xf32, #tpu.memory_space<hbm>> -> memref<312x40xf32, #tpu.memory_space<hbm>>
      %dma_wait3A_93 = arith.constant 0 : i32
      %dma_wait3A_94 = arith.constant 0 : i32
      %dma_wait3A_95 = tpu.memref_slice %arg7[%dma_wait3A_93, %dma_wait3A_94] : memref<312x40xf32, #tpu.memory_space<vmem>> -> memref<312x40xf32, #tpu.memory_space<vmem>>
      tpu.wait_dma2 semaphore(%run_scoped3A : memref<!tpu.dma_semaphore, #tpu.memory_space<semaphore_mem>>) src(%dma_wait3A_95 : memref<312x40xf32, #tpu.memory_space<vmem>>) dst(%dma_wait3A_92 : memref<312x40xf32, #tpu.memory_space<hbm>>)
      tpu.yield
    }) : () -> ()
    %eq3A = arith.constant 0 : i32
    %eq3A_74 = arith.cmpi eq, %add3A, %eq3A : i32
    %convert_element_type3A = arith.extui %eq3A_74 : i1 to i32
    %cond3A = arith.constant 0 : i32
    %cond3A_75 = arith.cmpi ne, %convert_element_type3A, %cond3A : i32
    scf.if %cond3A_75 {
      %dma_start3A_76 = arith.constant 0 : i32
      %dma_start3A_77 = arith.constant 0 : i32
      %dma_start3A_78 = tpu.memref_slice %arg7[%dma_start3A_76, %dma_start3A_77] : memref<312x40xf32, #tpu.memory_space<vmem>> -> memref<16x40xf32, #tpu.memory_space<vmem>>
      %dma_start3A_79 = arith.constant 9984 : i32
      %dma_start3A_80 = arith.constant 0 : i32
      %dma_start3A_81 = tpu.memref_slice %arg2[%dma_start3A_79, %dma_start3A_80] : memref<10000x40xf32, #tpu.memory_space<hbm>> -> memref<16x40xf32, #tpu.memory_space<hbm>>
      %dma_start3A_82 = arith.constant 0 : i32
      %dma_start3A_83 = arith.constant 0 : i32
      %dma_start3A_84 = tpu.memref_slice %arg7[%dma_start3A_82, %dma_start3A_83] : memref<312x40xf32, #tpu.memory_space<vmem>> -> memref<16x40xf32, #tpu.memory_space<vmem>>
      %dma_start3A_85 = arith.constant 9984 : i32
      %dma_start3A_86 = arith.constant 0 : i32
      %dma_start3A_87 = tpu.memref_slice %arg2[%dma_start3A_85, %dma_start3A_86] : memref<10000x40xf32, #tpu.memory_space<hbm>> -> memref<16x40xf32, #tpu.memory_space<hbm>>
      tpu.enqueue_dma source(%dma_start3A_87 : memref<16x40xf32, #tpu.memory_space<hbm>>) target(%dma_start3A_84 : memref<16x40xf32, #tpu.memory_space<vmem>>) target_semaphore(%arg11 : memref<!tpu.dma_semaphore, #tpu.memory_space<semaphore_mem>>)
      %dma_start3A_88 = arith.constant 0 : i32
      %dma_start3A_89 = arith.constant 0 : i32
      %dma_start3A_90 = tpu.memref_slice %arg8[%dma_start3A_88, %dma_start3A_89] : memref<312x40xf32, #tpu.memory_space<vmem>> -> memref<16x40xf32, #tpu.memory_space<vmem>>
      %dma_start3A_91 = arith.constant 9984 : i32
      %dma_start3A_92 = arith.constant 0 : i32
      %dma_start3A_93 = tpu.memref_slice %arg3[%dma_start3A_91, %dma_start3A_92] : memref<10000x40xf32, #tpu.memory_space<hbm>> -> memref<16x40xf32, #tpu.memory_space<hbm>>
      %dma_start3A_94 = arith.constant 0 : i32
      %dma_start3A_95 = arith.constant 0 : i32
      %dma_start3A_96 = tpu.memref_slice %arg8[%dma_start3A_94, %dma_start3A_95] : memref<312x40xf32, #tpu.memory_space<vmem>> -> memref<16x40xf32, #tpu.memory_space<vmem>>
      %dma_start3A_97 = arith.constant 9984 : i32
      %dma_start3A_98 = arith.constant 0 : i32
      %dma_start3A_99 = tpu.memref_slice %arg3[%dma_start3A_97, %dma_start3A_98] : memref<10000x40xf32, #tpu.memory_space<hbm>> -> memref<16x40xf32, #tpu.memory_space<hbm>>
      tpu.enqueue_dma source(%dma_start3A_99 : memref<16x40xf32, #tpu.memory_space<hbm>>) target(%dma_start3A_96 : memref<16x40xf32, #tpu.memory_space<vmem>>) target_semaphore(%arg12 : memref<!tpu.dma_semaphore, #tpu.memory_space<semaphore_mem>>)
      %dma_start3A_100 = arith.constant 0 : i32
      %dma_start3A_101 = arith.constant 0 : i32
      %dma_start3A_102 = tpu.memref_slice %arg9[%dma_start3A_100, %dma_start3A_101] : memref<312x40xf32, #tpu.memory_space<vmem>> -> memref<16x40xf32, #tpu.memory_space<vmem>>
      %dma_start3A_103 = arith.constant 9984 : i32
      %dma_start3A_104 = arith.constant 0 : i32
      %dma_start3A_105 = tpu.memref_slice %arg4[%dma_start3A_103, %dma_start3A_104] : memref<10000x40xf32, #tpu.memory_space<hbm>> -> memref<16x40xf32, #tpu.memory_space<hbm>>
      %dma_start3A_106 = arith.constant 0 : i32
      %dma_start3A_107 = arith.constant 0 : i32
      %dma_start3A_108 = tpu.memref_slice %arg9[%dma_start3A_106, %dma_start3A_107] : memref<312x40xf32, #tpu.memory_space<vmem>> -> memref<16x40xf32, #tpu.memory_space<vmem>>
      %dma_start3A_109 = arith.constant 9984 : i32
      %dma_start3A_110 = arith.constant 0 : i32
      %dma_start3A_111 = tpu.memref_slice %arg4[%dma_start3A_109, %dma_start3A_110] : memref<10000x40xf32, #tpu.memory_space<hbm>> -> memref<16x40xf32, #tpu.memory_space<hbm>>
      tpu.enqueue_dma source(%dma_start3A_111 : memref<16x40xf32, #tpu.memory_space<hbm>>) target(%dma_start3A_108 : memref<16x40xf32, #tpu.memory_space<vmem>>) target_semaphore(%arg13 : memref<!tpu.dma_semaphore, #tpu.memory_space<semaphore_mem>>)
      %dma_wait3A_112 = arith.constant 0 : i32
      %dma_wait3A_113 = arith.constant 0 : i32
      %dma_wait3A_114 = tpu.memref_slice %arg7[%dma_wait3A_112, %dma_wait3A_113] : memref<312x40xf32, #tpu.memory_space<vmem>> -> memref<16x40xf32, #tpu.memory_space<vmem>>
      %dma_wait3A_115 = arith.constant 9984 : i32
      %dma_wait3A_116 = arith.constant 0 : i32
      %dma_wait3A_117 = tpu.memref_slice %arg2[%dma_wait3A_115, %dma_wait3A_116] : memref<10000x40xf32, #tpu.memory_space<hbm>> -> memref<16x40xf32, #tpu.memory_space<hbm>>
      %dma_wait3A_118 = arith.constant 0 : i32
      %dma_wait3A_119 = arith.constant 0 : i32
      %dma_wait3A_120 = tpu.memref_slice %arg7[%dma_wait3A_118, %dma_wait3A_119] : memref<312x40xf32, #tpu.memory_space<vmem>> -> memref<16x40xf32, #tpu.memory_space<vmem>>
      %dma_wait3A_121 = arith.constant 9984 : i32
      %dma_wait3A_122 = arith.constant 0 : i32
      %dma_wait3A_123 = tpu.memref_slice %arg2[%dma_wait3A_121, %dma_wait3A_122] : memref<10000x40xf32, #tpu.memory_space<hbm>> -> memref<16x40xf32, #tpu.memory_space<hbm>>
      tpu.wait_dma2 semaphore(%arg11 : memref<!tpu.dma_semaphore, #tpu.memory_space<semaphore_mem>>) src(%dma_wait3A_123 : memref<16x40xf32, #tpu.memory_space<hbm>>) dst(%dma_wait3A_120 : memref<16x40xf32, #tpu.memory_space<vmem>>)
      %dma_wait3A_124 = arith.constant 0 : i32
      %dma_wait3A_125 = arith.constant 0 : i32
      %dma_wait3A_126 = tpu.memref_slice %arg8[%dma_wait3A_124, %dma_wait3A_125] : memref<312x40xf32, #tpu.memory_space<vmem>> -> memref<16x40xf32, #tpu.memory_space<vmem>>
      %dma_wait3A_127 = arith.constant 9984 : i32
      %dma_wait3A_128 = arith.constant 0 : i32
      %dma_wait3A_129 = tpu.memref_slice %arg3[%dma_wait3A_127, %dma_wait3A_128] : memref<10000x40xf32, #tpu.memory_space<hbm>> -> memref<16x40xf32, #tpu.memory_space<hbm>>
      %dma_wait3A_130 = arith.constant 0 : i32
      %dma_wait3A_131 = arith.constant 0 : i32
      %dma_wait3A_132 = tpu.memref_slice %arg8[%dma_wait3A_130, %dma_wait3A_131] : memref<312x40xf32, #tpu.memory_space<vmem>> -> memref<16x40xf32, #tpu.memory_space<vmem>>
      %dma_wait3A_133 = arith.constant 9984 : i32
      %dma_wait3A_134 = arith.constant 0 : i32
      %dma_wait3A_135 = tpu.memref_slice %arg3[%dma_wait3A_133, %dma_wait3A_134] : memref<10000x40xf32, #tpu.memory_space<hbm>> -> memref<16x40xf32, #tpu.memory_space<hbm>>
      tpu.wait_dma2 semaphore(%arg12 : memref<!tpu.dma_semaphore, #tpu.memory_space<semaphore_mem>>) src(%dma_wait3A_135 : memref<16x40xf32, #tpu.memory_space<hbm>>) dst(%dma_wait3A_132 : memref<16x40xf32, #tpu.memory_space<vmem>>)
      %dma_wait3A_136 = arith.constant 0 : i32
      %dma_wait3A_137 = arith.constant 0 : i32
      %dma_wait3A_138 = tpu.memref_slice %arg9[%dma_wait3A_136, %dma_wait3A_137] : memref<312x40xf32, #tpu.memory_space<vmem>> -> memref<16x40xf32, #tpu.memory_space<vmem>>
      %dma_wait3A_139 = arith.constant 9984 : i32
      %dma_wait3A_140 = arith.constant 0 : i32
      %dma_wait3A_141 = tpu.memref_slice %arg4[%dma_wait3A_139, %dma_wait3A_140] : memref<10000x40xf32, #tpu.memory_space<hbm>> -> memref<16x40xf32, #tpu.memory_space<hbm>>
      %dma_wait3A_142 = arith.constant 0 : i32
      %dma_wait3A_143 = arith.constant 0 : i32
      %dma_wait3A_144 = tpu.memref_slice %arg9[%dma_wait3A_142, %dma_wait3A_143] : memref<312x40xf32, #tpu.memory_space<vmem>> -> memref<16x40xf32, #tpu.memory_space<vmem>>
      %dma_wait3A_145 = arith.constant 9984 : i32
      %dma_wait3A_146 = arith.constant 0 : i32
      %dma_wait3A_147 = tpu.memref_slice %arg4[%dma_wait3A_145, %dma_wait3A_146] : memref<10000x40xf32, #tpu.memory_space<hbm>> -> memref<16x40xf32, #tpu.memory_space<hbm>>
      tpu.wait_dma2 semaphore(%arg13 : memref<!tpu.dma_semaphore, #tpu.memory_space<semaphore_mem>>) src(%dma_wait3A_147 : memref<16x40xf32, #tpu.memory_space<hbm>>) dst(%dma_wait3A_144 : memref<16x40xf32, #tpu.memory_space<vmem>>)
      %scan3A_148 = arith.constant 0 : i32
      %scan3A_149 = arith.constant 0 : i32
      %scan3A_150 = arith.constant 16 : i32
      %scan3A_151 = arith.addi %scan3A_149, %scan3A_150 : i32
      %scan3A_152 = arith.constant 1 : i32
      scf.for %scan3A_154 = %scan3A_149 to %scan3A_151 step %scan3A_152  : i32 {
        %get3A_155 = arith.index_cast %scan3A_154 : i32 to index
        %get3A_156 = arith.constant 0 : index
        %get3A_157 = tpu.vector_load %arg7[%get3A_155, %get3A_156] {strides = array<i32>} : memref<312x40xf32, #tpu.memory_space<vmem>>, vector<1x16xf32>,
        %get3A_158 = vector.shape_cast %get3A_157 : vector<1x16xf32> to vector<16xf32>
        %get3A_159 = arith.index_cast %scan3A_154 : i32 to index
        %get3A_160 = arith.constant 0 : index
        %get3A_161 = tpu.vector_load %arg8[%get3A_159, %get3A_160] {strides = array<i32>} : memref<312x40xf32, #tpu.memory_space<vmem>>, vector<1x16xf32>,
        %get3A_162 = vector.shape_cast %get3A_161 : vector<1x16xf32> to vector<16xf32>
        %add3A_163 = arith.addf %get3A_158, %get3A_162 : vector<16xf32>
        %get3A_164 = arith.index_cast %scan3A_154 : i32 to index
        %get3A_165 = arith.constant 0 : index
        %get3A_166 = tpu.vector_load %arg9[%get3A_164, %get3A_165] {strides = array<i32>} : memref<312x40xf32, #tpu.memory_space<vmem>>, vector<1x16xf32>,
        %get3A_167 = vector.shape_cast %get3A_166 : vector<1x16xf32> to vector<16xf32>
        %add3A_168 = arith.addf %add3A_163, %get3A_167 : vector<16xf32>
        %add3A_169 = arith.addf %add3A_168, %get3A_2 : vector<16xf32>
        %get3A_170 = arith.index_cast %scan3A_154 : i32 to index
        %get3A_171 = arith.constant 16 : index
        %get3A_172 = tpu.vector_load %arg7[%get3A_170, %get3A_171] {strides = array<i32>} : memref<312x40xf32, #tpu.memory_space<vmem>>, vector<1x16xf32>,
        %get3A_173 = vector.shape_cast %get3A_172 : vector<1x16xf32> to vector<16xf32>
        %get3A_174 = arith.index_cast %scan3A_154 : i32 to index
        %get3A_175 = arith.constant 16 : index
        %get3A_176 = tpu.vector_load %arg8[%get3A_174, %get3A_175] {strides = array<i32>} : memref<312x40xf32, #tpu.memory_space<vmem>>, vector<1x16xf32>,
        %get3A_177 = vector.shape_cast %get3A_176 : vector<1x16xf32> to vector<16xf32>
        %add3A_178 = arith.addf %get3A_173, %get3A_177 : vector<16xf32>
        %get3A_179 = arith.index_cast %scan3A_154 : i32 to index
        %get3A_180 = arith.constant 16 : index
        %get3A_181 = tpu.vector_load %arg9[%get3A_179, %get3A_180] {strides = array<i32>} : memref<312x40xf32, #tpu.memory_space<vmem>>, vector<1x16xf32>,
        %get3A_182 = vector.shape_cast %get3A_181 : vector<1x16xf32> to vector<16xf32>
        %add3A_183 = arith.addf %add3A_178, %get3A_182 : vector<16xf32>
        %add3A_184 = arith.addf %add3A_183, %get3A_5 : vector<16xf32>
        %get3A_185 = arith.index_cast %scan3A_154 : i32 to index
        %get3A_186 = arith.constant 24 : index
        %get3A_187 = tpu.vector_load %arg7[%get3A_185, %get3A_186] {strides = array<i32>} : memref<312x40xf32, #tpu.memory_space<vmem>>, vector<1x16xf32>,
        %get3A_188 = vector.shape_cast %get3A_187 : vector<1x16xf32> to vector<16xf32>
        %get3A_189 = arith.index_cast %scan3A_154 : i32 to index
        %get3A_190 = arith.constant 24 : index
        %get3A_191 = tpu.vector_load %arg8[%get3A_189, %get3A_190] {strides = array<i32>} : memref<312x40xf32, #tpu.memory_space<vmem>>, vector<1x16xf32>,
        %get3A_192 = vector.shape_cast %get3A_191 : vector<1x16xf32> to vector<16xf32>
        %add3A_193 = arith.addf %get3A_188, %get3A_192 : vector<16xf32>
        %get3A_194 = arith.index_cast %scan3A_154 : i32 to index
        %get3A_195 = arith.constant 24 : index
        %get3A_196 = tpu.vector_load %arg9[%get3A_194, %get3A_195] {strides = array<i32>} : memref<312x40xf32, #tpu.memory_space<vmem>>, vector<1x16xf32>,
        %get3A_197 = vector.shape_cast %get3A_196 : vector<1x16xf32> to vector<16xf32>
        %add3A_198 = arith.addf %add3A_193, %get3A_197 : vector<16xf32>
        %add3A_199 = arith.addf %add3A_198, %get3A_8 : vector<16xf32>
        %swap3A = arith.index_cast %scan3A_154 : i32 to index
        %swap3A_200 = arith.constant 0 : index
        %swap3A_201 = tpu.vector_load %arg7[%swap3A, %swap3A_200] {strides = array<i32>} : memref<312x40xf32, #tpu.memory_space<vmem>>, vector<1x16xf32>,
        %swap3A_202 = vector.shape_cast %swap3A_201 : vector<1x16xf32> to vector<16xf32>
        %swap3A_203 = vector.shape_cast %add3A_169 : vector<16xf32> to vector<1x16xf32>
        tpu.vector_store %arg7[%swap3A, %swap3A_200], %swap3A_203 {strides = array<i32>} : memref<312x40xf32, #tpu.memory_space<vmem>>, vector<1x16xf32>,
        %swap3A_204 = arith.index_cast %scan3A_154 : i32 to index
        %swap3A_205 = arith.constant 16 : index
        %swap3A_206 = tpu.vector_load %arg7[%swap3A_204, %swap3A_205] {strides = array<i32>} : memref<312x40xf32, #tpu.memory_space<vmem>>, vector<1x16xf32>,
        %swap3A_207 = vector.shape_cast %swap3A_206 : vector<1x16xf32> to vector<16xf32>
        %swap3A_208 = vector.shape_cast %add3A_184 : vector<16xf32> to vector<1x16xf32>
        tpu.vector_store %arg7[%swap3A_204, %swap3A_205], %swap3A_208 {strides = array<i32>} : memref<312x40xf32, #tpu.memory_space<vmem>>, vector<1x16xf32>,
        %swap3A_209 = arith.index_cast %scan3A_154 : i32 to index
        %swap3A_210 = arith.constant 24 : index
        %swap3A_211 = tpu.vector_load %arg7[%swap3A_209, %swap3A_210] {strides = array<i32>} : memref<312x40xf32, #tpu.memory_space<vmem>>, vector<1x16xf32>,
        %swap3A_212 = vector.shape_cast %swap3A_211 : vector<1x16xf32> to vector<16xf32>
        %swap3A_213 = vector.shape_cast %add3A_199 : vector<16xf32> to vector<1x16xf32>
        tpu.vector_store %arg7[%swap3A_209, %swap3A_210], %swap3A_213 {strides = array<i32>} : memref<312x40xf32, #tpu.memory_space<vmem>>, vector<1x16xf32>,
      }
      %scan3A_153 = arith.constant 16 : i32
      "tpu.region"() ({
        %run_scoped3A = tpu.sem_alloc : memref<!tpu.dma_semaphore, #tpu.memory_space<semaphore_mem>>
        %dma_start3A_154 = arith.constant 0 : i32
        %dma_start3A_155 = arith.constant 0 : i32
        %dma_start3A_156 = tpu.memref_slice %arg7[%dma_start3A_154, %dma_start3A_155] : memref<312x40xf32, #tpu.memory_space<vmem>> -> memref<16x40xf32, #tpu.memory_space<vmem>>
        %dma_start3A_157 = arith.constant 9984 : i32
        %dma_start3A_158 = arith.constant 0 : i32
        %dma_start3A_159 = tpu.memref_slice %arg6[%dma_start3A_157, %dma_start3A_158] : memref<10000x40xf32, #tpu.memory_space<hbm>> -> memref<16x40xf32, #tpu.memory_space<hbm>>
        %dma_start3A_160 = arith.constant 9984 : i32
        %dma_start3A_161 = arith.constant 0 : i32
        %dma_start3A_162 = tpu.memref_slice %arg6[%dma_start3A_160, %dma_start3A_161] : memref<10000x40xf32, #tpu.memory_space<hbm>> -> memref<16x40xf32, #tpu.memory_space<hbm>>
        %dma_start3A_163 = arith.constant 0 : i32
        %dma_start3A_164 = arith.constant 0 : i32
        %dma_start3A_165 = tpu.memref_slice %arg7[%dma_start3A_163, %dma_start3A_164] : memref<312x40xf32, #tpu.memory_space<vmem>> -> memref<16x40xf32, #tpu.memory_space<vmem>>
        tpu.enqueue_dma source(%dma_start3A_165 : memref<16x40xf32, #tpu.memory_space<vmem>>) target(%dma_start3A_162 : memref<16x40xf32, #tpu.memory_space<hbm>>) target_semaphore(%run_scoped3A : memref<!tpu.dma_semaphore, #tpu.memory_space<semaphore_mem>>)
        %dma_wait3A_166 = arith.constant 0 : i32
        %dma_wait3A_167 = arith.constant 0 : i32
        %dma_wait3A_168 = tpu.memref_slice %arg7[%dma_wait3A_166, %dma_wait3A_167] : memref<312x40xf32, #tpu.memory_space<vmem>> -> memref<16x40xf32, #tpu.memory_space<vmem>>
        %dma_wait3A_169 = arith.constant 9984 : i32
        %dma_wait3A_170 = arith.constant 0 : i32
        %dma_wait3A_171 = tpu.memref_slice %arg6[%dma_wait3A_169, %dma_wait3A_170] : memref<10000x40xf32, #tpu.memory_space<hbm>> -> memref<16x40xf32, #tpu.memory_space<hbm>>
        %dma_wait3A_172 = arith.constant 9984 : i32
        %dma_wait3A_173 = arith.constant 0 : i32
        %dma_wait3A_174 = tpu.memref_slice %arg6[%dma_wait3A_172, %dma_wait3A_173] : memref<10000x40xf32, #tpu.memory_space<hbm>> -> memref<16x40xf32, #tpu.memory_space<hbm>>
        %dma_wait3A_175 = arith.constant 0 : i32
        %dma_wait3A_176 = arith.constant 0 : i32
        %dma_wait3A_177 = tpu.memref_slice %arg7[%dma_wait3A_175, %dma_wait3A_176] : memref<312x40xf32, #tpu.memory_space<vmem>> -> memref<16x40xf32, #tpu.memory_space<vmem>>
        tpu.wait_dma2 semaphore(%run_scoped3A : memref<!tpu.dma_semaphore, #tpu.memory_space<semaphore_mem>>) src(%dma_wait3A_177 : memref<16x40xf32, #tpu.memory_space<vmem>>) dst(%dma_wait3A_174 : memref<16x40xf32, #tpu.memory_space<hbm>>)
        tpu.yield
      }) : () -> ()
    } else {
    }
    return
  }
}

module attributes {stable_mosaic.version = 14 : i64} {
  func.func @_fuse_body(%arg0: i32, %arg1: memref<2000x128xf32, #tpu.memory_space<vmem>>, %arg2: memref<2000x128xf32, #tpu.memory_space<vmem>>, %arg3: memref<2000x128xf32, #tpu.memory_space<vmem>>, %arg4: memref<128x128xf32, #tpu.memory_space<vmem>>, %arg5: memref<1x128xf32, #tpu.memory_space<vmem>>, %arg6: memref<128x40xf32, #tpu.memory_space<vmem>>, %arg7: memref<2000x40xf32, #tpu.memory_space<vmem>>) attributes {dimension_semantics = [#tpu.dimension_semantics<arbitrary>], iteration_bounds = array<i64: 5>, scalar_prefetch = 0 : i64, scratch_operands = 0 : i64, tpu.core_type = #tpu.core_type<tc>, window_params = [{transform_indices = @transform_0, window_bounds = array<i64: 2000, 128>}, {transform_indices = @transform_1, window_bounds = array<i64: 2000, 128>}, {transform_indices = @transform_2, window_bounds = array<i64: 2000, 128>}, {pipeline_mode = #tpu.pipeline_mode<synchronous>, transform_indices = @transform_3, window_bounds = array<i64: 128, 128>}, {pipeline_mode = #tpu.pipeline_mode<synchronous>, transform_indices = @transform_4, window_bounds = array<i64: 1, 128>}, {pipeline_mode = #tpu.pipeline_mode<synchronous>, transform_indices = @transform_5, window_bounds = array<i64: 128, 40>}, {transform_indices = @transform_6, window_bounds = array<i64: 2000, 40>}]} {
    %get3A = arith.constant 0 : index
    %get3A_0 = arith.constant 0 : index
    %get3A_1 = vector.load %arg1[%get3A, %get3A_0] : memref<2000x128xf32, #tpu.memory_space<vmem>>, vector<2000x128xf32>
    %get3A_2 = arith.constant 0 : index
    %get3A_3 = arith.constant 0 : index
    %get3A_4 = vector.load %arg2[%get3A_2, %get3A_3] : memref<2000x128xf32, #tpu.memory_space<vmem>>, vector<2000x128xf32>
    %add3A = arith.addf %get3A_1, %get3A_4 : vector<2000x128xf32>
    %get3A_5 = arith.constant 0 : index
    %get3A_6 = arith.constant 0 : index
    %get3A_7 = vector.load %arg3[%get3A_5, %get3A_6] : memref<2000x128xf32, #tpu.memory_space<vmem>>, vector<2000x128xf32>
    %add3A_8 = arith.addf %add3A, %get3A_7 : vector<2000x128xf32>
    %get3A_9 = arith.constant 0 : index
    %get3A_10 = arith.constant 0 : index
    %get3A_11 = vector.load %arg4[%get3A_9, %get3A_10] : memref<128x128xf32, #tpu.memory_space<vmem>>, vector<128x128xf32>
    %dot_general3A = arith.constant dense<0.000000e+00> : vector<2000x128xf32>
    %dot_general3A_12 = tpu.matmul %add3A_8, %get3A_11, %dot_general3A {dimension_numbers = #tpu.dot_dimension_numbers<[1], [0], [0], [1], [0, 0, 1, 1], [], []>, transpose_lhs_hint = false} : vector<2000x128xf32>, vector<128x128xf32>, vector<2000x128xf32> -> vector<2000x128xf32>
    %get3A_13 = arith.constant 0 : index
    %get3A_14 = arith.constant 0 : index
    %get3A_15 = vector.load %arg5[%get3A_13, %get3A_14] : memref<1x128xf32, #tpu.memory_space<vmem>>, vector<1x128xf32>
    %add3A_16 = vector.broadcast %get3A_15 : vector<1x128xf32> to vector<2000x128xf32>
    %add3A_17 = arith.addf %dot_general3A_12, %add3A_16 : vector<2000x128xf32>
    %max3A = arith.constant 0.000000e+00 : f32
    %max3A_18 = vector.broadcast %max3A : f32 to vector<2000x128xf32>
    %max3A_19 = arith.maximumf %add3A_17, %max3A_18 : vector<2000x128xf32>
    %get3A_20 = arith.constant 0 : index
    %get3A_21 = arith.constant 0 : index
    %get3A_22 = vector.load %arg6[%get3A_20, %get3A_21] : memref<128x40xf32, #tpu.memory_space<vmem>>, vector<128x40xf32>
    %dot_general3A_23 = arith.constant dense<0.000000e+00> : vector<2000x40xf32>
    %dot_general3A_24 = tpu.matmul %max3A_19, %get3A_22, %dot_general3A_23 {dimension_numbers = #tpu.dot_dimension_numbers<[1], [0], [0], [1], [0, 0, 1, 1], [], []>, transpose_lhs_hint = false} : vector<2000x128xf32>, vector<128x40xf32>, vector<2000x40xf32> -> vector<2000x40xf32>
    %swap3A = arith.constant 0 : index
    %swap3A_25 = arith.constant 0 : index
    %swap3A_26 = vector.load %arg7[%swap3A, %swap3A_25] : memref<2000x40xf32, #tpu.memory_space<vmem>>, vector<2000x40xf32>
    tpu.vector_store %arg7[%swap3A, %swap3A_25], %dot_general3A_24 {strides = array<i32>} : memref<2000x40xf32, #tpu.memory_space<vmem>>, vector<2000x40xf32>,
    return
  }
  func.func @transform_0(%arg0: i32) -> (i32, i32) {
    %c0_i32 = arith.constant 0 : i32
    %c0_i32_0 = arith.constant 0 : i32
    return %arg0, %c0_i32 : i32, i32
  }
  func.func @transform_1(%arg0: i32) -> (i32, i32) {
    %c0_i32 = arith.constant 0 : i32
    %c0_i32_0 = arith.constant 0 : i32
    return %arg0, %c0_i32 : i32, i32
  }
  func.func @transform_2(%arg0: i32) -> (i32, i32) {
    %c0_i32 = arith.constant 0 : i32
    %c0_i32_0 = arith.constant 0 : i32
    return %arg0, %c0_i32 : i32, i32
  }
  func.func @transform_3(%arg0: i32) -> (i32, i32) {
    %c0_i32 = arith.constant 0 : i32
    %c0_i32_0 = arith.constant 0 : i32
    %c0_i32_1 = arith.constant 0 : i32
    return %c0_i32, %c0_i32_0 : i32, i32
  }
  func.func @transform_4(%arg0: i32) -> (i32, i32) {
    %c0_i32 = arith.constant 0 : i32
    %c0_i32_0 = arith.constant 0 : i32
    %c0_i32_1 = arith.constant 0 : i32
    return %c0_i32, %c0_i32_0 : i32, i32
  }
  func.func @transform_5(%arg0: i32) -> (i32, i32) {
    %c0_i32 = arith.constant 0 : i32
    %c0_i32_0 = arith.constant 0 : i32
    %c0_i32_1 = arith.constant 0 : i32
    return %c0_i32, %c0_i32_0 : i32, i32
  }
  func.func @transform_6(%arg0: i32) -> (i32, i32) {
    %c0_i32 = arith.constant 0 : i32
    %c0_i32_0 = arith.constant 0 : i32
    return %arg0, %c0_i32 : i32, i32
  }
}

</mosaic_0001>

<sc_bundles>
// kernel: kernel.12.cloned.1.call-start
scs
__scs_entry_jumppad:
0x0: {  	(pc) =	sbr.rel $0x88, $3  }
0x1: {  	(tag) =	ssettag $0x0;
	lr =	simm.s32 $0x1  }
0x2: {  	[smem:$0x3F9B] =	sst lr;
	_ =	strace $0xD0000000  }
0x3: {  	_ = 	snop  }
0x4: {  	_ = 	snop  }
0x5: {  	_ = 	snop  }
0x6: {  	_ = 	snop  }
0x7: {  	_ = 	snop  }
__scs_overlays_trampoline_lowered:
0x8: {  	[smem:$0x3FAA] =	sst s0  }
0x9: {  	[smem:$0x3FAB] =	sst s1  }
0xa: {  	[smem:$0x3FAC] =	sst s2  }
0xb: {  	[smem:$0x3FAD] =	sst s3  }
0xc: {  	[smem:$0x3FAE] =	sst s4  }
0xd: {  	[smem:$0x3FAF] =	sst s5  }
0xe: {  	[smem:$0x3FB0] =	sst s6  }
0xf: {  	[smem:$0x3FB1] =	sst s7  }
0x10: {  	[smem:$0x3FB2] =	sst s8  }
0x11: {  	[smem:$0x3FB3] =	sst s9;
	s0 =	simm.s32 @!p0 $0x0  }
0x12: {  	s1 =	sld [smem:$0x3F99];
	s0 =	simm.s32 @p0 $0x1  }
0x13: {  	[smem:$0x3FB4] =	sst s0;
	s0 =	simm.s32 @!p1 $0x0  }
0x14: {  	s2 =	sld [smem:$0x3F98];
	s0 =	simm.s32 @p1 $0x1  }
0x15: {  	[smem:$0x3FB5] =	sst s0;
	s0 =	simm.s32 @!p2 $0x0  }
0x16: {  	s3 =	sld [smem:$0x3FDB];
	s0 =	simm.s32 @p2 $0x1  }
0x17: {  	s4 =	simm.s32 $0x1BF5;
	[smem:$0x3FB7] =	sst s0  }
0x18: {  	s0 =	sld [smem:$0x3F9A];
	_ =	swait.ge [sflag:s4], $0x0  }
0x19: {  	s7 =	sld [smem:$0x3F9B]  }
0x1a: {  	s8 =	sadd.s32 $0xFFFFE003, lr  }
0x1b: {  	s9 =	sadd.s32 $0xFFFFFEF7, lr;
	s5 =	simm.s32 $0xFFFFFFFF;
	p2 =	slt.u32 s8, $0xFFFFF086  }
0x1c: {  	p1 =	slt.u32 s9, $0xF7A;
	s5 =	simm.s32 @!p2 $0x0  }
0x1d: {  	s5 =	simm.s32 @p1 $0x1;
	p0 =	seq.s32 s7, s2  }
0x1e: {  	s7 =	smul.u32 @!p0 $0xF7A, s2;
	p2 =	seq.s32 @!p0 s5, $0x0  }
0x1f: {  	s9 =	smul.u32 $0xF7A, s1;
	s8 =	simm.s32 @!p0 $0x1BF5;
	p2 =	por !p2, p0  }
0x20: {  	[sflag:s8] =	ssyncset.s32 @!p0 $0xFFFFF086;
	s6 =	sadd.s32 @!p0 s3, s7;
	s7 =	simm.s32 @!p0 $0x108  }
0x21: {  	s3 =	sadd.s32 s3, s9;
	s6 =	sadd.s32 @!p0 $0x88, s6;
	s7 =	simm.s32 @p2 $0x1082  }
0x22: {  	[simem:s7], [sflag:s8] =	dma.local @!p0 [hbm:s6], $0xF7A  }
0x23: {  	s9 =	sor.u32 $0xD0000000, s2;
	s6 =	simm.s32 $0x108;
	_ =	swait.ge @!p0 [sflag:s8], $0x0  }
0x24: {  	s3 =	sadd.s32 $0x88, s3;
	s6 =	simm.s32 @!p1 $0x1082;
	[sflag:s4] =	ssyncset.s32 $0xFFFFF086  }
0x25: {  	[simem:s6], [sflag:s4] =	dma.local [hbm:s3], $0xF7A  }
0x26: {  	[smem:$0x3F9B] =	sst s1;
	(tag) =	ssettag s2;
	_ =	strace s9  }
0x27: {  	s1 =	sld [smem:$0x3FAB]  }
0x28: {  	s2 =	sld [smem:$0x3FAC]  }
0x29: {  	s4 =	sld [smem:$0x3FAE]  }
0x2a: {  	p0 =	seq.s32 s5, $0x0;
	s5 =	sld [smem:$0x3FAF]  }
0x2b: {  	s6 =	sld [smem:$0x3FB0]  }
0x2c: {  	s7 =	sld [smem:$0x3FB1]  }
0x2d: {  	s3 =	simm.s32 $0x108;
	s8 =	sld [smem:$0x3FB2]  }
0x2e: {  	s3 =	simm.s32 @!p0 $0x1082;
	s9 =	sld [smem:$0x3FB3]  }
0x2f: {  	lr =	sadd.s32 s0, s3;
	s0 =	sld [smem:$0x3FAA]  }
0x30: {  	s3 =	sld [smem:$0x3FAD]  }
0x31: {  	[smem:$0x3FB6] =	sst s10  }
0x32: {  	s10 =	sld [smem:$0x3FB4];
	_ =	sdelay $0x3  }
0x33: {  	p0 =	seq.s32 s10, $0x1;
	s10 =	sld [smem:$0x3FB6];
	_ =	sdelay $0x3  }
0x34: {  	[smem:$0x3FB6] =	sst s10  }
0x35: {  	s10 =	sld [smem:$0x3FB5];
	_ =	sdelay $0x3  }
0x36: {  	p1 =	seq.s32 s10, $0x1;
	s10 =	sld [smem:$0x3FB6];
	_ =	sdelay $0x3  }
0x37: {  	[smem:$0x3FB6] =	sst s10  }
0x38: {  	s10 =	sld [smem:$0x3FB7]  }
0x39: {  	_ = 	snop;
	(pc) =	sbr.ind lr, $3  }
0x3a: {  	_ = 	snop  }
0x3b: {  	_ = 	snop  }
0x3c: {  	p2 =	seq.s32 s10, $0x1;
	s10 =	sld [smem:$0x3FB6]  }
0x3d: {  	_ =	shalt  }
0x3e: {  	_ =	shalt  }
0x3f: {  	_ =	shalt  }
0x40: {  	_ =	shalt  }
0x41: {  	_ =	shalt  }
0x42: {  	_ =	shalt  }
0x43: {  	_ =	shalt  }
0x44: {  	_ =	shalt  }
0x45: {  	_ =	shalt  }
0x46: {  	_ =	shalt  }
0x47: {  	_ =	shalt  }
0x48: {  	_ =	shalt  }
0x49: {  	_ =	shalt  }
0x4a: {  	_ =	shalt  }
0x4b: {  	_ =	shalt  }
0x4c: {  	_ =	shalt  }
0x4d: {  	_ =	shalt  }
0x4e: {  	_ =	shalt  }
0x4f: {  	_ =	shalt  }
0x50: {  	_ =	shalt  }
0x51: {  	_ =	shalt  }
0x52: {  	_ =	shalt  }
0x53: {  	_ =	shalt  }
0x54: {  	_ =	shalt  }
0x55: {  	_ =	shalt  }
0x56: {  	_ =	shalt  }
0x57: {  	_ =	shalt  }
0x58: {  	_ =	shalt  }
0x59: {  	_ =	shalt  }
0x5a: {  	_ =	shalt  }
0x5b: {  	_ =	shalt  }
0x5c: {  	_ =	shalt  }
0x5d: {  	_ =	shalt  }
0x5e: {  	_ =	shalt  }
0x5f: {  	_ =	shalt  }
0x60: {  	_ =	shalt  }
0x61: {  	_ =	shalt  }
0x62: {  	_ =	shalt  }
0x63: {  	_ =	shalt  }
0x64: {  	_ =	shalt  }
0x65: {  	_ =	shalt  }
0x66: {  	_ =	shalt  }
0x67: {  	_ =	shalt  }
0x68: {  	_ =	shalt  }
0x69: {  	_ =	shalt  }
0x6a: {  	_ =	shalt  }
0x6b: {  	_ =	shalt  }
0x6c: {  	_ =	shalt  }
0x6d: {  	_ =	shalt  }
0x6e: {  	_ =	shalt  }
0x6f: {  	_ =	shalt  }
0x70: {  	_ =	shalt  }
0x71: {  	_ =	shalt  }
0x72: {  	_ =	shalt  }
0x73: {  	_ =	shalt  }
0x74: {  	_ =	shalt  }
0x75: {  	_ =	shalt  }
0x76: {  	_ =	shalt  }
0x77: {  	_ =	shalt  }
0x78: {  	_ =	shalt  }
0x79: {  	_ =	shalt  }
0x7a: {  	_ =	shalt  }
0x7b: {  	_ =	shalt  }
0x7c: {  	_ =	shalt  }
0x7d: {  	_ =	shalt  }
0x7e: {  	_ =	shalt  }
0x7f: {  	_ =	shalt  }
0x80: {  	_ =	shalt  }
0x81: {  	_ =	shalt  }
0x82: {  	_ =	shalt  }
0x83: {  	_ =	shalt  }
0x84: {  	_ =	shalt  }
0x85: {  	_ =	shalt  }
0x86: {  	_ =	shalt  }
0x87: {  	_ =	shalt  }
.Lfunc_end0:
.L_simem_size_0:
called_computation.2_lowered:
.L_overlay_start_0:
0x88: {  	s2 =	sld [smem:$0x3FD9]  }
0x89: {  	s3 =	sld [smem:$0x3FFE];
	_ =	sdelay $0x1  }
0x8a: {  	s1 =	srdreg.scid  }
0x8b: {  	s0 =	sand.u32 $0x1, s1  }
0x8c: {  	s17 =	sshll.u32 s0, $0xA;
	s2 =	sadd.s32 s3, s2  }
0x8d: {  	s2 =	sadd.s32 s2, s17  }
0x8e: {  	[smem:$0x3FC2] =	sst s2  }
0x8f: {  	_ = 	snop  }
0x90: {  	s2 =	sld [smem:$0x3FC4]  }
0x91: {  	s18 =	sld [smem:$0x3FD0];
	(tm) =	ssettm $0x1  }
0x92: {  	s4 =	sld [smem:$0x3FFB];
	_ =	sdelay $0x3  }
0x93: {  	_ =	strace s4  }
0x94: {  	s4 =	sld [smem:$0x3FFC];
	_ =	sdelay $0x3  }
0x95: {  	_ =	strace s4  }
0x96: {  	s4 =	sld [smem:$0x3FFD];
	_ =	sdelay $0x3  }
0x97: {  	_ =	strace s4  }
0x98: {  	_ =	strace $0x8FFFFFFF  }
0x99: {  	s19 =	sld [smem:$0x3FDB];
	_ =	sdelay $0x1  }
0x9a: {  	s5 =	simm.s32 $_scs_section_size  }
0x9b: {  	s6 =	simm.s32 $_size__tile_overlayer_lowered;
	s7 =	simm.s32 $_tile_overlayer_lowered  }
0x9c: {  	s22 =	simm.s32 $0x1BFF;
	s21 =	sshll.u32 s7, $0x1;
	s4 =	sadd.s32 s5, s19  }
0x9d: {  	s8 =	simm.s32 $0x0;
	s20 =	sshll.u32 s6, $0x1;
	s6 =	sadd.s32 s21, s4  }
0x9e: {  	[timem:s8], [sflag:s22] =	dma.local [hbm:s6], s20  }
0x9f: {  	_ =	swait.ge [sflag:s22], s20  }
0xa0: {  	s5 =	ssub.s32 $0x0, s20;
	[sflag:s22] =	ssyncset.done $0x0  }
0xa1: {  	[sflag:s22] =	ssyncadd.s32 s5;
	_ =	sdelay $0x1  }
0xa2: {  	s23 =	simm.s32 $0x1B8B  }
0xa3: {  	_ =	swait.ge [sflag:s23], $0x1  }
0xa4: {  	[sflag:s23] =	ssyncset.done $0x0  }
0xa5: {  	s25 =	simm.s32 $0x1B8E;
	s24 =	sld [smem:$0x3FFE];
	[sflag:s23] =	ssyncadd.s32 $0xFFFFFFFF  }
0xa6: {  	s26 =	simm.s32 $execute0_lowered;
	[smem:$0x3FD2] =	sst s25  }
0xa7: {  	s6 =	sshll.u32 s26, $0x1;
	_ =	strace $0x8000004C;
	[dreg:$0x1] =	wrdreg $0xFFFFFFFF  }
0xa8: {  	s28 =	simm.s32 $_size_execute0_lowered;
	s4 =	sadd.s32 s4, s6;
	[dreg:$0x0] =	wrdreg $0x0  }
0xa9: {  	s6 =	sshll.u32 s28, $0x1;
	[dreg:$0x2] =	wrdreg s4  }
0xaa: {  	[dreg:$0x3] =	wrdreg s6  }
0xab: {  	[dreg:$0x4] =	wrdreg $0xC0  }
0xac: {  	_ =	task [dreg:s8], $0x5FFFF  }
0xad: {  	[dreg:$0x1] =	wrdreg $0xFFFFFFFF  }
0xae: {  	[dreg:$0x0] =	wrdreg $0x60  }
0xaf: {  	[dreg:$0x2] =	wrdreg s18  }
0xb0: {  	[dreg:$0x3] =	wrdreg s24  }
0xb1: {  	[dreg:$0x4] =	wrdreg s2  }
0xb2: {  	[dreg:$0x5] =	wrdreg $0x9  }
0xb3: {  	_ =	task.clear_ibuf [dreg:s8], $0x6FFFF;
	_ =	strace $0x9000004C  }
0xb4: {  	s29 =	simm.s32 $0x9;
	_ =	strace $0x8000004E  }
0xb5: {  	_ =	swait.ge [sflag:s29], $0x1  }
0xb6: {  	[sflag:s29] =	ssyncadd.s32 $0xFFFFFFFF  }
0xb7: {  	_ =	strace $0x9000004E  }
0xb8: {  	_ =	sfence  }
0xb9: {  	s30 =	sld [smem:$0x0];
	_ =	sdelay $0x2  }
0xba: {  	s31 =	sshll.u32 s1, $0xD;
	s1 =	sshrl.u32 s1, $0x2  }
0xbb: {  	s3 =	sand.u32 $0x4000, s31;
	s1 =	sadd.s32 s1, s30  }
0xbc: {  	s0 =	sor.u32 s3, s0;
	s1 =	sshll.u32 s1, $0x11  }
0xbd: {  	s0 =	sor.u32 s1, s0  }
0xbe: {  	s0 =	sadd.s32 $0x8F2B, s0  }
0xbf: {  	[sflag:s0] =	ssyncadd.remote.s32 $0x1  }
0xc0: {  	_ =	sfence.sel $0xFFFF  }
0xc1: {  	[dreg:$0x0] =	wrdreg $0xFFFFFFFF;
	(pc) =	sbr.abs _section_cstart, $3  }
0xc2: {  	[dreg:$0x1] =	wrdreg $0xFFFFFFFF  }
0xc3: {  	_ =	task.clear_ibuf [dreg:s8], $0x2FFFF;
	_ =	strace $0x9FFFFFFF  }
0xc4: {  	(tm) =	ssettm $0x7FFFFFFF  }
0xc5: {  	_ =	shalt  }
tec
execute0_lowered:
.L_overlay_start_1:
0x0: {  	(tag) =	ssettag $0x1  }
0x1: {  	s8 =	rddreg [dreg:$0x0]  }
0x2: {  	s11 =	rddreg [dreg:$0x1];
	s1 =	srdreg.scid  }
0x3: {  	s0 =	stileid.u32;
	s2 =	rddreg [dreg:$0x2];
	s13 =	simm.s32 $0x9240  }
0x4: {  	s14 =	simm.s32 $0x4;
	s15 =	simm.s32 $0x30C0;
	s16 =	simm.s32 $0x6180  }
0x5: {  	s17 =	simm.s32 $0x1;
	s18 =	simm.s32 $0x2;
	s19 =	simm.s32 $0x3  }
0x6: {  	s4 =	sand.u32 $0x1, s1;
	s3 =	sshll.u32 s0, $0x1;
	s1 =	rddreg [dreg:$0x3]  }
0x7: {  	s9 =	sadd.s32 $0x2E700, s11;
	s10 =	sadd.s32 $0x3AB00, s11;
	s20 =	sor.u32 s4, s3  }
0x8: {  	s3 =	simm.s32 $0x0;
	s4 =	ssub.s32 $0x2, s4;
	s5 =	smul.u32 $0x618, s20  }
.Ltmp0:
0x9: {  	[smem:$0x7FF] =	sst s3;
	s6 =	sshrl.u32 s4, $0x1;
	(pc) =	sbr.rel .LBB2_1-.Ltmp0, $4  }
0xa: {  	p0 =	sne.s32 s20, $0x0;
	s20 =	simm.s32 $0x0;
	_ =	strace $0x8000004D  }
0xb: {  	s12 =	ssub.s32 s4, s6;
	s7 =	sadd.s32 s5, s11;
	s4 =	sadd.s32 s8, s5  }
0xc: {  	s8 =	sadd.s32 $0xC300, s8;
	s11 =	sadd.s32 $0xE900, s11;
	s12 =	smax.u32 s12, $0x1  }
0xd: {  	s5 =	sadd.s32 $0x22400, s7;
	s6 =	sadd.s32 $0x2E800, s7;
	s7 =	sadd.s32 $0x2600, s7  }
.LBB2_6:
0xe: {  	v9 =	vld [tilespmem:s21+$0x18]  }
0xf: {  	v10 =	vld [tilespmem:s21+$0x6190]  }
0x10: {  	v11 =	vld [tilespmem:s21+$0x6198]  }
0x11: {  	v4 =	vadd.f32 v4, v7  }
0x12: {  	v5 =	vadd.f32 v5, v8  }
0x13: {  	v3 =	vadd.f32 v3, v4;
	v62 =	vadd.f32 v6, v9  }
0x14: {  	v5 =	vadd.f32 v10, v5  }
0x15: {  	v2 =	vadd.f32 v3, v2;
	v63 =	vadd.f32 v11, v62  }
0x16: {  	v0 =	vadd.f32 v5, v0  }
0x17: {  	[tilespmem:s21+$0x0] =	vst v2;
	v1 =	vadd.f32 v63, v1  }
0x18: {  	[tilespmem:s21+$0x10] =	vst v0  }
0x19: {  	[tilespmem:s21+$0x18] =	vst v1  }
0x1a: {  	[hbm4b:s11+s3] =	stream.linear.scatter [tilespmem:s3], [sflag:$0x4], $0x280, $0x38;
	[tilespmem:$0x9268] =	vst v63  }
0x1b: {  	_ =	swait.ge [sflag:s14], $0x280  }
0x1c: {  	[sflag:s14] =	ssyncset.done $0x0  }
0x1d: {  	[sflag:s14] =	ssyncadd.s32 $0xFFFFFD80  }
.LBB2_7:
0x1e: {  	s20 =	sadd.s32 $0x1, s20  }
0x1f: {  	p1 =	sne.s32 s20, s12  }
.Ltmp1:
0x20: {  	_ = 	snop;
	(pc) =	sbr.rel @!p1 .LBB2_8-.Ltmp1, $1  }
0x21: {  	_ =	sdelay $0x3  }
.LBB2_1:
0x22: {  	[tilespmem:s13], [sflag:$0x4] =	stream.linear.gather [hbm4b:s2+s3], $0x28, $0x38;
	[tilespmem:$0x9268] =	vst v63  }
0x23: {  	_ =	swait.ge [sflag:s14], $0x28  }
0x24: {  	[sflag:s14] =	ssyncset.done $0x0  }
0x25: {  	[sflag:s14] =	ssyncadd.s32 $0xFFFFFFD8  }
0x26: {  	v2 =	vld [tilespmem:$0x9240]  }
0x27: {  	v0 =	vld [tilespmem:$0x9250]  }
0x28: {  	v1 =	vld [tilespmem:$0x9258];
	[tilespmem:s3], [sflag:$0x1] =	stream.linear.gather [hbm4b:s4+s3], $0x30C0, $0x38  }
0x29: {  	_ = 	snop  }
0x2a: {  	[tilespmem:s15], [sflag:$0x2] =	stream.linear.gather [hbm4b:s5+s3], $0x30C0, $0x38;
	[tilespmem:$0x9268] =	vst v63  }
0x2b: {  	_ = 	snop  }
0x2c: {  	[tilespmem:s16], [sflag:$0x3] =	stream.linear.gather [hbm4b:s6+s3], $0x30C0, $0x38;
	[tilespmem:$0x9268] =	vst v63  }
0x2d: {  	_ =	swait.ge [sflag:s17], $0x30C0  }
0x2e: {  	[sflag:s17] =	ssyncset.done $0x0  }
0x2f: {  	[sflag:s17] =	ssyncadd.s32 $0xFFFFCF40  }
0x30: {  	_ =	swait.ge [sflag:s18], $0x30C0  }
0x31: {  	[sflag:s18] =	ssyncset.done $0x0  }
0x32: {  	[sflag:s18] =	ssyncadd.s32 $0xFFFFCF40  }
0x33: {  	_ =	swait.ge [sflag:s19], $0x30C0  }
0x34: {  	[sflag:s19] =	ssyncset.done $0x0  }
0x35: {  	s21 =	simm.s32 $0x0;
	[sflag:s19] =	ssyncadd.s32 $0xFFFFCF40  }
0x36: {  	v3 =	vld [tilespmem:s21+$0x6180]  }
0x37: {  	v4 =	vld [tilespmem:s21+$0x30C0]  }
0x38: {  	v5 =	vld [tilespmem:s21+$0x30D0]  }
0x39: {  	v6 =	vld [tilespmem:s21+$0x30D8]  }
0x3a: {  	v7 =	vld [tilespmem:s21+$0x0]  }
0x3b: {  	s22 =	simm.s32 $0xA0;
	v8 =	vld [tilespmem:s21+$0x10]  }
.LBB2_2:
0x3c: {  	p1 =	sne.s32 s22, $0xC260;
	v9 =	vld [tilespmem:s21+$0x18]  }
0x3d: {  	v10 =	vld [tilespmem:s21+$0x6190]  }
0x3e: {  	v11 =	vld [tilespmem:s21+$0x6198]  }
0x3f: {  	v4 =	vadd.f32 v4, v7  }
0x40: {  	v5 =	vadd.f32 v5, v8  }
0x41: {  	v4 =	vadd.f32 v3, v4;
	v6 =	vadd.f32 v6, v9  }
0x42: {  	s23 =	sshra.s32 s22, $0x2;
	v5 =	vadd.f32 v10, v5  }
0x43: {  	v3 =	vld [tilespmem:s23+$0x6180];
	v7 =	vadd.f32 v4, v2;
	v6 =	vadd.f32 v11, v6  }
.Ltmp2:
0x44: {  	v4 =	vld [tilespmem:s23+$0x30C0];
	v8 =	vadd.f32 v5, v0;
	(pc) =	sbr.rel @p1 .LBB2_2-.Ltmp2, $4  }
0x45: {  	v5 =	vld [tilespmem:s23+$0x30D0];
	v9 =	vadd.f32 v6, v1;
	[tilespmem:s21+$0x0] =	vst v7  }
0x46: {  	v6 =	vld [tilespmem:s23+$0x30D8];
	[tilespmem:s21+$0x10] =	vst v8  }
0x47: {  	v7 =	vld [tilespmem:s23+$0x0];
	[tilespmem:s21+$0x18] =	vst v9;
	s21 =	smov.u32 s23  }
0x48: {  	s22 =	sadd.s32 $0xA0, s22;
	v8 =	vld [tilespmem:s21+$0x10]  }
0x49: {  	v9 =	vld [tilespmem:s21+$0x18]  }
0x4a: {  	v10 =	vld [tilespmem:s21+$0x6190]  }
0x4b: {  	v11 =	vld [tilespmem:s21+$0x6198]  }
0x4c: {  	v4 =	vadd.f32 v4, v7  }
0x4d: {  	v5 =	vadd.f32 v5, v8  }
0x4e: {  	v3 =	vadd.f32 v3, v4;
	v63 =	vadd.f32 v6, v9  }
0x4f: {  	v5 =	vadd.f32 v10, v5  }
0x50: {  	v3 =	vadd.f32 v3, v2;
	v4 =	vadd.f32 v11, v63  }
0x51: {  	v5 =	vadd.f32 v5, v0  }
0x52: {  	v4 =	vadd.f32 v4, v1;
	[tilespmem:s21+$0x0] =	vst v3  }
0x53: {  	[tilespmem:s21+$0x10] =	vst v5  }
.Ltmp3:
0x54: {  	[tilespmem:s21+$0x18] =	vst v4;
	(pc) =	sbr.rel @p0 .LBB2_7-.Ltmp3, $4  }
0x55: {  	[hbm4b:s7+s3] =	stream.linear.scatter [tilespmem:s3], [sflag:$0x4], $0x30C0, $0x38;
	[tilespmem:$0x9268] =	vst v63  }
0x56: {  	_ =	swait.ge [sflag:s14], $0x30C0  }
0x57: {  	[sflag:s14] =	ssyncset.done $0x0  }
0x58: {  	[sflag:s14] =	ssyncadd.s32 $0xFFFFCF40  }
0x59: {  	s21 =	simm.s32 $0x0  }
0x5a: {  	[tilespmem:s21], [sflag:$0x1] =	stream.linear.gather [hbm4b:s8+s21], $0x280, $0x38;
	[tilespmem:$0x9268] =	vst v63  }
0x5b: {  	_ = 	snop  }
0x5c: {  	[tilespmem:s15], [sflag:$0x2] =	stream.linear.gather [hbm4b:s9+s21], $0x280, $0x38;
	[tilespmem:$0x9268] =	vst v63  }
0x5d: {  	_ = 	snop  }
0x5e: {  	[tilespmem:s16], [sflag:$0x3] =	stream.linear.gather [hbm4b:s10+s21], $0x280, $0x38;
	[tilespmem:$0x9268] =	vst v63  }
0x5f: {  	_ =	swait.ge [sflag:s17], $0x280  }
0x60: {  	[sflag:s17] =	ssyncset.done $0x0  }
0x61: {  	[sflag:s17] =	ssyncadd.s32 $0xFFFFFD80  }
0x62: {  	_ =	swait.ge [sflag:s18], $0x280  }
0x63: {  	[sflag:s18] =	ssyncset.done $0x0  }
0x64: {  	[sflag:s18] =	ssyncadd.s32 $0xFFFFFD80  }
0x65: {  	_ =	swait.ge [sflag:s19], $0x280  }
0x66: {  	[sflag:s19] =	ssyncset.done $0x0  }
0x67: {  	s21 =	simm.s32 $0x0;
	[sflag:s19] =	ssyncadd.s32 $0xFFFFFD80  }
0x68: {  	v3 =	vld [tilespmem:s21+$0x6180]  }
0x69: {  	v4 =	vld [tilespmem:s21+$0x30C0]  }
0x6a: {  	v5 =	vld [tilespmem:s21+$0x30D0]  }
0x6b: {  	v6 =	vld [tilespmem:s21+$0x30D8]  }
0x6c: {  	v7 =	vld [tilespmem:s21+$0x0]  }
0x6d: {  	s22 =	simm.s32 $0xA0;
	v8 =	vld [tilespmem:s21+$0x10]  }
.LBB2_5:
0x6e: {  	p1 =	sne.s32 s22, $0x960;
	v9 =	vld [tilespmem:s21+$0x18]  }
0x6f: {  	v10 =	vld [tilespmem:s21+$0x6190]  }
0x70: {  	v11 =	vld [tilespmem:s21+$0x6198]  }
0x71: {  	v4 =	vadd.f32 v4, v7  }
0x72: {  	v5 =	vadd.f32 v5, v8  }
0x73: {  	v4 =	vadd.f32 v3, v4;
	v6 =	vadd.f32 v6, v9  }
0x74: {  	s23 =	sshra.s32 s22, $0x2;
	v5 =	vadd.f32 v10, v5  }
0x75: {  	v7 =	vadd.f32 v4, v2;
	v3 =	vld [tilespmem:s23+$0x6180];
	v6 =	vadd.f32 v11, v6  }
.Ltmp4:
0x76: {  	v4 =	vld [tilespmem:s23+$0x30C0];
	v8 =	vadd.f32 v5, v0;
	(pc) =	sbr.rel @p1 .LBB2_5-.Ltmp4, $4  }
0x77: {  	v5 =	vld [tilespmem:s23+$0x30D0];
	v9 =	vadd.f32 v6, v1;
	[tilespmem:s21+$0x0] =	vst v7  }
0x78: {  	v6 =	vld [tilespmem:s23+$0x30D8];
	[tilespmem:s21+$0x10] =	vst v8  }
0x79: {  	v7 =	vld [tilespmem:s23+$0x0];
	[tilespmem:s21+$0x18] =	vst v9;
	s21 =	smov.u32 s23  }
0x7a: {  	s22 =	sadd.s32 $0xA0, s22;
	v8 =	vld [tilespmem:s21+$0x10]  }
.Ltmp5:
0x7b: {  	_ = 	snop;
	(pc) =	sbr.rel .LBB2_6-.Ltmp5, $1  }
0x7c: {  	_ =	sdelay $0x3  }
.LBB2_8:
0x7d: {  	_ =	sfence.sel $0x180000  }
0x7e: {  	[bflag:$0x0] =	sbarrier.arrive $0xFFFF  }
0x7f: {  	p0 =	sne.s32 s0, $0x0;
	_ =	strace $0x9000004D  }
0x80: {  	s0 =	sadd.s32 @!p0 $0x100000, s1;
	[bflag:$0x2] =	sbarrier.arrive $0xFFFF  }
0x81: {  	[sflag:s0] =	ssyncadd.tile.s32 @!p0 $0x1;
	_ =	shalt  }
.Lfunc_end2:
_tile_overlayer_lowered:
.L_overlay_start_2:
0x82: {  	(tag) =	ssettag $0x2  }
0x83: {  	s0 =	rddreg [dreg:$0x0];
	s2 =	stileid.u32  }
0x84: {  	s1 =	rddreg [dreg:$0x1];
	p0 =	sne.s32 s2, $0x0  }
0x85: {  	s3 =	rddreg [dreg:$0x2];
	[bflag:$0x3] =	sbarrier.arrive $0xFFFF;
	s2 =	simm.s32 @!p0 $0x1C04  }
0x86: {  	[timem:s3], [sflag:s2] =	dma.local @!p0 [hbm:s0], s1  }
0x87: {  	s0 =	simm.s32 @!p0 $0x4  }
0x88: {  	_ =	swait.ge @!p0 [sflag:s0], s1  }
0x89: {  	s1 =	ssub.s32 @!p0 $0x0, s1;
	[sflag:s0] =	ssyncset.done @!p0 $0x0  }
0x8a: {  	[sflag:s0] =	ssyncadd.s32 @!p0 s1  }
0x8b: {  	[bflag:$0x3] =	sbarrier.arrive $0xFFFF  }
0x8c: {  	_ =	shalt  }

// kernel: kernel.6.cloned.1.call-start
scs
__scs_entry_jumppad:
0x0: {  	(pc) =	sbr.rel $0x88, $3  }
0x1: {  	(tag) =	ssettag $0x0;
	lr =	simm.s32 $0x1  }
0x2: {  	[smem:$0x3F9B] =	sst lr;
	_ =	strace $0xD0000000  }
0x3: {  	_ = 	snop  }
0x4: {  	_ = 	snop  }
0x5: {  	_ = 	snop  }
0x6: {  	_ = 	snop  }
0x7: {  	_ = 	snop  }
__scs_overlays_trampoline_lowered:
0x8: {  	[smem:$0x3FAA] =	sst s0  }
0x9: {  	[smem:$0x3FAB] =	sst s1  }
0xa: {  	[smem:$0x3FAC] =	sst s2  }
0xb: {  	[smem:$0x3FAD] =	sst s3  }
0xc: {  	[smem:$0x3FAE] =	sst s4  }
0xd: {  	[smem:$0x3FAF] =	sst s5  }
0xe: {  	[smem:$0x3FB0] =	sst s6  }
0xf: {  	[smem:$0x3FB1] =	sst s7  }
0x10: {  	[smem:$0x3FB2] =	sst s8  }
0x11: {  	[smem:$0x3FB3] =	sst s9;
	s0 =	simm.s32 @!p0 $0x0  }
0x12: {  	s1 =	sld [smem:$0x3F99];
	s0 =	simm.s32 @p0 $0x1  }
0x13: {  	[smem:$0x3FB4] =	sst s0;
	s0 =	simm.s32 @!p1 $0x0  }
0x14: {  	s2 =	sld [smem:$0x3F98];
	s0 =	simm.s32 @p1 $0x1  }
0x15: {  	[smem:$0x3FB5] =	sst s0;
	s0 =	simm.s32 @!p2 $0x0  }
0x16: {  	s3 =	sld [smem:$0x3FDB];
	s0 =	simm.s32 @p2 $0x1  }
0x17: {  	s4 =	simm.s32 $0x1BF5;
	[smem:$0x3FB7] =	sst s0  }
0x18: {  	s0 =	sld [smem:$0x3F9A];
	_ =	swait.ge [sflag:s4], $0x0  }
0x19: {  	s7 =	sld [smem:$0x3F9B]  }
0x1a: {  	s8 =	sadd.s32 $0xFFFFE003, lr  }
0x1b: {  	s9 =	sadd.s32 $0xFFFFFEF7, lr;
	s5 =	simm.s32 $0xFFFFFFFF;
	p2 =	slt.u32 s8, $0xFFFFF086  }
0x1c: {  	p1 =	slt.u32 s9, $0xF7A;
	s5 =	simm.s32 @!p2 $0x0  }
0x1d: {  	s5 =	simm.s32 @p1 $0x1;
	p0 =	seq.s32 s7, s2  }
0x1e: {  	s7 =	smul.u32 @!p0 $0xF7A, s2;
	p2 =	seq.s32 @!p0 s5, $0x0  }
0x1f: {  	s9 =	smul.u32 $0xF7A, s1;
	s8 =	simm.s32 @!p0 $0x1BF5;
	p2 =	por !p2, p0  }
0x20: {  	[sflag:s8] =	ssyncset.s32 @!p0 $0xFFFFF086;
	s6 =	sadd.s32 @!p0 s3, s7;
	s7 =	simm.s32 @!p0 $0x108  }
0x21: {  	s3 =	sadd.s32 s3, s9;
	s6 =	sadd.s32 @!p0 $0x88, s6;
	s7 =	simm.s32 @p2 $0x1082  }
0x22: {  	[simem:s7], [sflag:s8] =	dma.local @!p0 [hbm:s6], $0xF7A  }
0x23: {  	s9 =	sor.u32 $0xD0000000, s2;
	s6 =	simm.s32 $0x108;
	_ =	swait.ge @!p0 [sflag:s8], $0x0  }
0x24: {  	s3 =	sadd.s32 $0x88, s3;
	s6 =	simm.s32 @!p1 $0x1082;
	[sflag:s4] =	ssyncset.s32 $0xFFFFF086  }
0x25: {  	[simem:s6], [sflag:s4] =	dma.local [hbm:s3], $0xF7A  }
0x26: {  	[smem:$0x3F9B] =	sst s1;
	(tag) =	ssettag s2;
	_ =	strace s9  }
0x27: {  	s1 =	sld [smem:$0x3FAB]  }
0x28: {  	s2 =	sld [smem:$0x3FAC]  }
0x29: {  	s4 =	sld [smem:$0x3FAE]  }
0x2a: {  	p0 =	seq.s32 s5, $0x0;
	s5 =	sld [smem:$0x3FAF]  }
0x2b: {  	s6 =	sld [smem:$0x3FB0]  }
0x2c: {  	s7 =	sld [smem:$0x3FB1]  }
0x2d: {  	s3 =	simm.s32 $0x108;
	s8 =	sld [smem:$0x3FB2]  }
0x2e: {  	s3 =	simm.s32 @!p0 $0x1082;
	s9 =	sld [smem:$0x3FB3]  }
0x2f: {  	lr =	sadd.s32 s0, s3;
	s0 =	sld [smem:$0x3FAA]  }
0x30: {  	s3 =	sld [smem:$0x3FAD]  }
0x31: {  	[smem:$0x3FB6] =	sst s10  }
0x32: {  	s10 =	sld [smem:$0x3FB4];
	_ =	sdelay $0x3  }
0x33: {  	p0 =	seq.s32 s10, $0x1;
	s10 =	sld [smem:$0x3FB6];
	_ =	sdelay $0x3  }
0x34: {  	[smem:$0x3FB6] =	sst s10  }
0x35: {  	s10 =	sld [smem:$0x3FB5];
	_ =	sdelay $0x3  }
0x36: {  	p1 =	seq.s32 s10, $0x1;
	s10 =	sld [smem:$0x3FB6];
	_ =	sdelay $0x3  }
0x37: {  	[smem:$0x3FB6] =	sst s10  }
0x38: {  	s10 =	sld [smem:$0x3FB7]  }
0x39: {  	_ = 	snop;
	(pc) =	sbr.ind lr, $3  }
0x3a: {  	_ = 	snop  }
0x3b: {  	_ = 	snop  }
0x3c: {  	p2 =	seq.s32 s10, $0x1;
	s10 =	sld [smem:$0x3FB6]  }
0x3d: {  	_ =	shalt  }
0x3e: {  	_ =	shalt  }
0x3f: {  	_ =	shalt  }
0x40: {  	_ =	shalt  }
0x41: {  	_ =	shalt  }
0x42: {  	_ =	shalt  }
0x43: {  	_ =	shalt  }
0x44: {  	_ =	shalt  }
0x45: {  	_ =	shalt  }
0x46: {  	_ =	shalt  }
0x47: {  	_ =	shalt  }
0x48: {  	_ =	shalt  }
0x49: {  	_ =	shalt  }
0x4a: {  	_ =	shalt  }
0x4b: {  	_ =	shalt  }
0x4c: {  	_ =	shalt  }
0x4d: {  	_ =	shalt  }
0x4e: {  	_ =	shalt  }
0x4f: {  	_ =	shalt  }
0x50: {  	_ =	shalt  }
0x51: {  	_ =	shalt  }
0x52: {  	_ =	shalt  }
0x53: {  	_ =	shalt  }
0x54: {  	_ =	shalt  }
0x55: {  	_ =	shalt  }
0x56: {  	_ =	shalt  }
0x57: {  	_ =	shalt  }
0x58: {  	_ =	shalt  }
0x59: {  	_ =	shalt  }
0x5a: {  	_ =	shalt  }
0x5b: {  	_ =	shalt  }
0x5c: {  	_ =	shalt  }
0x5d: {  	_ =	shalt  }
0x5e: {  	_ =	shalt  }
0x5f: {  	_ =	shalt  }
0x60: {  	_ =	shalt  }
0x61: {  	_ =	shalt  }
0x62: {  	_ =	shalt  }
0x63: {  	_ =	shalt  }
0x64: {  	_ =	shalt  }
0x65: {  	_ =	shalt  }
0x66: {  	_ =	shalt  }
0x67: {  	_ =	shalt  }
0x68: {  	_ =	shalt  }
0x69: {  	_ =	shalt  }
0x6a: {  	_ =	shalt  }
0x6b: {  	_ =	shalt  }
0x6c: {  	_ =	shalt  }
0x6d: {  	_ =	shalt  }
0x6e: {  	_ =	shalt  }
0x6f: {  	_ =	shalt  }
0x70: {  	_ =	shalt  }
0x71: {  	_ =	shalt  }
0x72: {  	_ =	shalt  }
0x73: {  	_ =	shalt  }
0x74: {  	_ =	shalt  }
0x75: {  	_ =	shalt  }
0x76: {  	_ =	shalt  }
0x77: {  	_ =	shalt  }
0x78: {  	_ =	shalt  }
0x79: {  	_ =	shalt  }
0x7a: {  	_ =	shalt  }
0x7b: {  	_ =	shalt  }
0x7c: {  	_ =	shalt  }
0x7d: {  	_ =	shalt  }
0x7e: {  	_ =	shalt  }
0x7f: {  	_ =	shalt  }
0x80: {  	_ =	shalt  }
0x81: {  	_ =	shalt  }
0x82: {  	_ =	shalt  }
0x83: {  	_ =	shalt  }
0x84: {  	_ =	shalt  }
0x85: {  	_ =	shalt  }
0x86: {  	_ =	shalt  }
0x87: {  	_ =	shalt  }
.Lfunc_end0:
.L_simem_size_0:
called_computation_lowered:
.L_overlay_start_0:
0x88: {  	s2 =	sld [smem:$0x3FD9]  }
0x89: {  	s3 =	sld [smem:$0x3FFE];
	_ =	sdelay $0x1  }
0x8a: {  	s1 =	srdreg.scid  }
0x8b: {  	s0 =	sand.u32 $0x1, s1  }
0x8c: {  	s17 =	sshll.u32 s0, $0xA;
	s2 =	sadd.s32 s3, s2  }
0x8d: {  	s2 =	sadd.s32 s2, s17  }
0x8e: {  	[smem:$0x3FC2] =	sst s2  }
0x8f: {  	_ = 	snop  }
0x90: {  	s2 =	sld [smem:$0x3FC9];
	(tm) =	ssettm $0x1  }
0x91: {  	s18 =	sld [smem:$0x3FFB];
	_ =	sdelay $0x3  }
0x92: {  	_ =	strace s18  }
0x93: {  	s3 =	sld [smem:$0x3FFC];
	_ =	sdelay $0x3  }
0x94: {  	_ =	strace s3  }
0x95: {  	s3 =	sld [smem:$0x3FFD];
	_ =	sdelay $0x3  }
0x96: {  	_ =	strace s3  }
0x97: {  	_ =	strace $0x8FFFFFFF  }
0x98: {  	s19 =	sld [smem:$0x3FDB];
	_ =	sdelay $0x1  }
0x99: {  	s4 =	simm.s32 $_scs_section_size  }
0x9a: {  	s5 =	simm.s32 $_size__tile_overlayer_lowered;
	s6 =	simm.s32 $_tile_overlayer_lowered  }
0x9b: {  	s22 =	simm.s32 $0x1BFF;
	s21 =	sshll.u32 s6, $0x1;
	s3 =	sadd.s32 s4, s19  }
0x9c: {  	s7 =	simm.s32 $0x0;
	s20 =	sshll.u32 s5, $0x1;
	s5 =	sadd.s32 s21, s3  }
0x9d: {  	[timem:s7], [sflag:s22] =	dma.local [hbm:s5], s20  }
0x9e: {  	_ =	swait.ge [sflag:s22], s20  }
0x9f: {  	s4 =	ssub.s32 $0x0, s20;
	[sflag:s22] =	ssyncset.done $0x0  }
0xa0: {  	[sflag:s22] =	ssyncadd.s32 s4;
	_ =	sdelay $0x1  }
0xa1: {  	s23 =	simm.s32 $0x1B8B  }
0xa2: {  	_ =	swait.ge [sflag:s23], $0x1  }
0xa3: {  	[sflag:s23] =	ssyncset.done $0x0  }
0xa4: {  	s25 =	simm.s32 $0x1B8E;
	s24 =	sld [smem:$0x3FFE];
	[sflag:s23] =	ssyncadd.s32 $0xFFFFFFFF  }
0xa5: {  	s26 =	simm.s32 $execute0_lowered;
	[smem:$0x3FD2] =	sst s25  }
0xa6: {  	s5 =	sshll.u32 s26, $0x1;
	_ =	strace $0x80000046;
	[dreg:$0x1] =	wrdreg $0xFFFFFFFF  }
0xa7: {  	s28 =	simm.s32 $_size_execute0_lowered;
	s3 =	sadd.s32 s3, s5;
	[dreg:$0x0] =	wrdreg $0x0  }
0xa8: {  	s5 =	sshll.u32 s28, $0x1;
	[dreg:$0x2] =	wrdreg s3  }
0xa9: {  	[dreg:$0x3] =	wrdreg s5  }
0xaa: {  	[dreg:$0x4] =	wrdreg $0xC0  }
0xab: {  	_ =	task [dreg:s7], $0x5FFFF  }
0xac: {  	[dreg:$0x1] =	wrdreg $0xFFFFFFFF  }
0xad: {  	[dreg:$0x0] =	wrdreg $0x60  }
0xae: {  	[dreg:$0x2] =	wrdreg s2  }
0xaf: {  	[dreg:$0x3] =	wrdreg s24  }
0xb0: {  	[dreg:$0x4] =	wrdreg $0xB2200  }
0xb1: {  	[dreg:$0x5] =	wrdreg $0x9  }
0xb2: {  	_ =	task.clear_ibuf [dreg:s7], $0x6FFFF;
	_ =	strace $0x90000046  }
0xb3: {  	s29 =	simm.s32 $0x9;
	_ =	strace $0x80000048  }
0xb4: {  	_ =	swait.ge [sflag:s29], $0x1  }
0xb5: {  	[sflag:s29] =	ssyncadd.s32 $0xFFFFFFFF  }
0xb6: {  	_ =	strace $0x90000048  }
0xb7: {  	_ =	sfence  }
0xb8: {  	s30 =	sld [smem:$0x0];
	_ =	sdelay $0x2  }
0xb9: {  	s31 =	sshll.u32 s1, $0xD;
	s1 =	sshrl.u32 s1, $0x2  }
0xba: {  	s3 =	sand.u32 $0x4000, s31;
	s1 =	sadd.s32 s1, s30  }
0xbb: {  	s0 =	sor.u32 s3, s0;
	s1 =	sshll.u32 s1, $0x11  }
0xbc: {  	s0 =	sor.u32 s1, s0  }
0xbd: {  	s0 =	sadd.s32 $0x8F2B, s0  }
0xbe: {  	[sflag:s0] =	ssyncadd.remote.s32 $0x1  }
0xbf: {  	_ =	sfence.sel $0xFFFF  }
0xc0: {  	[dreg:$0x0] =	wrdreg $0xFFFFFFFF;
	(pc) =	sbr.abs _section_cstart, $3  }
0xc1: {  	[dreg:$0x1] =	wrdreg $0xFFFFFFFF  }
0xc2: {  	_ =	task.clear_ibuf [dreg:s7], $0x2FFFF;
	_ =	strace $0x9FFFFFFF  }
0xc3: {  	(tm) =	ssettm $0x7FFFFFFF  }
tec
execute0_lowered:
.L_overlay_start_1:
0x0: {  	(tag) =	ssettag $0x1  }
0x1: {  	s1 =	srdreg.scid;
	s0 =	rddreg [dreg:$0x0]  }
0x2: {  	s4 =	stileid.u32;
	s5 =	rddreg [dreg:$0x1];
	s19 =	simm.s32 $0xB  }
0x3: {  	s20 =	simm.s32 $0x28;
	s21 =	simm.s32 $0x4E20;
	s28 =	simm.s32 $0xC  }
0x4: {  	s29 =	simm.s32 $0x1;
	s31 =	simm.s32 $0x9E20;
	s14 =	simm.s32 $0x7  }
0x5: {  	s30 =	simm.s32 $0xA;
	s1 =	sand.u32 $0x1, s1;
	s2 =	sshll.u32 s4, $0x1  }
0x6: {  	s7 =	smul.u32 $0x13800, s4;
	s12 =	sadd.s32 $0x3D200, s5;
	s13 =	sadd.s32 $0x64400, s5  }
0x7: {  	p0 =	sne.s32 s4, $0x0;
	p2 =	seq.s32 s4, $0x0;
	s3 =	sor.u32 s1, s2  }
0x8: {  	s2 =	rddreg [dreg:$0x2];
	s10 =	ssub.s32 $0x2, s1;
	p1 =	seq.s32 s1, $0x1  }
0x9: {  	s1 =	simm.s32 $0x2;
	s6 =	smul.u32 $0x2710, s3;
	s3 =	simm.s32 $0x0  }
0xa: {  	s8 =	sshrl.u32 s7, $0x3;
	s11 =	sshrl.u32 s10, $0x1;
	s23 =	sadd.s32 s7, s2  }
0xb: {  	s7 =	sadd.s32 $0x138000, s2;
	[smem:$0x7FF] =	sst s3;
	s9 =	sadd.s32 s8, s5  }
0xc: {  	s11 =	ssub.s32 s10, s11;
	s25 =	sadd.s32 s12, s8;
	s26 =	sadd.s32 s13, s8  }
0xd: {  	s17 =	sshrl.u32 s23, $0x3;
	_ =	strace $0x80000047;
	[dreg:$0x4] =	wrdreg s12  }
0xe: {  	s18 =	sshrl.u32 @!p0 s7, $0x3;
	s23 =	simm.s32 $0x4;
	[dreg:$0xb] =	wrdreg s25  }
0xf: {  	s6 =	sshrl.u32 s6, $0x3;
	s24 =	sadd.s32 $0x16000, s9;
	[dreg:$0x5] =	wrdreg s13  }
0x10: {  	s9 =	sshll.u32 s4, $0x6;
	[dreg:$0xc] =	wrdreg s26;
	s15 =	smax.u32 s11, $0x1  }
0x11: {  	[dreg:$0x9] =	wrdreg s7;
	s26 =	simm.s32 $0x8A20;
	s11 =	simm.s32 $0x6  }
0x12: {  	s13 =	simm.s32 $0x3;
	s25 =	simm.s32 $0x8;
	s4 =	simm.s32 $0x5  }
.Ltmp0:
0x13: {  	s7 =	simm.s32 $0x0;
	s6 =	sadd.s32 s6, s5;
	(pc) =	sbr.rel .LBB2_1-.Ltmp0, $4  }
0x14: {  	[dreg:$0x8] =	wrdreg s24;
	s10 =	sor.u32 $0x1C0C, s9;
	s5 =	sadd.s32 $0x3D000, s5  }
0x15: {  	s24 =	simm.s32 $0x7620;
	s22 =	sadd.s32 $0x2600, s6;
	[dreg:$0xa] =	wrdreg s5  }
0x16: {  	s6 =	sadd.s32 $0xC240, s6;
	s5 =	simm.s32 $0x9;
	[dreg:$0x6] =	wrdreg s22  }
0x17: {  	[dreg:$0x7] =	wrdreg s6;
	s22 =	simm.s32 $0x6220;
	s6 =	simm.s32 $0xD  }
.LBB2_6:
0x18: {  	s16 =	rddreg [dreg:$0x9]  }
0x19: {  	s12 =	sadd.s32 $0x27000, s12;
	s16 =	sshrl.u32 s16, $0x3  }
0x1a: {  	[hbm:s12], [sflag:s8] =	dma.local [spmem:s16], $0x100  }
0x1b: {  	_ =	swait.ge [sflag:s6], $0x100  }
0x1c: {  	[sflag:s6] =	ssyncset.done $0x0  }
0x1d: {  	[sflag:s6] =	ssyncadd.s32 $0xFFFFFF00  }
.LBB2_7:
0x1e: {  	s7 =	sadd.s32 $0x1, s7  }
0x1f: {  	p3 =	sne.s32 s7, s15  }
.Ltmp1:
0x20: {  	_ = 	snop;
	(pc) =	sbr.rel @!p3 .LBB2_8-.Ltmp1, $1  }
0x21: {  	_ =	sdelay $0x3  }
.LBB2_1:
0x22: {  	s8 =	rddreg [dreg:$0x6]  }
0x23: {  	[tilespmem:s3], [sflag:$0xB] =	stream.linear.gather [hbm4b:s8+s3], $0x2710, $0x38;
	[tilespmem:$0x1EAA0] =	vst v63  }
0x24: {  	s16 =	rddreg [dreg:$0x7];
	s12 =	simm.s32 $0x2710  }
0x25: {  	[tilespmem:s12], [sflag:$0xB] =	stream.linear.gather [hbm4b:s16+s3], $0x2710, $0x38;
	[tilespmem:$0x1EAA0] =	vst v63  }
0x26: {  	s16 =	rddreg [dreg:$0x8]  }
0x27: {  	[spmem:s17], [sflag:s10] =	dma.local [hbm:s16], $0x2700  }
0x28: {  	s8 =	rddreg [dreg:$0xa]  }
0x29: {  	[spmem:s18], [sflag:s10] =	dma.local @!p0 [hbm:s8], $0x100  }
0x2a: {  	_ =	swait.ge [sflag:s19], $0x2710  }
0x2b: {  	[sflag:s19] =	ssyncset.done $0x0  }
0x2c: {  	[sflag:s19] =	ssyncadd.s32 $0xFFFFD8F0  }
0x2d: {  	_ =	swait.ge [sflag:s19], $0x2710  }
0x2e: {  	[sflag:s19] =	ssyncset.done $0x0  }
0x2f: {  	[sflag:s19] =	ssyncadd.s32 $0xFFFFD8F0  }
0x30: {  	[tilespmem:s21], [sflag:$0x1] =	stream.indirect.gather [hbm4b:s0+s20], $0x80, s3, s20, $0xb8;
	[tilespmem:$0x1EAA0] =	vst v63  }
0x31: {  	_ = 	snop  }
0x32: {  	[tilespmem:s22], [sflag:$0x2] =	stream.indirect.gather [hbm4b:s0+s20], $0x80, s20, s20, $0xb8;
	[tilespmem:$0x1EAA0] =	vst v63  }
0x33: {  	s16 =	simm.s32 $0x50  }
0x34: {  	[tilespmem:s24], [sflag:$0x3] =	stream.indirect.gather [hbm4b:s0+s20], $0x80, s16, s20, $0xb8;
	[tilespmem:$0x1EAA0] =	vst v63  }
0x35: {  	s16 =	simm.s32 $0x78  }
0x36: {  	[tilespmem:s26], [sflag:$0x4] =	stream.indirect.gather [hbm4b:s0+s20], $0x80, s16, s20, $0xb8;
	[tilespmem:$0x1EAA0] =	vst v63  }
0x37: {  	_ =	swait.ge [sflag:s28], $0x2700  }
0x38: {  	[sflag:s28] =	ssyncset.done $0x0  }
0x39: {  	s8 =	simm.s32 @!p0 $0xC;
	[sflag:s28] =	ssyncadd.s32 $0xFFFFD900  }
0x3a: {  	_ =	swait.ge @!p0 [sflag:s8], $0x100  }
0x3b: {  	[sflag:s8] =	ssyncset.done @!p0 $0x0  }
0x3c: {  	[sflag:s8] =	ssyncadd.s32 @!p0 $0xFFFFFF00  }
0x3d: {  	[bflag:$0x0] =	sbarrier.arrive $0xFFFF  }
0x3e: {  	_ =	swait.ge [sflag:s29], $0x1400  }
0x3f: {  	[sflag:s29] =	ssyncset.done $0x0  }
0x40: {  	[sflag:s29] =	ssyncadd.s32 $0xFFFFEC00  }
0x41: {  	[spmem:s2] =	stream.indirect.scatter.add.f32 [tilespmem:s21], [sflag:$0x6], $0x80, s12, s20, $0xb8;
	[tilespmem:$0x1EAA0] =	vst v63  }
0x42: {  	s12 =	simm.s32 $0xA0  }
0x43: {  	[tilespmem:s31], [sflag:$0x5] =	stream.indirect.gather [hbm4b:s0+s20], $0x80, s12, s20, $0xb8;
	[tilespmem:$0x1EAA0] =	vst v63  }
0x44: {  	_ =	swait.ge [sflag:s1], $0x1400  }
0x45: {  	[sflag:s1] =	ssyncset.done $0x0  }
0x46: {  	s16 =	simm.s32 $0x2738;
	[sflag:s1] =	ssyncadd.s32 $0xFFFFEC00  }
0x47: {  	[spmem:s2] =	stream.indirect.scatter.add.f32 [tilespmem:s22], [sflag:$0x7], $0x80, s16, s20, $0xb8;
	[tilespmem:$0x1EAA0] =	vst v63  }
0x48: {  	_ =	swait.ge [sflag:s11], $0x1400  }
0x49: {  	[sflag:s11] =	ssyncset.done $0x0  }
0x4a: {  	s12 =	simm.s32 $0xC8;
	[sflag:s11] =	ssyncadd.s32 $0xFFFFEC00  }
0x4b: {  	[tilespmem:s21], [sflag:$0x1] =	stream.indirect.gather [hbm4b:s0+s20], $0x80, s12, s20, $0xb8;
	[tilespmem:$0x1EAA0] =	vst v63  }
0x4c: {  	_ =	swait.ge [sflag:s13], $0x1400  }
0x4d: {  	[sflag:s13] =	ssyncset.done $0x0  }
0x4e: {  	s16 =	simm.s32 $0x2760;
	[sflag:s13] =	ssyncadd.s32 $0xFFFFEC00  }
0x4f: {  	[spmem:s2] =	stream.indirect.scatter.add.f32 [tilespmem:s24], [sflag:$0x8], $0x80, s16, s20, $0xb8;
	[tilespmem:$0x1EAA0] =	vst v63  }
0x50: {  	_ =	swait.ge [sflag:s14], $0x1400  }
0x51: {  	[sflag:s14] =	ssyncset.done $0x0  }
0x52: {  	s12 =	simm.s32 $0xF0;
	[sflag:s14] =	ssyncadd.s32 $0xFFFFEC00  }
0x53: {  	[tilespmem:s22], [sflag:$0x2] =	stream.indirect.gather [hbm4b:s0+s20], $0x80, s12, s20, $0xb8;
	[tilespmem:$0x1EAA0] =	vst v63  }
0x54: {  	_ =	swait.ge [sflag:s23], $0x1400  }
0x55: {  	[sflag:s23] =	ssyncset.done $0x0  }
0x56: {  	s16 =	simm.s32 $0x2788;
	[sflag:s23] =	ssyncadd.s32 $0xFFFFEC00  }
0x57: {  	[spmem:s2] =	stream.indirect.scatter.add.f32 [tilespmem:s26], [sflag:$0x9], $0x80, s16, s20, $0xb8;
	[tilespmem:$0x1EAA0] =	vst v63  }
0x58: {  	_ =	swait.ge [sflag:s25], $0x1400  }
0x59: {  	[sflag:s25] =	ssyncset.done $0x0  }
0x5a: {  	s12 =	simm.s32 $0x118;
	[sflag:s25] =	ssyncadd.s32 $0xFFFFEC00  }
0x5b: {  	[tilespmem:s24], [sflag:$0x3] =	stream.indirect.gather [hbm4b:s0+s20], $0x80, s12, s20, $0xb8;
	[tilespmem:$0x1EAA0] =	vst v63  }
0x5c: {  	_ =	swait.ge [sflag:s4], $0x1400  }
0x5d: {  	[sflag:s4] =	ssyncset.done $0x0  }
0x5e: {  	s16 =	simm.s32 $0x27B0;
	[sflag:s4] =	ssyncadd.s32 $0xFFFFEC00  }
0x5f: {  	[spmem:s2] =	stream.indirect.scatter.add.f32 [tilespmem:s31], [sflag:$0xA], $0x80, s16, s20, $0xb8;
	[tilespmem:$0x1EAA0] =	vst v63  }
0x60: {  	_ =	swait.ge [sflag:s5], $0x1400  }
0x61: {  	[sflag:s5] =	ssyncset.done $0x0  }
0x62: {  	s12 =	simm.s32 $0x140;
	[sflag:s5] =	ssyncadd.s32 $0xFFFFEC00  }
0x63: {  	[tilespmem:s26], [sflag:$0x4] =	stream.indirect.gather [hbm4b:s0+s20], $0x80, s12, s20, $0xb8;
	[tilespmem:$0x1EAA0] =	vst v63  }
0x64: {  	_ =	swait.ge [sflag:s29], $0x1400  }
0x65: {  	[sflag:s29] =	ssyncset.done $0x0  }
0x66: {  	s16 =	simm.s32 $0x27D8;
	[sflag:s29] =	ssyncadd.s32 $0xFFFFEC00  }
0x67: {  	[spmem:s2] =	stream.indirect.scatter.add.f32 [tilespmem:s21], [sflag:$0x6], $0x80, s16, s20, $0xb8;
	[tilespmem:$0x1EAA0] =	vst v63  }
0x68: {  	_ =	swait.ge [sflag:s30], $0x1400  }
0x69: {  	[sflag:s30] =	ssyncset.done $0x0  }
0x6a: {  	s8 =	simm.s32 $0x320;
	s12 =	simm.s32 $0x168;
	[sflag:s30] =	ssyncadd.s32 $0xFFFFEC00  }
.LBB2_2:
0x6b: {  	[tilespmem:s31], [sflag:$0x5] =	stream.indirect.gather [hbm4b:s0+s20], $0x80, s12, s20, $0xb8;
	[tilespmem:$0x1EAA0] =	vst v63  }
0x6c: {  	s12 =	smov.u32 s8  }
0x6d: {  	p3 =	sne.s32 s8, $0x9600;
	s8 =	sadd.s32 $0x320, s8;
	_ =	swait.ge [sflag:s1], $0x1400  }
0x6e: {  	s12 =	sshra.s32 s12, $0x2;
	[sflag:s1] =	ssyncset.done $0x0  }
0x6f: {  	s16 =	sadd.s32 $0x2738, s12;
	[sflag:s1] =	ssyncadd.s32 $0xFFFFEC00  }
0x70: {  	[spmem:s2] =	stream.indirect.scatter.add.f32 [tilespmem:s22], [sflag:$0x7], $0x80, s16, s20, $0xb8;
	[tilespmem:$0x1EAA0] =	vst v63  }
0x71: {  	_ =	swait.ge [sflag:s11], $0x1400  }
0x72: {  	[sflag:s11] =	ssyncset.done $0x0  }
0x73: {  	s16 =	sadd.s32 $0xC8, s12;
	[sflag:s11] =	ssyncadd.s32 $0xFFFFEC00  }
0x74: {  	[tilespmem:s21], [sflag:$0x1] =	stream.indirect.gather [hbm4b:s0+s20], $0x80, s16, s20, $0xb8;
	[tilespmem:$0x1EAA0] =	vst v63  }
0x75: {  	_ =	swait.ge [sflag:s13], $0x1400  }
0x76: {  	[sflag:s13] =	ssyncset.done $0x0  }
0x77: {  	s16 =	sadd.s32 $0x2760, s12;
	[sflag:s13] =	ssyncadd.s32 $0xFFFFEC00  }
0x78: {  	[spmem:s2] =	stream.indirect.scatter.add.f32 [tilespmem:s24], [sflag:$0x8], $0x80, s16, s20, $0xb8;
	[tilespmem:$0x1EAA0] =	vst v63  }
0x79: {  	_ =	swait.ge [sflag:s14], $0x1400  }
0x7a: {  	[sflag:s14] =	ssyncset.done $0x0  }
0x7b: {  	s16 =	sadd.s32 $0xF0, s12;
	[sflag:s14] =	ssyncadd.s32 $0xFFFFEC00  }
0x7c: {  	[tilespmem:s22], [sflag:$0x2] =	stream.indirect.gather [hbm4b:s0+s20], $0x80, s16, s20, $0xb8;
	[tilespmem:$0x1EAA0] =	vst v63  }
0x7d: {  	_ =	swait.ge [sflag:s23], $0x1400  }
0x7e: {  	[sflag:s23] =	ssyncset.done $0x0  }
0x7f: {  	s16 =	sadd.s32 $0x2788, s12;
	[sflag:s23] =	ssyncadd.s32 $0xFFFFEC00  }
0x80: {  	[spmem:s2] =	stream.indirect.scatter.add.f32 [tilespmem:s26], [sflag:$0x9], $0x80, s16, s20, $0xb8;
	[tilespmem:$0x1EAA0] =	vst v63  }
0x81: {  	_ =	swait.ge [sflag:s25], $0x1400  }
0x82: {  	[sflag:s25] =	ssyncset.done $0x0  }
0x83: {  	s16 =	sadd.s32 $0x118, s12;
	[sflag:s25] =	ssyncadd.s32 $0xFFFFEC00  }
0x84: {  	[tilespmem:s24], [sflag:$0x3] =	stream.indirect.gather [hbm4b:s0+s20], $0x80, s16, s20, $0xb8;
	[tilespmem:$0x1EAA0] =	vst v63  }
0x85: {  	_ =	swait.ge [sflag:s4], $0x1400  }
0x86: {  	[sflag:s4] =	ssyncset.done $0x0  }
0x87: {  	s16 =	sadd.s32 $0x27B0, s12;
	[sflag:s4] =	ssyncadd.s32 $0xFFFFEC00  }
0x88: {  	[spmem:s2] =	stream.indirect.scatter.add.f32 [tilespmem:s31], [sflag:$0xA], $0x80, s16, s20, $0xb8;
	[tilespmem:$0x1EAA0] =	vst v63  }
0x89: {  	_ =	swait.ge [sflag:s5], $0x1400  }
0x8a: {  	[sflag:s5] =	ssyncset.done $0x0  }
0x8b: {  	s16 =	sadd.s32 $0x140, s12;
	[sflag:s5] =	ssyncadd.s32 $0xFFFFEC00  }
0x8c: {  	[tilespmem:s26], [sflag:$0x4] =	stream.indirect.gather [hbm4b:s0+s20], $0x80, s16, s20, $0xb8;
	[tilespmem:$0x1EAA0] =	vst v63  }
0x8d: {  	_ =	swait.ge [sflag:s29], $0x1400  }
0x8e: {  	[sflag:s29] =	ssyncset.done $0x0  }
.Ltmp2:
0x8f: {  	s16 =	sadd.s32 $0x27D8, s12;
	[sflag:s29] =	ssyncadd.s32 $0xFFFFEC00;
	(pc) =	sbr.rel @p3 .LBB2_2-.Ltmp2, $4  }
0x90: {  	[spmem:s2] =	stream.indirect.scatter.add.f32 [tilespmem:s21], [sflag:$0x6], $0x80, s16, s20, $0xb8;
	[tilespmem:$0x1EAA0] =	vst v63  }
0x91: {  	_ =	swait.ge [sflag:s30], $0x1400  }
0x92: {  	[sflag:s30] =	ssyncset.done $0x0  }
0x93: {  	s12 =	sadd.s32 $0x168, s12;
	[sflag:s30] =	ssyncadd.s32 $0xFFFFEC00  }
0x94: {  	[tilespmem:s31], [sflag:$0x5] =	stream.indirect.gather [hbm4b:s0+s20], $0x80, s12, s20, $0xb8;
	[tilespmem:$0x1EAA0] =	vst v63  }
0x95: {  	_ =	swait.ge [sflag:s1], $0x1400  }
0x96: {  	[sflag:s1] =	ssyncset.done $0x0  }
0x97: {  	s8 =	simm.s32 $0x4D80;
	[sflag:s1] =	ssyncadd.s32 $0xFFFFEC00  }
0x98: {  	[spmem:s2] =	stream.indirect.scatter.add.f32 [tilespmem:s22], [sflag:$0x7], $0x80, s8, s20, $0xb8;
	[tilespmem:$0x1EAA0] =	vst v63  }
0x99: {  	_ =	swait.ge [sflag:s13], $0x1400  }
0x9a: {  	[sflag:s13] =	ssyncset.done $0x0  }
0x9b: {  	s16 =	simm.s32 $0x4DA8;
	[sflag:s13] =	ssyncadd.s32 $0xFFFFEC00  }
0x9c: {  	[spmem:s2] =	stream.indirect.scatter.add.f32 [tilespmem:s24], [sflag:$0x8], $0x80, s16, s20, $0xb8;
	[tilespmem:$0x1EAA0] =	vst v63  }
0x9d: {  	_ =	swait.ge [sflag:s23], $0x1400  }
0x9e: {  	[sflag:s23] =	ssyncset.done $0x0  }
0x9f: {  	s12 =	simm.s32 $0x4DD0;
	[sflag:s23] =	ssyncadd.s32 $0xFFFFEC00  }
0xa0: {  	[spmem:s2] =	stream.indirect.scatter.add.f32 [tilespmem:s26], [sflag:$0x9], $0x80, s12, s20, $0xb8;
	[tilespmem:$0x1EAA0] =	vst v63  }
0xa1: {  	_ =	swait.ge [sflag:s4], $0x1400  }
0xa2: {  	[sflag:s4] =	ssyncset.done $0x0  }
0xa3: {  	s16 =	simm.s32 $0x4DF8;
	[sflag:s4] =	ssyncadd.s32 $0xFFFFEC00  }
0xa4: {  	[spmem:s2] =	stream.indirect.scatter.add.f32 [tilespmem:s31], [sflag:$0xA], $0x80, s16, s20, $0xb8;
	[tilespmem:$0x1EAA0] =	vst v63  }
0xa5: {  	_ =	swait.ge [sflag:s11], $0x1400  }
0xa6: {  	[sflag:s11] =	ssyncset.done $0x0  }
0xa7: {  	[sflag:s11] =	ssyncadd.s32 $0xFFFFEC00  }
0xa8: {  	_ =	swait.ge [sflag:s14], $0x1400  }
0xa9: {  	[sflag:s14] =	ssyncset.done $0x0  }
0xaa: {  	[sflag:s14] =	ssyncadd.s32 $0xFFFFEC00  }
0xab: {  	_ =	swait.ge [sflag:s25], $0x1400  }
0xac: {  	[sflag:s25] =	ssyncset.done $0x0  }
0xad: {  	[sflag:s25] =	ssyncadd.s32 $0xFFFFEC00  }
0xae: {  	_ =	swait.ge [sflag:s5], $0x1400  }
0xaf: {  	[sflag:s5] =	ssyncset.done $0x0  }
0xb0: {  	[sflag:s5] =	ssyncadd.s32 $0xFFFFEC00  }
.Ltmp3:
0xb1: {  	_ =	swait.ge [sflag:s30], $0x1400;
	(pc) =	sbr.rel @!p1 .LBB2_4-.Ltmp3, $4  }
0xb2: {  	[sflag:s30] =	ssyncset.done $0x0  }
0xb3: {  	[sflag:s30] =	ssyncadd.s32 $0xFFFFEC00  }
0xb4: {  	[bflag:$0x0] =	sbarrier.arrive $0xFFFF  }
0xb5: {  	s8 =	sor.u32 $0x1C0D, s9  }
0xb6: {  	s8 =	sor.u32 $0x1C0D, s9;
	s12 =	rddreg [dreg:$0xc]  }
0xb7: {  	[hbm:s12], [sflag:s8] =	dma.local [spmem:s17], $0x2700  }
.Ltmp4:
0xb8: {  	_ = 	snop;
	(pc) =	sbr.rel @p0 .LBB2_7-.Ltmp4, $4  }
.Ltmp5:
0xb9: {  	_ = 	snop;
	(pc) =	sbr.rel @!p0 .LBB2_6-.Ltmp5, $4  }
0xba: {  	_ =	swait.ge [sflag:s6], $0x2700  }
0xbb: {  	[sflag:s6] =	ssyncset.done $0x0  }
0xbc: {  	s12 =	rddreg [dreg:$0x5];
	[sflag:s6] =	ssyncadd.s32 $0xFFFFD900  }
0xbd: {  	_ = 	snop  }
.LBB2_4:
0xbe: {  	s12 =	rddreg [dreg:$0xb]  }
0xbf: {  	[hbm:s12], [sflag:s8] =	dma.local [spmem:s17], $0x2700  }
.Ltmp6:
0xc0: {  	_ = 	snop;
	(pc) =	sbr.rel @!p2 .LBB2_7-.Ltmp6, $4  }
.Ltmp7:
0xc1: {  	_ = 	snop;
	(pc) =	sbr.rel @p2 .LBB2_6-.Ltmp7, $4  }
0xc2: {  	_ =	swait.ge [sflag:s6], $0x2700  }
0xc3: {  	[sflag:s6] =	ssyncset.done $0x0  }
0xc4: {  	s12 =	rddreg [dreg:$0x4];
	[sflag:s6] =	ssyncadd.s32 $0xFFFFD900  }
0xc5: {  	_ = 	snop  }
.LBB2_8:
0xc6: {  	_ =	sfence.sel $0x180000  }
0xc7: {  	[bflag:$0x0] =	sbarrier.arrive $0xFFFF  }
0xc8: {  	_ =	strace $0x90000047  }
0xc9: {  	[bflag:$0x2] =	sbarrier.arrive $0xFFFF  }
0xca: {  	s0 =	rddreg [dreg:$0x3]  }
0xcb: {  	s0 =	sadd.s32 @!p0 $0x100000, s0  }
0xcc: {  	[sflag:s0] =	ssyncadd.tile.s32 @!p0 $0x1;
	_ =	shalt  }
.Lfunc_end2:
_tile_overlayer_lowered:
.L_overlay_start_2:
0xcd: {  	(tag) =	ssettag $0x2  }
0xce: {  	s0 =	rddreg [dreg:$0x0];
	s2 =	stileid.u32  }
0xcf: {  	s1 =	rddreg [dreg:$0x1];
	p0 =	sne.s32 s2, $0x0  }
0xd0: {  	s3 =	rddreg [dreg:$0x2];
	[bflag:$0x3] =	sbarrier.arrive $0xFFFF;
	s2 =	simm.s32 @!p0 $0x1C0D  }
0xd1: {  	[timem:s3], [sflag:s2] =	dma.local @!p0 [hbm:s0], s1  }
0xd2: {  	s0 =	simm.s32 @!p0 $0xD  }
0xd3: {  	_ =	swait.ge @!p0 [sflag:s0], s1  }
0xd4: {  	s1 =	ssub.s32 @!p0 $0x0, s1;
	[sflag:s0] =	ssyncset.done @!p0 $0x0  }
0xd5: {  	[sflag:s0] =	ssyncadd.s32 @!p0 s1  }
0xd6: {  	[bflag:$0x3] =	sbarrier.arrive $0xFFFF  }
0xd7: {  	_ =	shalt  }

// kernel: kernel.9.cloned.1.call-start
scs
__scs_entry_jumppad:
0x0: {  	(pc) =	sbr.rel $0x88, $3  }
0x1: {  	(tag) =	ssettag $0x0;
	lr =	simm.s32 $0x1  }
0x2: {  	[smem:$0x3F9B] =	sst lr;
	_ =	strace $0xD0000000  }
0x3: {  	_ = 	snop  }
0x4: {  	_ = 	snop  }
0x5: {  	_ = 	snop  }
0x6: {  	_ = 	snop  }
0x7: {  	_ = 	snop  }
__scs_overlays_trampoline_lowered:
0x8: {  	[smem:$0x3FAA] =	sst s0  }
0x9: {  	[smem:$0x3FAB] =	sst s1  }
0xa: {  	[smem:$0x3FAC] =	sst s2  }
0xb: {  	[smem:$0x3FAD] =	sst s3  }
0xc: {  	[smem:$0x3FAE] =	sst s4  }
0xd: {  	[smem:$0x3FAF] =	sst s5  }
0xe: {  	[smem:$0x3FB0] =	sst s6  }
0xf: {  	[smem:$0x3FB1] =	sst s7  }
0x10: {  	[smem:$0x3FB2] =	sst s8  }
0x11: {  	[smem:$0x3FB3] =	sst s9;
	s0 =	simm.s32 @!p0 $0x0  }
0x12: {  	s1 =	sld [smem:$0x3F99];
	s0 =	simm.s32 @p0 $0x1  }
0x13: {  	[smem:$0x3FB4] =	sst s0;
	s0 =	simm.s32 @!p1 $0x0  }
0x14: {  	s2 =	sld [smem:$0x3F98];
	s0 =	simm.s32 @p1 $0x1  }
0x15: {  	[smem:$0x3FB5] =	sst s0;
	s0 =	simm.s32 @!p2 $0x0  }
0x16: {  	s3 =	sld [smem:$0x3FDB];
	s0 =	simm.s32 @p2 $0x1  }
0x17: {  	s4 =	simm.s32 $0x1BF5;
	[smem:$0x3FB7] =	sst s0  }
0x18: {  	s0 =	sld [smem:$0x3F9A];
	_ =	swait.ge [sflag:s4], $0x0  }
0x19: {  	s7 =	sld [smem:$0x3F9B]  }
0x1a: {  	s8 =	sadd.s32 $0xFFFFE003, lr  }
0x1b: {  	s9 =	sadd.s32 $0xFFFFFEF7, lr;
	s5 =	simm.s32 $0xFFFFFFFF;
	p2 =	slt.u32 s8, $0xFFFFF086  }
0x1c: {  	p1 =	slt.u32 s9, $0xF7A;
	s5 =	simm.s32 @!p2 $0x0  }
0x1d: {  	s5 =	simm.s32 @p1 $0x1;
	p0 =	seq.s32 s7, s2  }
0x1e: {  	s7 =	smul.u32 @!p0 $0xF7A, s2;
	p2 =	seq.s32 @!p0 s5, $0x0  }
0x1f: {  	s9 =	smul.u32 $0xF7A, s1;
	s8 =	simm.s32 @!p0 $0x1BF5;
	p2 =	por !p2, p0  }
0x20: {  	[sflag:s8] =	ssyncset.s32 @!p0 $0xFFFFF086;
	s6 =	sadd.s32 @!p0 s3, s7;
	s7 =	simm.s32 @!p0 $0x108  }
0x21: {  	s3 =	sadd.s32 s3, s9;
	s6 =	sadd.s32 @!p0 $0x88, s6;
	s7 =	simm.s32 @p2 $0x1082  }
0x22: {  	[simem:s7], [sflag:s8] =	dma.local @!p0 [hbm:s6], $0xF7A  }
0x23: {  	s9 =	sor.u32 $0xD0000000, s2;
	s6 =	simm.s32 $0x108;
	_ =	swait.ge @!p0 [sflag:s8], $0x0  }
0x24: {  	s3 =	sadd.s32 $0x88, s3;
	s6 =	simm.s32 @!p1 $0x1082;
	[sflag:s4] =	ssyncset.s32 $0xFFFFF086  }
0x25: {  	[simem:s6], [sflag:s4] =	dma.local [hbm:s3], $0xF7A  }
0x26: {  	[smem:$0x3F9B] =	sst s1;
	(tag) =	ssettag s2;
	_ =	strace s9  }
0x27: {  	s1 =	sld [smem:$0x3FAB]  }
0x28: {  	s2 =	sld [smem:$0x3FAC]  }
0x29: {  	s4 =	sld [smem:$0x3FAE]  }
0x2a: {  	p0 =	seq.s32 s5, $0x0;
	s5 =	sld [smem:$0x3FAF]  }
0x2b: {  	s6 =	sld [smem:$0x3FB0]  }
0x2c: {  	s7 =	sld [smem:$0x3FB1]  }
0x2d: {  	s3 =	simm.s32 $0x108;
	s8 =	sld [smem:$0x3FB2]  }
0x2e: {  	s3 =	simm.s32 @!p0 $0x1082;
	s9 =	sld [smem:$0x3FB3]  }
0x2f: {  	lr =	sadd.s32 s0, s3;
	s0 =	sld [smem:$0x3FAA]  }
0x30: {  	s3 =	sld [smem:$0x3FAD]  }
0x31: {  	[smem:$0x3FB6] =	sst s10  }
0x32: {  	s10 =	sld [smem:$0x3FB4];
	_ =	sdelay $0x3  }
0x33: {  	p0 =	seq.s32 s10, $0x1;
	s10 =	sld [smem:$0x3FB6];
	_ =	sdelay $0x3  }
0x34: {  	[smem:$0x3FB6] =	sst s10  }
0x35: {  	s10 =	sld [smem:$0x3FB5];
	_ =	sdelay $0x3  }
0x36: {  	p1 =	seq.s32 s10, $0x1;
	s10 =	sld [smem:$0x3FB6];
	_ =	sdelay $0x3  }
0x37: {  	[smem:$0x3FB6] =	sst s10  }
0x38: {  	s10 =	sld [smem:$0x3FB7]  }
0x39: {  	_ = 	snop;
	(pc) =	sbr.ind lr, $3  }
0x3a: {  	_ = 	snop  }
0x3b: {  	_ = 	snop  }
0x3c: {  	p2 =	seq.s32 s10, $0x1;
	s10 =	sld [smem:$0x3FB6]  }
0x3d: {  	_ =	shalt  }
0x3e: {  	_ =	shalt  }
0x3f: {  	_ =	shalt  }
0x40: {  	_ =	shalt  }
0x41: {  	_ =	shalt  }
0x42: {  	_ =	shalt  }
0x43: {  	_ =	shalt  }
0x44: {  	_ =	shalt  }
0x45: {  	_ =	shalt  }
0x46: {  	_ =	shalt  }
0x47: {  	_ =	shalt  }
0x48: {  	_ =	shalt  }
0x49: {  	_ =	shalt  }
0x4a: {  	_ =	shalt  }
0x4b: {  	_ =	shalt  }
0x4c: {  	_ =	shalt  }
0x4d: {  	_ =	shalt  }
0x4e: {  	_ =	shalt  }
0x4f: {  	_ =	shalt  }
0x50: {  	_ =	shalt  }
0x51: {  	_ =	shalt  }
0x52: {  	_ =	shalt  }
0x53: {  	_ =	shalt  }
0x54: {  	_ =	shalt  }
0x55: {  	_ =	shalt  }
0x56: {  	_ =	shalt  }
0x57: {  	_ =	shalt  }
0x58: {  	_ =	shalt  }
0x59: {  	_ =	shalt  }
0x5a: {  	_ =	shalt  }
0x5b: {  	_ =	shalt  }
0x5c: {  	_ =	shalt  }
0x5d: {  	_ =	shalt  }
0x5e: {  	_ =	shalt  }
0x5f: {  	_ =	shalt  }
0x60: {  	_ =	shalt  }
0x61: {  	_ =	shalt  }
0x62: {  	_ =	shalt  }
0x63: {  	_ =	shalt  }
0x64: {  	_ =	shalt  }
0x65: {  	_ =	shalt  }
0x66: {  	_ =	shalt  }
0x67: {  	_ =	shalt  }
0x68: {  	_ =	shalt  }
0x69: {  	_ =	shalt  }
0x6a: {  	_ =	shalt  }
0x6b: {  	_ =	shalt  }
0x6c: {  	_ =	shalt  }
0x6d: {  	_ =	shalt  }
0x6e: {  	_ =	shalt  }
0x6f: {  	_ =	shalt  }
0x70: {  	_ =	shalt  }
0x71: {  	_ =	shalt  }
0x72: {  	_ =	shalt  }
0x73: {  	_ =	shalt  }
0x74: {  	_ =	shalt  }
0x75: {  	_ =	shalt  }
0x76: {  	_ =	shalt  }
0x77: {  	_ =	shalt  }
0x78: {  	_ =	shalt  }
0x79: {  	_ =	shalt  }
0x7a: {  	_ =	shalt  }
0x7b: {  	_ =	shalt  }
0x7c: {  	_ =	shalt  }
0x7d: {  	_ =	shalt  }
0x7e: {  	_ =	shalt  }
0x7f: {  	_ =	shalt  }
0x80: {  	_ =	shalt  }
0x81: {  	_ =	shalt  }
0x82: {  	_ =	shalt  }
0x83: {  	_ =	shalt  }
0x84: {  	_ =	shalt  }
0x85: {  	_ =	shalt  }
0x86: {  	_ =	shalt  }
0x87: {  	_ =	shalt  }
.Lfunc_end0:
.L_simem_size_0:
called_computation.1_lowered:
.L_overlay_start_0:
0x88: {  	s2 =	sld [smem:$0x3FD9]  }
0x89: {  	s3 =	sld [smem:$0x3FFE];
	_ =	sdelay $0x1  }
0x8a: {  	s1 =	srdreg.scid  }
0x8b: {  	s0 =	sand.u32 $0x1, s1  }
0x8c: {  	s17 =	sshll.u32 s0, $0xA;
	s2 =	sadd.s32 s3, s2  }
0x8d: {  	s2 =	sadd.s32 s2, s17  }
0x8e: {  	[smem:$0x3FC2] =	sst s2  }
0x8f: {  	_ = 	snop  }
0x90: {  	s2 =	sld [smem:$0x3FD0];
	(tm) =	ssettm $0x1  }
0x91: {  	s18 =	sld [smem:$0x3FFB];
	_ =	sdelay $0x3  }
0x92: {  	_ =	strace s18  }
0x93: {  	s3 =	sld [smem:$0x3FFC];
	_ =	sdelay $0x3  }
0x94: {  	_ =	strace s3  }
0x95: {  	s3 =	sld [smem:$0x3FFD];
	_ =	sdelay $0x3  }
0x96: {  	_ =	strace s3  }
0x97: {  	_ =	strace $0x8FFFFFFF  }
0x98: {  	s19 =	sld [smem:$0x3FDB];
	_ =	sdelay $0x1  }
0x99: {  	s4 =	simm.s32 $_scs_section_size  }
0x9a: {  	s5 =	simm.s32 $_size__tile_overlayer_lowered;
	s6 =	simm.s32 $_tile_overlayer_lowered  }
0x9b: {  	s22 =	simm.s32 $0x1BFF;
	s21 =	sshll.u32 s6, $0x1;
	s3 =	sadd.s32 s4, s19  }
0x9c: {  	s7 =	simm.s32 $0x0;
	s20 =	sshll.u32 s5, $0x1;
	s5 =	sadd.s32 s21, s3  }
0x9d: {  	[timem:s7], [sflag:s22] =	dma.local [hbm:s5], s20  }
0x9e: {  	_ =	swait.ge [sflag:s22], s20  }
0x9f: {  	s4 =	ssub.s32 $0x0, s20;
	[sflag:s22] =	ssyncset.done $0x0  }
0xa0: {  	[sflag:s22] =	ssyncadd.s32 s4;
	_ =	sdelay $0x1  }
0xa1: {  	s23 =	simm.s32 $0x1B8B  }
0xa2: {  	_ =	swait.ge [sflag:s23], $0x1  }
0xa3: {  	[sflag:s23] =	ssyncset.done $0x0  }
0xa4: {  	s25 =	simm.s32 $0x1B8E;
	s24 =	sld [smem:$0x3FFE];
	[sflag:s23] =	ssyncadd.s32 $0xFFFFFFFF  }
0xa5: {  	s26 =	simm.s32 $execute0_lowered;
	[smem:$0x3FD2] =	sst s25  }
0xa6: {  	s5 =	sshll.u32 s26, $0x1;
	_ =	strace $0x80000049;
	[dreg:$0x1] =	wrdreg $0xFFFFFFFF  }
0xa7: {  	s28 =	simm.s32 $_size_execute0_lowered;
	s3 =	sadd.s32 s3, s5;
	[dreg:$0x0] =	wrdreg $0x0  }
0xa8: {  	s5 =	sshll.u32 s28, $0x1;
	[dreg:$0x2] =	wrdreg s3  }
0xa9: {  	[dreg:$0x3] =	wrdreg s5  }
0xaa: {  	[dreg:$0x4] =	wrdreg $0xC0  }
0xab: {  	_ =	task [dreg:s7], $0x5FFFF  }
0xac: {  	[dreg:$0x1] =	wrdreg $0xFFFFFFFF  }
0xad: {  	[dreg:$0x0] =	wrdreg $0x60  }
0xae: {  	[dreg:$0x2] =	wrdreg s2  }
0xaf: {  	[dreg:$0x3] =	wrdreg s24  }
0xb0: {  	[dreg:$0x4] =	wrdreg $0x8CA00  }
0xb1: {  	[dreg:$0x5] =	wrdreg $0x9  }
0xb2: {  	_ =	task.clear_ibuf [dreg:s7], $0x6FFFF;
	_ =	strace $0x90000049  }
0xb3: {  	s29 =	simm.s32 $0x9;
	_ =	strace $0x8000004B  }
0xb4: {  	_ =	swait.ge [sflag:s29], $0x1  }
0xb5: {  	[sflag:s29] =	ssyncadd.s32 $0xFFFFFFFF  }
0xb6: {  	_ =	strace $0x9000004B  }
0xb7: {  	_ =	sfence  }
0xb8: {  	s30 =	sld [smem:$0x0];
	_ =	sdelay $0x2  }
0xb9: {  	s31 =	sshll.u32 s1, $0xD;
	s1 =	sshrl.u32 s1, $0x2  }
0xba: {  	s3 =	sand.u32 $0x4000, s31;
	s1 =	sadd.s32 s1, s30  }
0xbb: {  	s0 =	sor.u32 s3, s0;
	s1 =	sshll.u32 s1, $0x11  }
0xbc: {  	s0 =	sor.u32 s1, s0  }
0xbd: {  	s0 =	sadd.s32 $0x8F2B, s0  }
0xbe: {  	[sflag:s0] =	ssyncadd.remote.s32 $0x1  }
0xbf: {  	_ =	sfence.sel $0xFFFF  }
0xc0: {  	[dreg:$0x0] =	wrdreg $0xFFFFFFFF;
	(pc) =	sbr.abs _section_cstart, $3  }
0xc1: {  	[dreg:$0x1] =	wrdreg $0xFFFFFFFF  }
0xc2: {  	_ =	task.clear_ibuf [dreg:s7], $0x2FFFF;
	_ =	strace $0x9FFFFFFF  }
0xc3: {  	(tm) =	ssettm $0x7FFFFFFF  }
tec
execute0_lowered:
.L_overlay_start_1:
0x0: {  	(tag) =	ssettag $0x1  }
0x1: {  	s0 =	rddreg [dreg:$0x0];
	s1 =	srdreg.scid  }
0x2: {  	s3 =	stileid.u32;
	s4 =	rddreg [dreg:$0x1]  }
0x3: {  	s2 =	rddreg [dreg:$0x2];
	s6 =	simm.s32 $0x0;
	s14 =	simm.s32 $0x60E0  }
0x4: {  	s30 =	simm.s32 $0x6D60;
	s13 =	simm.s32 $0x73A0;
	s31 =	simm.s32 $0x8660  }
0x5: {  	s16 =	simm.s32 $0xC;
	s15 =	simm.s32 $0xD;
	s28 =	simm.s32 $0xF  }
0x6: {  	s1 =	sand.u32 $0x1, s1;
	s5 =	sshll.u32 s3, $0x1;
	[smem:$0x7FF] =	sst s6  }
0x7: {  	s18 =	smul.u32 $0x6180, s3;
	s11 =	sadd.s32 $0x22400, s4;
	s12 =	sadd.s32 $0x2E800, s4  }
0x8: {  	s20 =	sshll.u32 s3, $0x6;
	s6 =	sadd.s32 $0x61800, s2;
	p0 =	sne.s32 s3, $0x0  }
0x9: {  	p2 =	seq.s32 s3, $0x0;
	_ =	strace $0x8000004A;
	[dreg:$0x8] =	wrdreg s20  }
0xa: {  	s5 =	sor.u32 s1, s5;
	s8 =	ssub.s32 $0x2, s1;
	[dreg:$0x4] =	wrdreg s11  }
0xb: {  	s23 =	sor.u32 $0x1C16, s20;
	p1 =	seq.s32 s1, $0x1;
	[dreg:$0x5] =	wrdreg s12  }
0xc: {  	[dreg:$0xb] =	wrdreg s6;
	s1 =	sshrl.u32 @!p0 s6, $0x3;
	s20 =	simm.s32 $0x28  }
0xd: {  	s6 =	simm.s32 $0x2;
	s5 =	smul.u32 $0x2710, s5;
	s7 =	sshrl.u32 s18, $0x3  }
0xe: {  	s10 =	sshrl.u32 s8, $0x1;
	s21 =	sadd.s32 s18, s2;
	[dreg:$0xa] =	wrdreg s23  }
0xf: {  	[dreg:$0x11] =	wrdreg s1;
	s23 =	simm.s32 $0x6720;
	s1 =	simm.s32 $0x8020  }
0x10: {  	s18 =	simm.s32 $0x5;
	s9 =	sadd.s32 s7, s4;
	s8 =	ssub.s32 s8, s10  }
0x11: {  	s24 =	sadd.s32 s11, s7;
	s25 =	sadd.s32 s12, s7;
	s29 =	sshrl.u32 s21, $0x3  }
0x12: {  	s11 =	simm.s32 $0x5460;
	s7 =	simm.s32 $0x79E0;
	s12 =	simm.s32 $0x4  }
0x13: {  	s10 =	simm.s32 $0x7;
	s5 =	sshrl.u32 s5, $0x3;
	[dreg:$0xd] =	wrdreg s24  }
0x14: {  	s22 =	sadd.s32 $0x16000, s9;
	[dreg:$0xe] =	wrdreg s25;
	s26 =	smax.u32 s8, $0x1  }
0x15: {  	[dreg:$0x10] =	wrdreg s29;
	s25 =	simm.s32 $0x5AA0;
	s8 =	simm.s32 $0x6  }
.Ltmp0:
0x16: {  	s9 =	simm.s32 $0x3;
	[dreg:$0x9] =	wrdreg s22;
	(pc) =	sbr.rel .LBB2_1-.Ltmp0, $4  }
0x17: {  	s5 =	sadd.s32 s5, s4;
	s4 =	sadd.s32 $0x22300, s4;
	[dreg:$0xf] =	wrdreg s26  }
0x18: {  	s22 =	simm.s32 $0x9;
	s19 =	sadd.s32 $0x2600, s5;
	[dreg:$0xc] =	wrdreg s4  }
0x19: {  	s5 =	sadd.s32 $0xC240, s5;
	s4 =	simm.s32 $0x0;
	[dreg:$0x6] =	wrdreg s19  }
0x1a: {  	[dreg:$0x7] =	wrdreg s5;
	s5 =	simm.s32 $0x1;
	s19 =	simm.s32 $0x8  }
.LBB2_6:
0x1b: {  	s29 =	rddreg [dreg:$0xb]  }
0x1c: {  	s26 =	sadd.s32 $0xC300, s26;
	s3 =	simm.s32 $0x17;
	s29 =	sshrl.u32 s29, $0x3  }
0x1d: {  	[hbm:s26], [sflag:s24] =	dma.local [spmem:s29], $0x50  }
0x1e: {  	_ =	swait.ge [sflag:s3], $0x50  }
0x1f: {  	[sflag:s3] =	ssyncset.done $0x0  }
0x20: {  	[sflag:s3] =	ssyncadd.s32 $0xFFFFFFB0  }
.LBB2_7:
0x21: {  	s4 =	sadd.s32 $0x1, s4;
	s24 =	rddreg [dreg:$0xf]  }
0x22: {  	p3 =	sne.s32 s4, s24  }
.Ltmp1:
0x23: {  	_ = 	snop;
	(pc) =	sbr.rel @!p3 .LBB2_8-.Ltmp1, $1  }
0x24: {  	_ =	sdelay $0x3  }
.LBB2_1:
0x25: {  	[dreg:$0x12] =	wrdreg s4  }
0x26: {  	s26 =	rddreg [dreg:$0x6]  }
0x27: {  	s17 =	rddreg [dreg:$0x7]  }
0x28: {  	s21 =	rddreg [dreg:$0x9]  }
0x29: {  	s4 =	simm.s32 $0x0;
	s29 =	rddreg [dreg:$0xa]  }
0x2a: {  	[tilespmem:s4], [sflag:$0x15] =	stream.linear.gather [hbm4b:s26+s4], $0x2710, $0x38;
	[tilespmem:$0xEE48] =	vst v63  }
0x2b: {  	s3 =	simm.s32 $0x2710;
	s24 =	rddreg [dreg:$0x10]  }
0x2c: {  	[tilespmem:s3], [sflag:$0x15] =	stream.linear.gather [hbm4b:s17+s4], $0x2710, $0x38;
	[tilespmem:$0xEE48] =	vst v63  }
0x2d: {  	[spmem:s24], [sflag:s29] =	dma.local [hbm:s21], $0xC30  }
0x2e: {  	s26 =	rddreg [dreg:$0xc]  }
0x2f: {  	s24 =	rddreg [dreg:$0x11]  }
0x30: {  	[spmem:s24], [sflag:s29] =	dma.local @!p0 [hbm:s26], $0x50  }
0x31: {  	s29 =	simm.s32 $0x15  }
0x32: {  	_ =	swait.ge [sflag:s29], $0x2710  }
0x33: {  	[sflag:s29] =	ssyncset.done $0x0  }
0x34: {  	[sflag:s29] =	ssyncadd.s32 $0xFFFFD8F0  }
0x35: {  	_ =	swait.ge [sflag:s29], $0x2710  }
0x36: {  	[sflag:s29] =	ssyncset.done $0x0  }
0x37: {  	s26 =	simm.s32 $0x4E20;
	[sflag:s29] =	ssyncadd.s32 $0xFFFFD8F0  }
0x38: {  	[tilespmem:s26], [sflag:$0x1] =	stream.indirect.gather [hbm4b:s0+s20], $0x28, s4, s20, $0xb8;
	[tilespmem:$0xEE48] =	vst v63  }
0x39: {  	_ = 	snop  }
0x3a: {  	[tilespmem:s11], [sflag:$0x2] =	stream.indirect.gather [hbm4b:s0+s20], $0x28, s20, s20, $0xb8;
	[tilespmem:$0xEE48] =	vst v63  }
0x3b: {  	s4 =	simm.s32 $0x50  }
0x3c: {  	[tilespmem:s25], [sflag:$0x3] =	stream.indirect.gather [hbm4b:s0+s20], $0x28, s4, s20, $0xb8;
	[tilespmem:$0xEE48] =	vst v63  }
0x3d: {  	s17 =	simm.s32 $0x78  }
0x3e: {  	[tilespmem:s14], [sflag:$0x4] =	stream.indirect.gather [hbm4b:s0+s20], $0x28, s17, s20, $0xb8;
	[tilespmem:$0xEE48] =	vst v63  }
0x3f: {  	s21 =	simm.s32 $0xA0  }
0x40: {  	[tilespmem:s23], [sflag:$0x5] =	stream.indirect.gather [hbm4b:s0+s20], $0x28, s21, s20, $0xb8;
	[tilespmem:$0xEE48] =	vst v63  }
0x41: {  	s29 =	simm.s32 $0xC8  }
0x42: {  	[tilespmem:s30], [sflag:$0x6] =	stream.indirect.gather [hbm4b:s0+s20], $0x28, s29, s20, $0xb8;
	[tilespmem:$0xEE48] =	vst v63  }
0x43: {  	s4 =	simm.s32 $0xF0  }
0x44: {  	[tilespmem:s13], [sflag:$0x7] =	stream.indirect.gather [hbm4b:s0+s20], $0x28, s4, s20, $0xb8;
	[tilespmem:$0xEE48] =	vst v63  }
0x45: {  	s17 =	simm.s32 $0x118  }
0x46: {  	[tilespmem:s7], [sflag:$0x8] =	stream.indirect.gather [hbm4b:s0+s20], $0x28, s17, s20, $0xb8;
	[tilespmem:$0xEE48] =	vst v63  }
0x47: {  	s21 =	simm.s32 $0x140;
	s29 =	simm.s32 $0x16  }
0x48: {  	[tilespmem:s1], [sflag:$0x9] =	stream.indirect.gather [hbm4b:s0+s20], $0x28, s21, s20, $0xb8;
	[tilespmem:$0xEE48] =	vst v63  }
0x49: {  	_ =	swait.ge [sflag:s29], $0xC30  }
0x4a: {  	[sflag:s29] =	ssyncset.done $0x0  }
0x4b: {  	s24 =	simm.s32 @!p0 $0x16;
	[sflag:s29] =	ssyncadd.s32 $0xFFFFF3D0  }
0x4c: {  	_ =	swait.ge @!p0 [sflag:s24], $0x50  }
0x4d: {  	[sflag:s24] =	ssyncset.done @!p0 $0x0  }
0x4e: {  	[sflag:s24] =	ssyncadd.s32 @!p0 $0xFFFFFFB0  }
0x4f: {  	[bflag:$0x0] =	sbarrier.arrive $0xFFFF  }
0x50: {  	_ =	swait.ge [sflag:s5], $0x640  }
0x51: {  	[sflag:s5] =	ssyncset.done $0x0  }
0x52: {  	[sflag:s5] =	ssyncadd.s32 $0xFFFFF9C0  }
0x53: {  	[spmem:s2] =	stream.indirect.scatter.add.f32 [tilespmem:s26], [sflag:$0xB], $0x28, s3, s20, $0xb8;
	[tilespmem:$0xEE48] =	vst v63  }
0x54: {  	s1 =	simm.s32 $0x168  }
0x55: {  	[tilespmem:s31], [sflag:$0xA] =	stream.indirect.gather [hbm4b:s0+s20], $0x28, s1, s20, $0xb8;
	[tilespmem:$0xEE48] =	vst v63  }
0x56: {  	_ =	swait.ge [sflag:s6], $0x640  }
0x57: {  	[sflag:s6] =	ssyncset.done $0x0  }
0x58: {  	s7 =	simm.s32 $0xB;
	s3 =	simm.s32 $0x2738;
	[sflag:s6] =	ssyncadd.s32 $0xFFFFF9C0  }
0x59: {  	[spmem:s2] =	stream.indirect.scatter.add.f32 [tilespmem:s11], [sflag:$0xC], $0x28, s3, s20, $0xb8;
	[tilespmem:$0xEE48] =	vst v63  }
0x5a: {  	_ =	swait.ge [sflag:s7], $0x640  }
0x5b: {  	[sflag:s7] =	ssyncset.done $0x0  }
0x5c: {  	s4 =	simm.s32 $0x190;
	[sflag:s7] =	ssyncadd.s32 $0xFFFFF9C0  }
0x5d: {  	[tilespmem:s26], [sflag:$0x1] =	stream.indirect.gather [hbm4b:s0+s20], $0x28, s4, s20, $0xb8;
	[tilespmem:$0xEE48] =	vst v63  }
0x5e: {  	_ =	swait.ge [sflag:s9], $0x640  }
0x5f: {  	[sflag:s9] =	ssyncset.done $0x0  }
0x60: {  	s24 =	simm.s32 $0x2760;
	[sflag:s9] =	ssyncadd.s32 $0xFFFFF9C0  }
0x61: {  	[spmem:s2] =	stream.indirect.scatter.add.f32 [tilespmem:s25], [sflag:$0xD], $0x28, s24, s20, $0xb8;
	[tilespmem:$0xEE48] =	vst v63  }
0x62: {  	_ =	swait.ge [sflag:s16], $0x640  }
0x63: {  	[sflag:s16] =	ssyncset.done $0x0  }
0x64: {  	s24 =	simm.s32 $0x1B8;
	[sflag:s16] =	ssyncadd.s32 $0xFFFFF9C0  }
0x65: {  	[tilespmem:s11], [sflag:$0x2] =	stream.indirect.gather [hbm4b:s0+s20], $0x28, s24, s20, $0xb8;
	[tilespmem:$0xEE48] =	vst v63  }
0x66: {  	_ =	swait.ge [sflag:s12], $0x640  }
0x67: {  	[sflag:s12] =	ssyncset.done $0x0  }
0x68: {  	s11 =	simm.s32 $0x2788;
	[sflag:s12] =	ssyncadd.s32 $0xFFFFF9C0  }
0x69: {  	[spmem:s2] =	stream.indirect.scatter.add.f32 [tilespmem:s14], [sflag:$0xE], $0x28, s11, s20, $0xb8;
	[tilespmem:$0xEE48] =	vst v63  }
0x6a: {  	_ =	swait.ge [sflag:s15], $0x640  }
0x6b: {  	[sflag:s15] =	ssyncset.done $0x0  }
0x6c: {  	s11 =	simm.s32 $0x1E0;
	[sflag:s15] =	ssyncadd.s32 $0xFFFFF9C0  }
0x6d: {  	[tilespmem:s25], [sflag:$0x3] =	stream.indirect.gather [hbm4b:s0+s20], $0x28, s11, s20, $0xb8;
	[tilespmem:$0xEE48] =	vst v63  }
0x6e: {  	_ =	swait.ge [sflag:s18], $0x640  }
0x6f: {  	[sflag:s18] =	ssyncset.done $0x0  }
0x70: {  	s3 =	simm.s32 $0xE;
	s11 =	simm.s32 $0x27B0;
	[sflag:s18] =	ssyncadd.s32 $0xFFFFF9C0  }
0x71: {  	[spmem:s2] =	stream.indirect.scatter.add.f32 [tilespmem:s23], [sflag:$0xF], $0x28, s11, s20, $0xb8;
	[tilespmem:$0xEE48] =	vst v63  }
0x72: {  	_ =	swait.ge [sflag:s3], $0x640  }
0x73: {  	[sflag:s3] =	ssyncset.done $0x0  }
0x74: {  	s25 =	simm.s32 $0x208;
	[sflag:s3] =	ssyncadd.s32 $0xFFFFF9C0  }
0x75: {  	[tilespmem:s14], [sflag:$0x4] =	stream.indirect.gather [hbm4b:s0+s20], $0x28, s25, s20, $0xb8;
	[tilespmem:$0xEE48] =	vst v63  }
0x76: {  	_ =	swait.ge [sflag:s8], $0x640  }
0x77: {  	[sflag:s8] =	ssyncset.done $0x0  }
0x78: {  	s11 =	simm.s32 $0x27D8;
	[sflag:s8] =	ssyncadd.s32 $0xFFFFF9C0  }
0x79: {  	[spmem:s2] =	stream.indirect.scatter.add.f32 [tilespmem:s30], [sflag:$0x10], $0x28, s11, s20, $0xb8;
	[tilespmem:$0xEE48] =	vst v63  }
0x7a: {  	_ =	swait.ge [sflag:s28], $0x640  }
0x7b: {  	[sflag:s28] =	ssyncset.done $0x0  }
0x7c: {  	s14 =	simm.s32 $0x230;
	[sflag:s28] =	ssyncadd.s32 $0xFFFFF9C0  }
0x7d: {  	[tilespmem:s23], [sflag:$0x5] =	stream.indirect.gather [hbm4b:s0+s20], $0x28, s14, s20, $0xb8;
	[tilespmem:$0xEE48] =	vst v63  }
0x7e: {  	_ =	swait.ge [sflag:s10], $0x640  }
0x7f: {  	[sflag:s10] =	ssyncset.done $0x0  }
0x80: {  	s21 =	simm.s32 $0x10;
	s25 =	simm.s32 $0x2800;
	[sflag:s10] =	ssyncadd.s32 $0xFFFFF9C0  }
0x81: {  	[spmem:s2] =	stream.indirect.scatter.add.f32 [tilespmem:s13], [sflag:$0x11], $0x28, s25, s20, $0xb8;
	[tilespmem:$0xEE48] =	vst v63  }
0x82: {  	_ =	swait.ge [sflag:s21], $0x640  }
0x83: {  	[sflag:s21] =	ssyncset.done $0x0  }
0x84: {  	s11 =	simm.s32 $0x258;
	[sflag:s21] =	ssyncadd.s32 $0xFFFFF9C0  }
0x85: {  	[tilespmem:s30], [sflag:$0x6] =	stream.indirect.gather [hbm4b:s0+s20], $0x28, s11, s20, $0xb8;
	[tilespmem:$0xEE48] =	vst v63  }
0x86: {  	_ =	swait.ge [sflag:s19], $0x640  }
0x87: {  	s17 =	simm.s32 $0x11;
	[sflag:s19] =	ssyncset.done $0x0  }
0x88: {  	s14 =	simm.s32 $0x2828;
	s21 =	simm.s32 $0x79E0;
	[sflag:s19] =	ssyncadd.s32 $0xFFFFF9C0  }
0x89: {  	[spmem:s2] =	stream.indirect.scatter.add.f32 [tilespmem:s21], [sflag:$0x12], $0x28, s14, s20, $0xb8;
	[tilespmem:$0xEE48] =	vst v63  }
0x8a: {  	_ =	swait.ge [sflag:s17], $0x640  }
0x8b: {  	[sflag:s17] =	ssyncset.done $0x0  }
0x8c: {  	s25 =	simm.s32 $0x280;
	[sflag:s17] =	ssyncadd.s32 $0xFFFFF9C0  }
0x8d: {  	[tilespmem:s13], [sflag:$0x7] =	stream.indirect.gather [hbm4b:s0+s20], $0x28, s25, s20, $0xb8;
	[tilespmem:$0xEE48] =	vst v63  }
0x8e: {  	_ =	swait.ge [sflag:s22], $0x640  }
0x8f: {  	s1 =	simm.s32 $0x12;
	[sflag:s22] =	ssyncset.done $0x0  }
0x90: {  	s11 =	simm.s32 $0x2850;
	s13 =	simm.s32 $0x8020;
	[sflag:s22] =	ssyncadd.s32 $0xFFFFF9C0  }
0x91: {  	[spmem:s2] =	stream.indirect.scatter.add.f32 [tilespmem:s13], [sflag:$0x13], $0x28, s11, s20, $0xb8;
	[tilespmem:$0xEE48] =	vst v63  }
0x92: {  	_ =	swait.ge [sflag:s1], $0x640  }
0x93: {  	s4 =	simm.s32 $0xA;
	[sflag:s1] =	ssyncset.done $0x0  }
0x94: {  	s23 =	simm.s32 $0x79E0;
	s17 =	simm.s32 $0x2A8;
	[sflag:s1] =	ssyncadd.s32 $0xFFFFF9C0  }
0x95: {  	[tilespmem:s23], [sflag:$0x8] =	stream.indirect.gather [hbm4b:s0+s20], $0x28, s17, s20, $0xb8;
	[tilespmem:$0xEE48] =	vst v63  }
0x96: {  	_ =	swait.ge [sflag:s4], $0x640  }
0x97: {  	[sflag:s4] =	ssyncset.done $0x0  }
0x98: {  	s29 =	simm.s32 $0x13;
	s21 =	simm.s32 $0x2878;
	[sflag:s4] =	ssyncadd.s32 $0xFFFFF9C0  }
0x99: {  	[spmem:s2] =	stream.indirect.scatter.add.f32 [tilespmem:s31], [sflag:$0x14], $0x28, s21, s20, $0xb8;
	[tilespmem:$0xEE48] =	vst v63  }
0x9a: {  	_ =	swait.ge [sflag:s29], $0x640  }
0x9b: {  	[sflag:s29] =	ssyncset.done $0x0  }
0x9c: {  	s23 =	simm.s32 $0x2D0;
	[sflag:s29] =	ssyncadd.s32 $0xFFFFF9C0  }
0x9d: {  	[tilespmem:s13], [sflag:$0x9] =	stream.indirect.gather [hbm4b:s0+s20], $0x28, s23, s20, $0xb8;
	[tilespmem:$0xEE48] =	vst v63  }
0x9e: {  	s24 =	simm.s32 $0x640;
	s30 =	simm.s32 $0x6D60;
	_ =	swait.ge [sflag:s5], $0x640  }
0x9f: {  	s14 =	simm.s32 $0x60E0;
	s25 =	simm.s32 $0x28A0;
	[sflag:s5] =	ssyncset.done $0x0  }
0xa0: {  	s11 =	simm.s32 $0x5460;
	s29 =	simm.s32 $0x14;
	[sflag:s5] =	ssyncadd.s32 $0xFFFFF9C0  }
0xa1: {  	[spmem:s2] =	stream.indirect.scatter.add.f32 [tilespmem:s26], [sflag:$0xB], $0x28, s25, s20, $0xb8;
	[tilespmem:$0xEE48] =	vst v63  }
0xa2: {  	s1 =	simm.s32 $0x79E0;
	s23 =	simm.s32 $0x6720;
	_ =	swait.ge [sflag:s29], $0x640  }
0xa3: {  	s13 =	simm.s32 $0x73A0;
	s5 =	simm.s32 $0x1;
	[sflag:s29] =	ssyncset.done $0x0  }
0xa4: {  	s26 =	simm.s32 $0x2F8;
	s25 =	simm.s32 $0x5AA0;
	[sflag:s29] =	ssyncadd.s32 $0xFFFFF9C0  }
.LBB2_2:
0xa5: {  	[tilespmem:s31], [sflag:$0xA] =	stream.indirect.gather [hbm4b:s0+s20], $0x28, s26, s20, $0xb8;
	[tilespmem:$0xEE48] =	vst v63  }
0xa6: {  	s26 =	smov.u32 s24  }
0xa7: {  	p3 =	sne.s32 s24, $0x8FC0;
	s24 =	sadd.s32 $0x640, s24;
	_ =	swait.ge [sflag:s6], $0x640  }
0xa8: {  	s31 =	simm.s32 $0x4E20;
	s26 =	sshra.s32 s26, $0x2;
	[sflag:s6] =	ssyncset.done $0x0  }
0xa9: {  	s29 =	sadd.s32 $0x2738, s26;
	[sflag:s6] =	ssyncadd.s32 $0xFFFFF9C0;
	s6 =	simm.s32 $0x8660  }
0xaa: {  	[spmem:s2] =	stream.indirect.scatter.add.f32 [tilespmem:s11], [sflag:$0xC], $0x28, s29, s20, $0xb8;
	[tilespmem:$0xEE48] =	vst v63  }
0xab: {  	_ =	swait.ge [sflag:s7], $0x640  }
0xac: {  	[sflag:s7] =	ssyncset.done $0x0  }
0xad: {  	s29 =	sadd.s32 $0x190, s26;
	[sflag:s7] =	ssyncadd.s32 $0xFFFFF9C0  }
0xae: {  	[tilespmem:s31], [sflag:$0x1] =	stream.indirect.gather [hbm4b:s0+s20], $0x28, s29, s20, $0xb8;
	[tilespmem:$0xEE48] =	vst v63  }
0xaf: {  	_ =	swait.ge [sflag:s9], $0x640  }
0xb0: {  	[sflag:s9] =	ssyncset.done $0x0  }
0xb1: {  	s29 =	sadd.s32 $0x2760, s26;
	[sflag:s9] =	ssyncadd.s32 $0xFFFFF9C0  }
0xb2: {  	[spmem:s2] =	stream.indirect.scatter.add.f32 [tilespmem:s25], [sflag:$0xD], $0x28, s29, s20, $0xb8;
	[tilespmem:$0xEE48] =	vst v63  }
0xb3: {  	_ =	swait.ge [sflag:s16], $0x640  }
0xb4: {  	[sflag:s16] =	ssyncset.done $0x0  }
0xb5: {  	s29 =	sadd.s32 $0x1B8, s26;
	[sflag:s16] =	ssyncadd.s32 $0xFFFFF9C0  }
0xb6: {  	[tilespmem:s11], [sflag:$0x2] =	stream.indirect.gather [hbm4b:s0+s20], $0x28, s29, s20, $0xb8;
	[tilespmem:$0xEE48] =	vst v63  }
0xb7: {  	_ =	swait.ge [sflag:s12], $0x640  }
0xb8: {  	[sflag:s12] =	ssyncset.done $0x0  }
0xb9: {  	s29 =	sadd.s32 $0x2788, s26;
	[sflag:s12] =	ssyncadd.s32 $0xFFFFF9C0  }
0xba: {  	[spmem:s2] =	stream.indirect.scatter.add.f32 [tilespmem:s14], [sflag:$0xE], $0x28, s29, s20, $0xb8;
	[tilespmem:$0xEE48] =	vst v63  }
0xbb: {  	_ =	swait.ge [sflag:s15], $0x640  }
0xbc: {  	[sflag:s15] =	ssyncset.done $0x0  }
0xbd: {  	s29 =	sadd.s32 $0x1E0, s26;
	[sflag:s15] =	ssyncadd.s32 $0xFFFFF9C0  }
0xbe: {  	[tilespmem:s25], [sflag:$0x3] =	stream.indirect.gather [hbm4b:s0+s20], $0x28, s29, s20, $0xb8;
	[tilespmem:$0xEE48] =	vst v63  }
0xbf: {  	_ =	swait.ge [sflag:s18], $0x640  }
0xc0: {  	[sflag:s18] =	ssyncset.done $0x0  }
0xc1: {  	s29 =	sadd.s32 $0x27B0, s26;
	[sflag:s18] =	ssyncadd.s32 $0xFFFFF9C0  }
0xc2: {  	[spmem:s2] =	stream.indirect.scatter.add.f32 [tilespmem:s23], [sflag:$0xF], $0x28, s29, s20, $0xb8;
	[tilespmem:$0xEE48] =	vst v63  }
0xc3: {  	_ =	swait.ge [sflag:s3], $0x640  }
0xc4: {  	[sflag:s3] =	ssyncset.done $0x0  }
0xc5: {  	s29 =	sadd.s32 $0x208, s26;
	[sflag:s3] =	ssyncadd.s32 $0xFFFFF9C0  }
0xc6: {  	[tilespmem:s14], [sflag:$0x4] =	stream.indirect.gather [hbm4b:s0+s20], $0x28, s29, s20, $0xb8;
	[tilespmem:$0xEE48] =	vst v63  }
0xc7: {  	_ =	swait.ge [sflag:s8], $0x640  }
0xc8: {  	[sflag:s8] =	ssyncset.done $0x0  }
0xc9: {  	s29 =	sadd.s32 $0x27D8, s26;
	[sflag:s8] =	ssyncadd.s32 $0xFFFFF9C0  }
0xca: {  	[spmem:s2] =	stream.indirect.scatter.add.f32 [tilespmem:s30], [sflag:$0x10], $0x28, s29, s20, $0xb8;
	[tilespmem:$0xEE48] =	vst v63  }
0xcb: {  	_ =	swait.ge [sflag:s28], $0x640  }
0xcc: {  	[sflag:s28] =	ssyncset.done $0x0  }
0xcd: {  	s29 =	sadd.s32 $0x230, s26;
	[sflag:s28] =	ssyncadd.s32 $0xFFFFF9C0  }
0xce: {  	[tilespmem:s23], [sflag:$0x5] =	stream.indirect.gather [hbm4b:s0+s20], $0x28, s29, s20, $0xb8;
	[tilespmem:$0xEE48] =	vst v63  }
0xcf: {  	_ =	swait.ge [sflag:s10], $0x640  }
0xd0: {  	[sflag:s10] =	ssyncset.done $0x0  }
0xd1: {  	s17 =	simm.s32 $0x10;
	s29 =	sadd.s32 $0x2800, s26;
	[sflag:s10] =	ssyncadd.s32 $0xFFFFF9C0  }
0xd2: {  	[spmem:s2] =	stream.indirect.scatter.add.f32 [tilespmem:s13], [sflag:$0x11], $0x28, s29, s20, $0xb8;
	[tilespmem:$0xEE48] =	vst v63  }
0xd3: {  	_ =	swait.ge [sflag:s17], $0x640  }
0xd4: {  	[sflag:s17] =	ssyncset.done $0x0  }
0xd5: {  	s29 =	sadd.s32 $0x258, s26;
	[sflag:s17] =	ssyncadd.s32 $0xFFFFF9C0  }
0xd6: {  	[tilespmem:s30], [sflag:$0x6] =	stream.indirect.gather [hbm4b:s0+s20], $0x28, s29, s20, $0xb8;
	[tilespmem:$0xEE48] =	vst v63  }
0xd7: {  	_ =	swait.ge [sflag:s19], $0x640  }
0xd8: {  	[sflag:s19] =	ssyncset.done $0x0  }
0xd9: {  	s17 =	simm.s32 $0x11;
	s29 =	sadd.s32 $0x2828, s26;
	[sflag:s19] =	ssyncadd.s32 $0xFFFFF9C0  }
0xda: {  	[spmem:s2] =	stream.indirect.scatter.add.f32 [tilespmem:s1], [sflag:$0x12], $0x28, s29, s20, $0xb8;
	[tilespmem:$0xEE48] =	vst v63  }
0xdb: {  	_ =	swait.ge [sflag:s17], $0x640  }
0xdc: {  	[sflag:s17] =	ssyncset.done $0x0  }
0xdd: {  	s29 =	sadd.s32 $0x280, s26;
	[sflag:s17] =	ssyncadd.s32 $0xFFFFF9C0  }
0xde: {  	[tilespmem:s13], [sflag:$0x7] =	stream.indirect.gather [hbm4b:s0+s20], $0x28, s29, s20, $0xb8;
	[tilespmem:$0xEE48] =	vst v63  }
0xdf: {  	_ =	swait.ge [sflag:s22], $0x640  }
0xe0: {  	[sflag:s22] =	ssyncset.done $0x0  }
0xe1: {  	s17 =	simm.s32 $0x8020;
	s29 =	sadd.s32 $0x2850, s26;
	[sflag:s22] =	ssyncadd.s32 $0xFFFFF9C0  }
0xe2: {  	[spmem:s2] =	stream.indirect.scatter.add.f32 [tilespmem:s17], [sflag:$0x13], $0x28, s29, s20, $0xb8;
	[tilespmem:$0xEE48] =	vst v63  }
0xe3: {  	s29 =	simm.s32 $0x12  }
0xe4: {  	_ =	swait.ge [sflag:s29], $0x640  }
0xe5: {  	[sflag:s29] =	ssyncset.done $0x0  }
0xe6: {  	[sflag:s29] =	ssyncadd.s32 $0xFFFFF9C0;
	s29 =	sadd.s32 $0x2A8, s26  }
0xe7: {  	[tilespmem:s1], [sflag:$0x8] =	stream.indirect.gather [hbm4b:s0+s20], $0x28, s29, s20, $0xb8;
	[tilespmem:$0xEE48] =	vst v63  }
0xe8: {  	_ =	swait.ge [sflag:s4], $0x640  }
0xe9: {  	[sflag:s4] =	ssyncset.done $0x0  }
0xea: {  	s29 =	sadd.s32 $0x2878, s26;
	[sflag:s4] =	ssyncadd.s32 $0xFFFFF9C0  }
0xeb: {  	[spmem:s2] =	stream.indirect.scatter.add.f32 [tilespmem:s6], [sflag:$0x14], $0x28, s29, s20, $0xb8;
	[tilespmem:$0xEE48] =	vst v63  }
0xec: {  	s6 =	simm.s32 $0x2;
	s29 =	simm.s32 $0x13  }
0xed: {  	_ =	swait.ge [sflag:s29], $0x640  }
0xee: {  	[sflag:s29] =	ssyncset.done $0x0  }
0xef: {  	s21 =	simm.s32 $0x8020;
	[sflag:s29] =	ssyncadd.s32 $0xFFFFF9C0;
	s29 =	sadd.s32 $0x2D0, s26  }
0xf0: {  	[tilespmem:s17], [sflag:$0x9] =	stream.indirect.gather [hbm4b:s0+s20], $0x28, s29, s20, $0xb8;
	[tilespmem:$0xEE48] =	vst v63  }
0xf1: {  	_ =	swait.ge [sflag:s5], $0x640  }
0xf2: {  	[sflag:s5] =	ssyncset.done $0x0  }
0xf3: {  	s29 =	sadd.s32 $0x28A0, s26;
	[sflag:s5] =	ssyncadd.s32 $0xFFFFF9C0  }
0xf4: {  	[spmem:s2] =	stream.indirect.scatter.add.f32 [tilespmem:s31], [sflag:$0xB], $0x28, s29, s20, $0xb8;
	[tilespmem:$0xEE48] =	vst v63  }
.Ltmp2:
0xf5: {  	_ = 	snop;
	(pc) =	sbr.rel @p3 .LBB2_2-.Ltmp2, $4  }
0xf6: {  	s29 =	simm.s32 $0x14;
	s31 =	simm.s32 $0x8660  }
0xf7: {  	_ =	swait.ge [sflag:s29], $0x640  }
0xf8: {  	[sflag:s29] =	ssyncset.done $0x0  }
0xf9: {  	s26 =	sadd.s32 $0x2F8, s26;
	[sflag:s29] =	ssyncadd.s32 $0xFFFFF9C0  }
0xfa: {  	[tilespmem:s31], [sflag:$0xA] =	stream.indirect.gather [hbm4b:s0+s20], $0x28, s26, s20, $0xb8;
	[tilespmem:$0xEE48] =	vst v63  }
0xfb: {  	_ =	swait.ge [sflag:s6], $0x640  }
0xfc: {  	[sflag:s6] =	ssyncset.done $0x0  }
0xfd: {  	s5 =	simm.s32 $0x4CB8;
	[sflag:s6] =	ssyncadd.s32 $0xFFFFF9C0  }
0xfe: {  	[spmem:s2] =	stream.indirect.scatter.add.f32 [tilespmem:s11], [sflag:$0xC], $0x28, s5, s20, $0xb8;
	[tilespmem:$0xEE48] =	vst v63  }
0xff: {  	_ =	swait.ge [sflag:s9], $0x640  }
0x100: {  	[sflag:s9] =	ssyncset.done $0x0  }
0x101: {  	s17 =	simm.s32 $0x4CE0;
	[sflag:s9] =	ssyncadd.s32 $0xFFFFF9C0  }
0x102: {  	[spmem:s2] =	stream.indirect.scatter.add.f32 [tilespmem:s25], [sflag:$0xD], $0x28, s17, s20, $0xb8;
	[tilespmem:$0xEE48] =	vst v63  }
0x103: {  	_ =	swait.ge [sflag:s12], $0x640  }
0x104: {  	[sflag:s12] =	ssyncset.done $0x0  }
0x105: {  	s24 =	simm.s32 $0x4D08;
	[sflag:s12] =	ssyncadd.s32 $0xFFFFF9C0  }
0x106: {  	[spmem:s2] =	stream.indirect.scatter.add.f32 [tilespmem:s14], [sflag:$0xE], $0x28, s24, s20, $0xb8;
	[tilespmem:$0xEE48] =	vst v63  }
0x107: {  	_ =	swait.ge [sflag:s18], $0x640  }
0x108: {  	[sflag:s18] =	ssyncset.done $0x0  }
0x109: {  	s25 =	simm.s32 $0x4D30;
	[sflag:s18] =	ssyncadd.s32 $0xFFFFF9C0  }
0x10a: {  	[spmem:s2] =	stream.indirect.scatter.add.f32 [tilespmem:s23], [sflag:$0xF], $0x28, s25, s20, $0xb8;
	[tilespmem:$0xEE48] =	vst v63  }
0x10b: {  	_ =	swait.ge [sflag:s8], $0x640  }
0x10c: {  	[sflag:s8] =	ssyncset.done $0x0  }
0x10d: {  	s26 =	simm.s32 $0x4D58;
	[sflag:s8] =	ssyncadd.s32 $0xFFFFF9C0  }
0x10e: {  	[spmem:s2] =	stream.indirect.scatter.add.f32 [tilespmem:s30], [sflag:$0x10], $0x28, s26, s20, $0xb8;
	[tilespmem:$0xEE48] =	vst v63  }
0x10f: {  	_ =	swait.ge [sflag:s10], $0x640  }
0x110: {  	[sflag:s10] =	ssyncset.done $0x0  }
0x111: {  	s11 =	simm.s32 $0x4D80;
	[sflag:s10] =	ssyncadd.s32 $0xFFFFF9C0  }
0x112: {  	[spmem:s2] =	stream.indirect.scatter.add.f32 [tilespmem:s13], [sflag:$0x11], $0x28, s11, s20, $0xb8;
	[tilespmem:$0xEE48] =	vst v63  }
0x113: {  	_ =	swait.ge [sflag:s19], $0x640  }
0x114: {  	[sflag:s19] =	ssyncset.done $0x0  }
0x115: {  	s14 =	simm.s32 $0x4DA8;
	[sflag:s19] =	ssyncadd.s32 $0xFFFFF9C0  }
0x116: {  	[spmem:s2] =	stream.indirect.scatter.add.f32 [tilespmem:s1], [sflag:$0x12], $0x28, s14, s20, $0xb8;
	[tilespmem:$0xEE48] =	vst v63  }
0x117: {  	_ =	swait.ge [sflag:s22], $0x640  }
0x118: {  	[sflag:s22] =	ssyncset.done $0x0  }
0x119: {  	s17 =	simm.s32 $0x4DD0;
	[sflag:s22] =	ssyncadd.s32 $0xFFFFF9C0  }
0x11a: {  	[spmem:s2] =	stream.indirect.scatter.add.f32 [tilespmem:s21], [sflag:$0x13], $0x28, s17, s20, $0xb8;
	[tilespmem:$0xEE48] =	vst v63  }
0x11b: {  	_ =	swait.ge [sflag:s4], $0x640  }
0x11c: {  	[sflag:s4] =	ssyncset.done $0x0  }
0x11d: {  	s21 =	simm.s32 $0x4DF8;
	[sflag:s4] =	ssyncadd.s32 $0xFFFFF9C0  }
0x11e: {  	[spmem:s2] =	stream.indirect.scatter.add.f32 [tilespmem:s31], [sflag:$0x14], $0x28, s21, s20, $0xb8;
	[tilespmem:$0xEE48] =	vst v63  }
0x11f: {  	_ =	swait.ge [sflag:s7], $0x640  }
0x120: {  	[sflag:s7] =	ssyncset.done $0x0  }
0x121: {  	[sflag:s7] =	ssyncadd.s32 $0xFFFFF9C0  }
0x122: {  	_ =	swait.ge [sflag:s16], $0x640  }
0x123: {  	[sflag:s16] =	ssyncset.done $0x0  }
0x124: {  	[sflag:s16] =	ssyncadd.s32 $0xFFFFF9C0  }
0x125: {  	_ =	swait.ge [sflag:s15], $0x640  }
0x126: {  	[sflag:s15] =	ssyncset.done $0x0  }
0x127: {  	[sflag:s15] =	ssyncadd.s32 $0xFFFFF9C0  }
0x128: {  	_ =	swait.ge [sflag:s3], $0x640  }
0x129: {  	[sflag:s3] =	ssyncset.done $0x0  }
0x12a: {  	[sflag:s3] =	ssyncadd.s32 $0xFFFFF9C0  }
0x12b: {  	_ =	swait.ge [sflag:s28], $0x640  }
0x12c: {  	[sflag:s28] =	ssyncset.done $0x0  }
0x12d: {  	s23 =	simm.s32 $0x10;
	[sflag:s28] =	ssyncadd.s32 $0xFFFFF9C0  }
0x12e: {  	_ =	swait.ge [sflag:s23], $0x640  }
0x12f: {  	[sflag:s23] =	ssyncset.done $0x0  }
0x130: {  	s24 =	simm.s32 $0x11;
	[sflag:s23] =	ssyncadd.s32 $0xFFFFF9C0  }
0x131: {  	_ =	swait.ge [sflag:s24], $0x640  }
0x132: {  	[sflag:s24] =	ssyncset.done $0x0  }
0x133: {  	s25 =	simm.s32 $0x12;
	[sflag:s24] =	ssyncadd.s32 $0xFFFFF9C0  }
0x134: {  	_ =	swait.ge [sflag:s25], $0x640  }
0x135: {  	[sflag:s25] =	ssyncset.done $0x0  }
0x136: {  	s26 =	simm.s32 $0x13;
	[sflag:s25] =	ssyncadd.s32 $0xFFFFF9C0  }
0x137: {  	_ =	swait.ge [sflag:s26], $0x640  }
0x138: {  	[sflag:s26] =	ssyncset.done $0x0  }
0x139: {  	[sflag:s26] =	ssyncadd.s32 $0xFFFFF9C0  }
0x13a: {  	_ =	swait.ge [sflag:s29], $0x640  }
.Ltmp3:
0x13b: {  	[sflag:s29] =	ssyncset.done $0x0;
	(pc) =	sbr.rel @!p1 .LBB2_4-.Ltmp3, $4  }
0x13c: {  	s30 =	simm.s32 $0x6D60;
	s11 =	simm.s32 $0x5460;
	[sflag:s29] =	ssyncadd.s32 $0xFFFFF9C0  }
0x13d: {  	s13 =	simm.s32 $0x73A0;
	s14 =	simm.s32 $0x60E0;
	[bflag:$0x0] =	sbarrier.arrive $0xFFFF  }
0x13e: {  	s1 =	simm.s32 $0x8020;
	s7 =	simm.s32 $0x79E0;
	s26 =	rddreg [dreg:$0x8]  }
0x13f: {  	s23 =	simm.s32 $0x6720;
	s25 =	simm.s32 $0x5AA0;
	s24 =	sor.u32 $0x1C17, s26  }
0x140: {  	s21 =	rddreg [dreg:$0xe]  }
0x141: {  	s24 =	sor.u32 $0x1C17, s26;
	s29 =	rddreg [dreg:$0x10]  }
0x142: {  	[hbm:s21], [sflag:s24] =	dma.local [spmem:s29], $0xC30  }
.Ltmp4:
0x143: {  	_ = 	snop;
	(pc) =	sbr.rel @p0 .LBB2_7-.Ltmp4, $4  }
.Ltmp5:
0x144: {  	s3 =	simm.s32 $0x17;
	(pc) =	sbr.rel @!p0 .LBB2_6-.Ltmp5, $4  }
0x145: {  	_ =	swait.ge [sflag:s3], $0xC30  }
0x146: {  	[sflag:s3] =	ssyncset.done $0x0;
	s26 =	rddreg [dreg:$0x5]  }
0x147: {  	s5 =	simm.s32 $0x1;
	s4 =	rddreg [dreg:$0x12];
	[sflag:s3] =	ssyncadd.s32 $0xFFFFF3D0  }
0x148: {  	_ = 	snop  }
.LBB2_4:
0x149: {  	s26 =	rddreg [dreg:$0xd]  }
0x14a: {  	s29 =	rddreg [dreg:$0x10]  }
0x14b: {  	[hbm:s26], [sflag:s24] =	dma.local [spmem:s29], $0xC30  }
.Ltmp6:
0x14c: {  	_ = 	snop;
	(pc) =	sbr.rel @!p2 .LBB2_7-.Ltmp6, $4  }
.Ltmp7:
0x14d: {  	s3 =	simm.s32 $0x17;
	(pc) =	sbr.rel @p2 .LBB2_6-.Ltmp7, $4  }
0x14e: {  	_ =	swait.ge [sflag:s3], $0xC30  }
0x14f: {  	[sflag:s3] =	ssyncset.done $0x0;
	s26 =	rddreg [dreg:$0x4]  }
0x150: {  	s5 =	simm.s32 $0x1;
	s4 =	rddreg [dreg:$0x12];
	[sflag:s3] =	ssyncadd.s32 $0xFFFFF3D0  }
0x151: {  	_ = 	snop  }
.LBB2_8:
0x152: {  	_ =	sfence.sel $0x180000  }
0x153: {  	[bflag:$0x0] =	sbarrier.arrive $0xFFFF  }
0x154: {  	_ =	strace $0x9000004A  }
0x155: {  	[bflag:$0x2] =	sbarrier.arrive $0xFFFF  }
0x156: {  	s0 =	rddreg [dreg:$0x3]  }
0x157: {  	s0 =	sadd.s32 @!p0 $0x100000, s0  }
0x158: {  	[sflag:s0] =	ssyncadd.tile.s32 @!p0 $0x1;
	_ =	shalt  }
.Lfunc_end2:
_tile_overlayer_lowered:
.L_overlay_start_2:
0x159: {  	(tag) =	ssettag $0x2  }
0x15a: {  	s0 =	rddreg [dreg:$0x0];
	s2 =	stileid.u32  }
0x15b: {  	s1 =	rddreg [dreg:$0x1];
	p0 =	sne.s32 s2, $0x0  }
0x15c: {  	s3 =	rddreg [dreg:$0x2];
	[bflag:$0x3] =	sbarrier.arrive $0xFFFF;
	s2 =	simm.s32 @!p0 $0x1C17  }
0x15d: {  	[timem:s3], [sflag:s2] =	dma.local @!p0 [hbm:s0], s1  }
0x15e: {  	s0 =	simm.s32 @!p0 $0x17  }
0x15f: {  	_ =	swait.ge @!p0 [sflag:s0], s1  }
0x160: {  	s1 =	ssub.s32 @!p0 $0x0, s1;
	[sflag:s0] =	ssyncset.done @!p0 $0x0  }
0x161: {  	[sflag:s0] =	ssyncadd.s32 @!p0 s1  }
0x162: {  	[bflag:$0x3] =	sbarrier.arrive $0xFFFF  }
0x163: {  	_ =	shalt  }

</sc_bundles>
